<compile_context>
chip_gen: v7x
topology: tpu7x:2x2x1
jax: 0.10.2.dev20260603
libtpu: 0.0.44.dev20260713+nightly
codegen_flags: <defaults>
</compile_context>

<pallas_src>
import functools

import jax
import jax.numpy as jnp
from jax import lax
from jax.experimental import pallas as pl
from jax.experimental.pallas import tpu as pltpu
from jax.experimental.pallas import tpu_sc as plsc

N_NODES = 10000
NPAD = 10240
D = 128
E = 320000
G = 64

NC, NS, L = 2, 16, 16
NW = NC * NS
CHUNK = 128
NFULL = 80
EROWS = NW * NFULL
EPAD = EROWS * CHUNK - E
ROWS_PER_TILE = NPAD // NS

BR = 1024
GR = NPAD // BR



def _fill(buf, nrows, ncols, value):
    v = jnp.full((L,), value, jnp.float32)

    def row(r, carry):
        for c in range(ncols // L):
            buf[r, pl.ds(c * L, L)] = v
        return carry

    lax.fori_loop(0, nrows, row, 0)


def _deg_body(dst_hbm, out_hbm, dst_all, ones_v, acc):
    cid = lax.axis_index("c")
    sid = lax.axis_index("s")
    wid = cid * NS + sid

    _fill(ones_v, CHUNK, D, 0.0)
    r0 = sid * ROWS_PER_TILE
    for k in range(ROWS_PER_TILE // CHUNK):
        pltpu.sync_copy(ones_v, acc.at[pl.ds(r0 + k * CHUNK, CHUNK)])
    _fill(ones_v, CHUNK, D, 1.0)
    plsc.subcore_barrier()

    pltpu.sync_copy(dst_hbm.at[pl.ds(wid * NFULL, NFULL)], dst_all)

    def chunk(j, carry):
        pltpu.sync_copy(ones_v, acc.at[dst_all.at[j]], add=True)
        return carry

    lax.fori_loop(0, NFULL, chunk, 0)

    plsc.subcore_barrier()
    pltpu.sync_copy(acc.at[pl.ds(r0, ROWS_PER_TILE)],
                    out_hbm.at[cid, pl.ds(r0, ROWS_PER_TILE)])


RPP = NFULL // 2


def _scatter_body(src_hbm, dst_hbm, g_hbm, out_hbm,
                  src_all, dst_all, rows0, rows1, acc, sem0, sem1):
    cid = lax.axis_index("c")
    sid = lax.axis_index("s")
    wid = cid * NS + sid

    _fill(rows0, CHUNK, D, 0.0)
    r0 = sid * ROWS_PER_TILE
    for k in range(ROWS_PER_TILE // CHUNK):
        pltpu.sync_copy(rows0, acc.at[pl.ds(r0 + k * CHUNK, CHUNK)])
    plsc.subcore_barrier()

    for ph in range(2):
        row_base = wid * NFULL + ph * RPP
        pltpu.sync_copy(src_hbm.at[pl.ds(row_base, RPP)], src_all)
        pltpu.sync_copy(dst_hbm.at[pl.ds(row_base, RPP)], dst_all)

        pltpu.async_copy(g_hbm.at[src_all.at[0]], rows0, sem0)

        def pair(it, carry):
            j = it * 2
            d1 = pltpu.async_copy(g_hbm.at[src_all.at[j + 1]], rows1, sem1)
            pltpu.make_async_copy(g_hbm.at[pl.ds(0, CHUNK)], rows0, sem0).wait()
            pltpu.sync_copy(rows0, acc.at[dst_all.at[j]], add=True)

            @pl.when(it + 1 < RPP // 2)
            def _():
                pltpu.async_copy(g_hbm.at[src_all.at[j + 2]], rows0, sem0)

            d1.wait()
            pltpu.sync_copy(rows1, acc.at[dst_all.at[j + 1]], add=True)
            return carry

        lax.fori_loop(0, RPP // 2, pair, 0)

    plsc.subcore_barrier()
    pltpu.sync_copy(acc.at[pl.ds(r0, ROWS_PER_TILE)],
                    out_hbm.at[cid, pl.ds(r0, ROWS_PER_TILE)])


@functools.cache
def _sc_kernels():
    mesh = plsc.VectorSubcoreMesh(
        core_axis_name="c", subcore_axis_name="s",
        num_cores=NC, num_subcores=NS)
    deg_kernel = pl.kernel(
        _deg_body,
        out_type=jax.ShapeDtypeStruct((NC, NPAD, D), jnp.float32),
        mesh=mesh,
        scratch_types=[
            pltpu.VMEM((NFULL, CHUNK), jnp.int32),
            pltpu.VMEM((CHUNK, D), jnp.float32),
            pltpu.VMEM_SHARED((NPAD, D), jnp.float32),
        ],
    )
    edge_scatter = pl.kernel(
        _scatter_body,
        out_type=jax.ShapeDtypeStruct((NC, NPAD, D), jnp.float32),
        mesh=mesh,
        scratch_types=[
            pltpu.VMEM((RPP, CHUNK), jnp.int32),
            pltpu.VMEM((RPP, CHUNK), jnp.int32),
            pltpu.VMEM((CHUNK, D), jnp.float32),
            pltpu.VMEM((CHUNK, D), jnp.float32),
            pltpu.VMEM_SHARED((NPAD, D), jnp.float32),
            pltpu.SemaphoreType.DMA,
            pltpu.SemaphoreType.DMA,
        ],
    )
    return deg_kernel, edge_scatter


def _tc_g1_body(x_ref, w_ref, degp_ref, g1_ref, dinv_ref):
    deg = 1.0 + degp_ref[0, :, 0:1] + degp_ref[1, :, 0:1]
    dinv = jnp.broadcast_to(lax.rsqrt(deg), (BR, D))
    h = jnp.dot(x_ref[...], w_ref[...], preferred_element_type=jnp.float32)
    g1_ref[...] = h * dinv
    dinv_ref[...] = dinv


_tc_g1 = pl.pallas_call(
    _tc_g1_body,
    grid=(GR,),
    in_specs=[
        pl.BlockSpec((BR, D), lambda i: (i, 0)),
        pl.BlockSpec((D, D), lambda i: (0, 0)),
        pl.BlockSpec((NC, BR, D), lambda i: (0, i, 0)),
    ],
    out_specs=[pl.BlockSpec((BR, D), lambda i: (i, 0))] * 2,
    out_shape=[jax.ShapeDtypeStruct((NPAD, D), jnp.float32)] * 2,
)


def _tc_g2_body(s_ref, g1_ref, dinv_ref, w_ref, b_ref, g2_ref):
    dinv = dinv_ref[...]
    z = dinv * (s_ref[0] + s_ref[1] + g1_ref[...]) + b_ref[...]
    h = jnp.maximum(z, 0.0)
    g2_ref[...] = jnp.dot(h, w_ref[...], preferred_element_type=jnp.float32) * dinv


_tc_g2 = pl.pallas_call(
    _tc_g2_body,
    grid=(GR,),
    in_specs=[
        pl.BlockSpec((NC, BR, D), lambda i: (0, i, 0)),
        pl.BlockSpec((BR, D), lambda i: (i, 0)),
        pl.BlockSpec((BR, D), lambda i: (i, 0)),
        pl.BlockSpec((D, D), lambda i: (0, 0)),
        pl.BlockSpec((1, D), lambda i: (0, 0)),
    ],
    out_specs=pl.BlockSpec((BR, D), lambda i: (i, 0)),
    out_shape=jax.ShapeDtypeStruct((NPAD, D), jnp.float32),
)


def _tc_pool_body(s_ref, g2_ref, dinv_ref, b_ref, batch_ref, out_ref, sums, counts):
    i = pl.program_id(0)
    z = dinv_ref[...] * (s_ref[0] + s_ref[1] + g2_ref[...]) + b_ref[...]
    bflat = batch_ref[...].reshape(BR)
    oh = (lax.broadcasted_iota(jnp.int32, (G, BR), 0)
          == jnp.broadcast_to(bflat[None, :], (G, BR))).astype(jnp.float32)
    psum = jnp.dot(oh, z, preferred_element_type=jnp.float32)
    pcnt = jnp.broadcast_to(jnp.sum(oh, axis=1, keepdims=True), (G, D))

    @pl.when(i == 0)
    def _():
        sums[...] = psum
        counts[...] = pcnt

    @pl.when(i > 0)
    def _():
        sums[...] += psum
        counts[...] += pcnt

    @pl.when(i == GR - 1)
    def _():
        out_ref[...] = sums[...] / jnp.maximum(counts[...], 1.0)


_tc_pool = pl.pallas_call(
    _tc_pool_body,
    grid=(GR,),
    in_specs=[
        pl.BlockSpec((NC, BR, D), lambda i: (0, i, 0)),
        pl.BlockSpec((BR, D), lambda i: (i, 0)),
        pl.BlockSpec((BR, D), lambda i: (i, 0)),
        pl.BlockSpec((1, D), lambda i: (0, 0)),
        pl.BlockSpec((BR // D, D), lambda i: (i, 0)),
    ],
    out_specs=pl.BlockSpec((G, D), lambda i: (0, 0)),
    out_shape=jax.ShapeDtypeStruct((G, D), jnp.float32),
    scratch_shapes=[
        pltpu.VMEM((G, D), jnp.float32),
        pltpu.VMEM((G, D), jnp.float32),
    ],
)


def kernel(x, edge_index, batch, W1, b1, W2, b2):
    epad = (jnp.arange(EPAD, dtype=jnp.int32) % (NPAD - N_NODES)) + N_NODES
    src = jnp.concatenate([edge_index[0], epad]).reshape(EROWS, CHUNK)
    dst = jnp.concatenate([edge_index[1], epad]).reshape(EROWS, CHUNK)
    x_pad = jnp.pad(x, ((0, NPAD - N_NODES), (0, 0)))
    batch_pad = jnp.pad(batch, (0, NPAD - N_NODES), constant_values=jnp.int32(G))
    batch2d = batch_pad.reshape(NPAD // D, D)
    b1r = b1.reshape(1, D)
    b2r = b2.reshape(1, D)

    deg_kernel, edge_scatter = _sc_kernels()
    degp = deg_kernel(dst)
    g1, dinv = _tc_g1(x_pad, W1, degp)
    s1 = edge_scatter(src, dst, g1)
    g2 = _tc_g2(s1, g1, dinv, W2, b1r)
    s2 = edge_scatter(src, dst, g2)
    pooled = _tc_pool(s2, g2, dinv, b2r, batch2d)
    return pooled

# --- scband reference (transcript-rebuilt; emitter-appended) ---
"""Pipeline reference for scband-gnn-35631048688256 (READ-ONLY COPY).

The authoritative reference and input builder live on the scoring server;
editing this copy changes nothing except your own understanding.
"""

import jax, jax.numpy as jnp
import numpy as np

N_NODES = 10000
N_EDGES = 320000
D_IN = 128
D_HID = 128
NUM_GRAPHS = 64


def setup_inputs(seed: int = 0) -> dict:
    key = jax.random.key(seed)
    k1, k2, k3, k4, k5 = jax.random.split(key, 5)
    x = jax.random.normal(k1, (N_NODES, D_IN), dtype=jnp.float32)
    edge_index = jax.random.randint(k2, (2, N_EDGES), 0, N_NODES, dtype=jnp.int32)
    batch = jnp.sort(jax.random.randint(k3, (N_NODES,), 0, NUM_GRAPHS, dtype=jnp.int32))
    # Learned parameters for 2-layer GCN (PyG GCN: GCNConv -> ReLU -> GCNConv)
    W1 = jax.random.normal(k4, (D_IN, D_HID), dtype=jnp.float32) * 0.05
    b1 = jnp.zeros((D_HID,), dtype=jnp.float32)
    W2 = jax.random.normal(k5, (D_HID, D_HID), dtype=jnp.float32) * 0.05
    b2 = jnp.zeros((D_HID,), dtype=jnp.float32)
    return {"x": x, "edge_index": edge_index, "batch": batch,
            "W1": W1, "b1": b1, "W2": W2, "b2": b2}


def _gcn_conv(x, src, dst, W, b, n_nodes):
    # GCNConv with add_self_loops already applied to (src, dst):
    # x' = D^{-1/2} (A + I) D^{-1/2} (x W) + b
    h = x @ W
    deg = jnp.zeros((n_nodes,), dtype=x.dtype).at[dst].add(1.0)
    dinv = jnp.where(deg > 0, jax.lax.rsqrt(deg), 0.0)
    norm = dinv[src] * dinv[dst]
    msg = h[src] * norm[:, None]
    out = jax.ops.segment_sum(msg, dst, num_segments=n_nodes)
    return out + b


def reference(x, edge_index, batch, W1, b1, W2, b2):
    n_nodes = x.shape[0]
    loop = jnp.arange(n_nodes, dtype=edge_index.dtype)
    src = jnp.concatenate([edge_index[0], loop])
    dst = jnp.concatenate([edge_index[1], loop])
    h = _gcn_conv(x, src, dst, W1, b1, n_nodes)
    h = jax.nn.relu(h)
    h = _gcn_conv(h, src, dst, W2, b2, n_nodes)
    # global_mean_pool over batch ids
    sums = jax.ops.segment_sum(h, batch, num_segments=NUM_GRAPHS)
    counts = jax.ops.segment_sum(jnp.ones((n_nodes,), dtype=h.dtype), batch, num_segments=NUM_GRAPHS)
    pooled = sums / jnp.clip(counts, 1.0)[:, None]
    return pooled

if __name__ == "__main__":
    import jax
    _d = setup_inputs()
    print(jax.jit(kernel)(*tuple(_d.values())))

</pallas_src>

<mosaic_0001>
#map = affine_map<(d0, d1) -> (0, 0)>
#map1 = affine_map<(d0, d1) -> (0, 0, 0)>
module attributes {stable_mosaic.version = 14 : i64} {
  func.func @_scatter_body(%arg0: i32, %arg1: i32, %arg2: memref<2560x128xi32, #tpu.memory_space<hbm>>, %arg3: memref<2560x128xi32, #tpu.memory_space<hbm>>, %arg4: memref<10240x128xf32, #tpu.memory_space<hbm>>, %arg5: memref<2x10240x128xf32, #tpu.memory_space<hbm>>, %arg6: memref<40x128xi32, #tpu.memory_space<vmem>>, %arg7: memref<40x128xi32, #tpu.memory_space<vmem>>, %arg8: memref<128x128xf32, #tpu.memory_space<vmem>>, %arg9: memref<128x128xf32, #tpu.memory_space<vmem>>, %arg10: memref<10240x128xf32, #tpu.memory_space<vmem_shared>>, %arg11: memref<!tpu.dma_semaphore, #tpu.memory_space<semaphore_mem>>, %arg12: memref<!tpu.dma_semaphore, #tpu.memory_space<semaphore_mem>>) attributes {dimension_semantics = [#tpu.dimension_semantics<core_parallel>, #tpu.dimension_semantics<subcore_parallel>], iteration_bounds = array<i64: 2, 16>, scalar_prefetch = 0 : i64, scratch_operands = 7 : i64, tpu.core_type = #tpu.core_type<sc_vector_subcore>, window_params = [{transform_indices = #map}, {transform_indices = #map}, {transform_indices = #map}, {transform_indices = #map1}]} {
    %mul3A = arith.constant 16 : i32
    %mul3A_0 = arith.muli %arg0, %mul3A : i32
    %add3A = arith.addi %mul3A_0, %arg1 : i32
    %broadcast_in_dim3A = arith.constant 0.000000e+00 : f32
    %broadcast_in_dim3A_1 = vector.broadcast %broadcast_in_dim3A : f32 to vector<16xf32>
    %scan3A = arith.constant 0 : i32
    %scan3A_2 = arith.constant 0 : i32
    %scan3A_3 = arith.constant 128 : i32
    %scan3A_4 = arith.addi %scan3A_2, %scan3A_3 : i32
    %scan3A_5 = arith.constant 1 : i32
    scf.for %scan3A_53 = %scan3A_2 to %scan3A_4 step %scan3A_5  : i32 {
      %swap3A = arith.index_cast %scan3A_53 : i32 to index
      %swap3A_54 = arith.constant 0 : index
      %swap3A_55 = tpu.vector_load %arg8[%swap3A, %swap3A_54] {strides = array<i32>} : memref<128x128xf32, #tpu.memory_space<vmem>>, vector<1x16xf32>,
      %swap3A_56 = vector.shape_cast %swap3A_55 : vector<1x16xf32> to vector<16xf32>
      %swap3A_57 = vector.shape_cast %broadcast_in_dim3A_1 : vector<16xf32> to vector<1x16xf32>
      tpu.vector_store %arg8[%swap3A, %swap3A_54], %swap3A_57 {strides = array<i32>} : memref<128x128xf32, #tpu.memory_space<vmem>>, vector<1x16xf32>,
      %swap3A_58 = arith.index_cast %scan3A_53 : i32 to index
      %swap3A_59 = arith.constant 16 : index
      %swap3A_60 = tpu.vector_load %arg8[%swap3A_58, %swap3A_59] {strides = array<i32>} : memref<128x128xf32, #tpu.memory_space<vmem>>, vector<1x16xf32>,
      %swap3A_61 = vector.shape_cast %swap3A_60 : vector<1x16xf32> to vector<16xf32>
      %swap3A_62 = vector.shape_cast %broadcast_in_dim3A_1 : vector<16xf32> to vector<1x16xf32>
      tpu.vector_store %arg8[%swap3A_58, %swap3A_59], %swap3A_62 {strides = array<i32>} : memref<128x128xf32, #tpu.memory_space<vmem>>, vector<1x16xf32>,
      %swap3A_63 = arith.index_cast %scan3A_53 : i32 to index
      %swap3A_64 = arith.constant 32 : index
      %swap3A_65 = tpu.vector_load %arg8[%swap3A_63, %swap3A_64] {strides = array<i32>} : memref<128x128xf32, #tpu.memory_space<vmem>>, vector<1x16xf32>,
      %swap3A_66 = vector.shape_cast %swap3A_65 : vector<1x16xf32> to vector<16xf32>
      %swap3A_67 = vector.shape_cast %broadcast_in_dim3A_1 : vector<16xf32> to vector<1x16xf32>
      tpu.vector_store %arg8[%swap3A_63, %swap3A_64], %swap3A_67 {strides = array<i32>} : memref<128x128xf32, #tpu.memory_space<vmem>>, vector<1x16xf32>,
      %swap3A_68 = arith.index_cast %scan3A_53 : i32 to index
      %swap3A_69 = arith.constant 48 : index
      %swap3A_70 = tpu.vector_load %arg8[%swap3A_68, %swap3A_69] {strides = array<i32>} : memref<128x128xf32, #tpu.memory_space<vmem>>, vector<1x16xf32>,
      %swap3A_71 = vector.shape_cast %swap3A_70 : vector<1x16xf32> to vector<16xf32>
      %swap3A_72 = vector.shape_cast %broadcast_in_dim3A_1 : vector<16xf32> to vector<1x16xf32>
      tpu.vector_store %arg8[%swap3A_68, %swap3A_69], %swap3A_72 {strides = array<i32>} : memref<128x128xf32, #tpu.memory_space<vmem>>, vector<1x16xf32>,
      %swap3A_73 = arith.index_cast %scan3A_53 : i32 to index
      %swap3A_74 = arith.constant 64 : index
      %swap3A_75 = tpu.vector_load %arg8[%swap3A_73, %swap3A_74] {strides = array<i32>} : memref<128x128xf32, #tpu.memory_space<vmem>>, vector<1x16xf32>,
      %swap3A_76 = vector.shape_cast %swap3A_75 : vector<1x16xf32> to vector<16xf32>
      %swap3A_77 = vector.shape_cast %broadcast_in_dim3A_1 : vector<16xf32> to vector<1x16xf32>
      tpu.vector_store %arg8[%swap3A_73, %swap3A_74], %swap3A_77 {strides = array<i32>} : memref<128x128xf32, #tpu.memory_space<vmem>>, vector<1x16xf32>,
      %swap3A_78 = arith.index_cast %scan3A_53 : i32 to index
      %swap3A_79 = arith.constant 80 : index
      %swap3A_80 = tpu.vector_load %arg8[%swap3A_78, %swap3A_79] {strides = array<i32>} : memref<128x128xf32, #tpu.memory_space<vmem>>, vector<1x16xf32>,
      %swap3A_81 = vector.shape_cast %swap3A_80 : vector<1x16xf32> to vector<16xf32>
      %swap3A_82 = vector.shape_cast %broadcast_in_dim3A_1 : vector<16xf32> to vector<1x16xf32>
      tpu.vector_store %arg8[%swap3A_78, %swap3A_79], %swap3A_82 {strides = array<i32>} : memref<128x128xf32, #tpu.memory_space<vmem>>, vector<1x16xf32>,
      %swap3A_83 = arith.index_cast %scan3A_53 : i32 to index
      %swap3A_84 = arith.constant 96 : index
      %swap3A_85 = tpu.vector_load %arg8[%swap3A_83, %swap3A_84] {strides = array<i32>} : memref<128x128xf32, #tpu.memory_space<vmem>>, vector<1x16xf32>,
      %swap3A_86 = vector.shape_cast %swap3A_85 : vector<1x16xf32> to vector<16xf32>
      %swap3A_87 = vector.shape_cast %broadcast_in_dim3A_1 : vector<16xf32> to vector<1x16xf32>
      tpu.vector_store %arg8[%swap3A_83, %swap3A_84], %swap3A_87 {strides = array<i32>} : memref<128x128xf32, #tpu.memory_space<vmem>>, vector<1x16xf32>,
      %swap3A_88 = arith.index_cast %scan3A_53 : i32 to index
      %swap3A_89 = arith.constant 112 : index
      %swap3A_90 = tpu.vector_load %arg8[%swap3A_88, %swap3A_89] {strides = array<i32>} : memref<128x128xf32, #tpu.memory_space<vmem>>, vector<1x16xf32>,
      %swap3A_91 = vector.shape_cast %swap3A_90 : vector<1x16xf32> to vector<16xf32>
      %swap3A_92 = vector.shape_cast %broadcast_in_dim3A_1 : vector<16xf32> to vector<1x16xf32>
      tpu.vector_store %arg8[%swap3A_88, %swap3A_89], %swap3A_92 {strides = array<i32>} : memref<128x128xf32, #tpu.memory_space<vmem>>, vector<1x16xf32>,
    }
    %scan3A_6 = arith.constant 128 : i32
    %mul3A_7 = arith.constant 640 : i32
    %mul3A_8 = arith.muli %arg1, %mul3A_7 : i32
    %add3A_9 = arith.constant 0 : i32
    %add3A_10 = arith.addi %mul3A_8, %add3A_9 : i32
    "tpu.region"() ({
      %run_scoped3A = tpu.sem_alloc : memref<!tpu.dma_semaphore, #tpu.memory_space<semaphore_mem>>
      %dma_start3A_53 = arith.constant 0 : i32
      %dma_start3A_54 = tpu.memref_slice %arg10[%add3A_10, %dma_start3A_53] : memref<10240x128xf32, #tpu.memory_space<vmem_shared>> -> memref<128x128xf32, #tpu.memory_space<vmem_shared>>
      %dma_start3A_55 = arith.constant 0 : i32
      %dma_start3A_56 = tpu.memref_slice %arg10[%add3A_10, %dma_start3A_55] : memref<10240x128xf32, #tpu.memory_space<vmem_shared>> -> memref<128x128xf32, #tpu.memory_space<vmem_shared>>
      tpu.enqueue_dma source(%arg8 : memref<128x128xf32, #tpu.memory_space<vmem>>) target(%dma_start3A_56 : memref<128x128xf32, #tpu.memory_space<vmem_shared>>) target_semaphore(%run_scoped3A : memref<!tpu.dma_semaphore, #tpu.memory_space<semaphore_mem>>)
      %dma_wait3A = arith.constant 0 : i32
      %dma_wait3A_57 = tpu.memref_slice %arg10[%add3A_10, %dma_wait3A] : memref<10240x128xf32, #tpu.memory_space<vmem_shared>> -> memref<128x128xf32, #tpu.memory_space<vmem_shared>>
      %dma_wait3A_58 = arith.constant 0 : i32
      %dma_wait3A_59 = tpu.memref_slice %arg10[%add3A_10, %dma_wait3A_58] : memref<10240x128xf32, #tpu.memory_space<vmem_shared>> -> memref<128x128xf32, #tpu.memory_space<vmem_shared>>
      tpu.wait_dma2 semaphore(%run_scoped3A : memref<!tpu.dma_semaphore, #tpu.memory_space<semaphore_mem>>) src(%arg8 : memref<128x128xf32, #tpu.memory_space<vmem>>) dst(%dma_wait3A_59 : memref<128x128xf32, #tpu.memory_space<vmem_shared>>)
      tpu.yield
    }) : () -> ()
    %add3A_11 = arith.constant 128 : i32
    %add3A_12 = arith.addi %mul3A_8, %add3A_11 : i32
    "tpu.region"() ({
      %run_scoped3A = tpu.sem_alloc : memref<!tpu.dma_semaphore, #tpu.memory_space<semaphore_mem>>
      %dma_start3A_53 = arith.constant 0 : i32
      %dma_start3A_54 = tpu.memref_slice %arg10[%add3A_12, %dma_start3A_53] : memref<10240x128xf32, #tpu.memory_space<vmem_shared>> -> memref<128x128xf32, #tpu.memory_space<vmem_shared>>
      %dma_start3A_55 = arith.constant 0 : i32
      %dma_start3A_56 = tpu.memref_slice %arg10[%add3A_12, %dma_start3A_55] : memref<10240x128xf32, #tpu.memory_space<vmem_shared>> -> memref<128x128xf32, #tpu.memory_space<vmem_shared>>
      tpu.enqueue_dma source(%arg8 : memref<128x128xf32, #tpu.memory_space<vmem>>) target(%dma_start3A_56 : memref<128x128xf32, #tpu.memory_space<vmem_shared>>) target_semaphore(%run_scoped3A : memref<!tpu.dma_semaphore, #tpu.memory_space<semaphore_mem>>)
      %dma_wait3A = arith.constant 0 : i32
      %dma_wait3A_57 = tpu.memref_slice %arg10[%add3A_12, %dma_wait3A] : memref<10240x128xf32, #tpu.memory_space<vmem_shared>> -> memref<128x128xf32, #tpu.memory_space<vmem_shared>>
      %dma_wait3A_58 = arith.constant 0 : i32
      %dma_wait3A_59 = tpu.memref_slice %arg10[%add3A_12, %dma_wait3A_58] : memref<10240x128xf32, #tpu.memory_space<vmem_shared>> -> memref<128x128xf32, #tpu.memory_space<vmem_shared>>
      tpu.wait_dma2 semaphore(%run_scoped3A : memref<!tpu.dma_semaphore, #tpu.memory_space<semaphore_mem>>) src(%arg8 : memref<128x128xf32, #tpu.memory_space<vmem>>) dst(%dma_wait3A_59 : memref<128x128xf32, #tpu.memory_space<vmem_shared>>)
      tpu.yield
    }) : () -> ()
    %add3A_13 = arith.constant 256 : i32
    %add3A_14 = arith.addi %mul3A_8, %add3A_13 : i32
    "tpu.region"() ({
      %run_scoped3A = tpu.sem_alloc : memref<!tpu.dma_semaphore, #tpu.memory_space<semaphore_mem>>
      %dma_start3A_53 = arith.constant 0 : i32
      %dma_start3A_54 = tpu.memref_slice %arg10[%add3A_14, %dma_start3A_53] : memref<10240x128xf32, #tpu.memory_space<vmem_shared>> -> memref<128x128xf32, #tpu.memory_space<vmem_shared>>
      %dma_start3A_55 = arith.constant 0 : i32
      %dma_start3A_56 = tpu.memref_slice %arg10[%add3A_14, %dma_start3A_55] : memref<10240x128xf32, #tpu.memory_space<vmem_shared>> -> memref<128x128xf32, #tpu.memory_space<vmem_shared>>
      tpu.enqueue_dma source(%arg8 : memref<128x128xf32, #tpu.memory_space<vmem>>) target(%dma_start3A_56 : memref<128x128xf32, #tpu.memory_space<vmem_shared>>) target_semaphore(%run_scoped3A : memref<!tpu.dma_semaphore, #tpu.memory_space<semaphore_mem>>)
      %dma_wait3A = arith.constant 0 : i32
      %dma_wait3A_57 = tpu.memref_slice %arg10[%add3A_14, %dma_wait3A] : memref<10240x128xf32, #tpu.memory_space<vmem_shared>> -> memref<128x128xf32, #tpu.memory_space<vmem_shared>>
      %dma_wait3A_58 = arith.constant 0 : i32
      %dma_wait3A_59 = tpu.memref_slice %arg10[%add3A_14, %dma_wait3A_58] : memref<10240x128xf32, #tpu.memory_space<vmem_shared>> -> memref<128x128xf32, #tpu.memory_space<vmem_shared>>
      tpu.wait_dma2 semaphore(%run_scoped3A : memref<!tpu.dma_semaphore, #tpu.memory_space<semaphore_mem>>) src(%arg8 : memref<128x128xf32, #tpu.memory_space<vmem>>) dst(%dma_wait3A_59 : memref<128x128xf32, #tpu.memory_space<vmem_shared>>)
      tpu.yield
    }) : () -> ()
    %add3A_15 = arith.constant 384 : i32
    %add3A_16 = arith.addi %mul3A_8, %add3A_15 : i32
    "tpu.region"() ({
      %run_scoped3A = tpu.sem_alloc : memref<!tpu.dma_semaphore, #tpu.memory_space<semaphore_mem>>
      %dma_start3A_53 = arith.constant 0 : i32
      %dma_start3A_54 = tpu.memref_slice %arg10[%add3A_16, %dma_start3A_53] : memref<10240x128xf32, #tpu.memory_space<vmem_shared>> -> memref<128x128xf32, #tpu.memory_space<vmem_shared>>
      %dma_start3A_55 = arith.constant 0 : i32
      %dma_start3A_56 = tpu.memref_slice %arg10[%add3A_16, %dma_start3A_55] : memref<10240x128xf32, #tpu.memory_space<vmem_shared>> -> memref<128x128xf32, #tpu.memory_space<vmem_shared>>
      tpu.enqueue_dma source(%arg8 : memref<128x128xf32, #tpu.memory_space<vmem>>) target(%dma_start3A_56 : memref<128x128xf32, #tpu.memory_space<vmem_shared>>) target_semaphore(%run_scoped3A : memref<!tpu.dma_semaphore, #tpu.memory_space<semaphore_mem>>)
      %dma_wait3A = arith.constant 0 : i32
      %dma_wait3A_57 = tpu.memref_slice %arg10[%add3A_16, %dma_wait3A] : memref<10240x128xf32, #tpu.memory_space<vmem_shared>> -> memref<128x128xf32, #tpu.memory_space<vmem_shared>>
      %dma_wait3A_58 = arith.constant 0 : i32
      %dma_wait3A_59 = tpu.memref_slice %arg10[%add3A_16, %dma_wait3A_58] : memref<10240x128xf32, #tpu.memory_space<vmem_shared>> -> memref<128x128xf32, #tpu.memory_space<vmem_shared>>
      tpu.wait_dma2 semaphore(%run_scoped3A : memref<!tpu.dma_semaphore, #tpu.memory_space<semaphore_mem>>) src(%arg8 : memref<128x128xf32, #tpu.memory_space<vmem>>) dst(%dma_wait3A_59 : memref<128x128xf32, #tpu.memory_space<vmem_shared>>)
      tpu.yield
    }) : () -> ()
    %add3A_17 = arith.constant 512 : i32
    %add3A_18 = arith.addi %mul3A_8, %add3A_17 : i32
    "tpu.region"() ({
      %run_scoped3A = tpu.sem_alloc : memref<!tpu.dma_semaphore, #tpu.memory_space<semaphore_mem>>
      %dma_start3A_53 = arith.constant 0 : i32
      %dma_start3A_54 = tpu.memref_slice %arg10[%add3A_18, %dma_start3A_53] : memref<10240x128xf32, #tpu.memory_space<vmem_shared>> -> memref<128x128xf32, #tpu.memory_space<vmem_shared>>
      %dma_start3A_55 = arith.constant 0 : i32
      %dma_start3A_56 = tpu.memref_slice %arg10[%add3A_18, %dma_start3A_55] : memref<10240x128xf32, #tpu.memory_space<vmem_shared>> -> memref<128x128xf32, #tpu.memory_space<vmem_shared>>
      tpu.enqueue_dma source(%arg8 : memref<128x128xf32, #tpu.memory_space<vmem>>) target(%dma_start3A_56 : memref<128x128xf32, #tpu.memory_space<vmem_shared>>) target_semaphore(%run_scoped3A : memref<!tpu.dma_semaphore, #tpu.memory_space<semaphore_mem>>)
      %dma_wait3A = arith.constant 0 : i32
      %dma_wait3A_57 = tpu.memref_slice %arg10[%add3A_18, %dma_wait3A] : memref<10240x128xf32, #tpu.memory_space<vmem_shared>> -> memref<128x128xf32, #tpu.memory_space<vmem_shared>>
      %dma_wait3A_58 = arith.constant 0 : i32
      %dma_wait3A_59 = tpu.memref_slice %arg10[%add3A_18, %dma_wait3A_58] : memref<10240x128xf32, #tpu.memory_space<vmem_shared>> -> memref<128x128xf32, #tpu.memory_space<vmem_shared>>
      tpu.wait_dma2 semaphore(%run_scoped3A : memref<!tpu.dma_semaphore, #tpu.memory_space<semaphore_mem>>) src(%arg8 : memref<128x128xf32, #tpu.memory_space<vmem>>) dst(%dma_wait3A_59 : memref<128x128xf32, #tpu.memory_space<vmem_shared>>)
      tpu.yield
    }) : () -> ()
    %barrier3A = arith.constant 0 : index
    tpu.barrier barrier_id(%barrier3A)
    %mul3A_19 = arith.constant 80 : i32
    %mul3A_20 = arith.muli %add3A, %mul3A_19 : i32
    %add3A_21 = arith.constant 0 : i32
    %add3A_22 = arith.addi %mul3A_20, %add3A_21 : i32
    "tpu.region"() ({
      %run_scoped3A = tpu.sem_alloc : memref<!tpu.dma_semaphore, #tpu.memory_space<semaphore_mem>>
      %dma_start3A_53 = arith.constant 0 : i32
      %dma_start3A_54 = tpu.memref_slice %arg2[%add3A_22, %dma_start3A_53] : memref<2560x128xi32, #tpu.memory_space<hbm>> -> memref<40x128xi32, #tpu.memory_space<hbm>>
      %dma_start3A_55 = arith.constant 0 : i32
      %dma_start3A_56 = tpu.memref_slice %arg2[%add3A_22, %dma_start3A_55] : memref<2560x128xi32, #tpu.memory_space<hbm>> -> memref<40x128xi32, #tpu.memory_space<hbm>>
      tpu.enqueue_dma source(%dma_start3A_56 : memref<40x128xi32, #tpu.memory_space<hbm>>) target(%arg6 : memref<40x128xi32, #tpu.memory_space<vmem>>) target_semaphore(%run_scoped3A : memref<!tpu.dma_semaphore, #tpu.memory_space<semaphore_mem>>)
      %dma_wait3A = arith.constant 0 : i32
      %dma_wait3A_57 = tpu.memref_slice %arg2[%add3A_22, %dma_wait3A] : memref<2560x128xi32, #tpu.memory_space<hbm>> -> memref<40x128xi32, #tpu.memory_space<hbm>>
      %dma_wait3A_58 = arith.constant 0 : i32
      %dma_wait3A_59 = tpu.memref_slice %arg2[%add3A_22, %dma_wait3A_58] : memref<2560x128xi32, #tpu.memory_space<hbm>> -> memref<40x128xi32, #tpu.memory_space<hbm>>
      tpu.wait_dma2 semaphore(%run_scoped3A : memref<!tpu.dma_semaphore, #tpu.memory_space<semaphore_mem>>) src(%dma_wait3A_59 : memref<40x128xi32, #tpu.memory_space<hbm>>) dst(%arg6 : memref<40x128xi32, #tpu.memory_space<vmem>>)
      tpu.yield
    }) : () -> ()
    "tpu.region"() ({
      %run_scoped3A = tpu.sem_alloc : memref<!tpu.dma_semaphore, #tpu.memory_space<semaphore_mem>>
      %dma_start3A_53 = arith.constant 0 : i32
      %dma_start3A_54 = tpu.memref_slice %arg3[%add3A_22, %dma_start3A_53] : memref<2560x128xi32, #tpu.memory_space<hbm>> -> memref<40x128xi32, #tpu.memory_space<hbm>>
      %dma_start3A_55 = arith.constant 0 : i32
      %dma_start3A_56 = tpu.memref_slice %arg3[%add3A_22, %dma_start3A_55] : memref<2560x128xi32, #tpu.memory_space<hbm>> -> memref<40x128xi32, #tpu.memory_space<hbm>>
      tpu.enqueue_dma source(%dma_start3A_56 : memref<40x128xi32, #tpu.memory_space<hbm>>) target(%arg7 : memref<40x128xi32, #tpu.memory_space<vmem>>) target_semaphore(%run_scoped3A : memref<!tpu.dma_semaphore, #tpu.memory_space<semaphore_mem>>)
      %dma_wait3A = arith.constant 0 : i32
      %dma_wait3A_57 = tpu.memref_slice %arg3[%add3A_22, %dma_wait3A] : memref<2560x128xi32, #tpu.memory_space<hbm>> -> memref<40x128xi32, #tpu.memory_space<hbm>>
      %dma_wait3A_58 = arith.constant 0 : i32
      %dma_wait3A_59 = tpu.memref_slice %arg3[%add3A_22, %dma_wait3A_58] : memref<2560x128xi32, #tpu.memory_space<hbm>> -> memref<40x128xi32, #tpu.memory_space<hbm>>
      tpu.wait_dma2 semaphore(%run_scoped3A : memref<!tpu.dma_semaphore, #tpu.memory_space<semaphore_mem>>) src(%dma_wait3A_59 : memref<40x128xi32, #tpu.memory_space<hbm>>) dst(%arg7 : memref<40x128xi32, #tpu.memory_space<vmem>>)
      tpu.yield
    }) : () -> ()
    %dma_start3A = arith.constant 0 : i32
    %dma_start3A_23 = arith.constant 0 : i32
    %dma_start3A_24 = tpu.memref_slice %arg6[%dma_start3A, %dma_start3A_23] : memref<40x128xi32, #tpu.memory_space<vmem>> -> memref<1x128xi32, #tpu.memory_space<vmem>>
    %dma_start3A_25 = tpu.memref_squeeze %dma_start3A_24 : memref<1x128xi32, #tpu.memory_space<vmem>> -> memref<128xi32, #tpu.memory_space<vmem>>
    %dma_start3A_26 = arith.constant 0 : i32
    %dma_start3A_27 = arith.constant 0 : i32
    %dma_start3A_28 = tpu.memref_slice %arg4[%dma_start3A_26, %dma_start3A_27] : memref<10240x128xf32, #tpu.memory_space<hbm>> -> memref<10240x128xf32, #tpu.memory_space<hbm>>
    tpu.enqueue_indirect_dma source(%dma_start3A_28 : memref<10240x128xf32, #tpu.memory_space<hbm>>) target(%arg8 : memref<128x128xf32, #tpu.memory_space<vmem>>) offsets(%dma_start3A_25 : memref<128xi32, #tpu.memory_space<vmem>>) semaphore(%arg11 : memref<!tpu.dma_semaphore, #tpu.memory_space<semaphore_mem>>)
    %scan3A_29 = arith.constant 0 : i32
    %scan3A_30 = arith.constant 0 : i32
    %scan3A_31 = arith.constant 20 : i32
    %scan3A_32 = arith.addi %scan3A_30, %scan3A_31 : i32
    %scan3A_33 = arith.constant 1 : i32
    scf.for %scan3A_53 = %scan3A_30 to %scan3A_32 step %scan3A_33  : i32 {
      %mul3A_54 = arith.constant 2 : i32
      %mul3A_55 = arith.muli %scan3A_53, %mul3A_54 : i32
      %add3A_56 = arith.constant 1 : i32
      %add3A_57 = arith.addi %mul3A_55, %add3A_56 : i32
      %dma_start3A_58 = arith.constant 0 : i32
      %dma_start3A_59 = tpu.memref_slice %arg6[%add3A_57, %dma_start3A_58] : memref<40x128xi32, #tpu.memory_space<vmem>> -> memref<1x128xi32, #tpu.memory_space<vmem>>
      %dma_start3A_60 = tpu.memref_squeeze %dma_start3A_59 : memref<1x128xi32, #tpu.memory_space<vmem>> -> memref<128xi32, #tpu.memory_space<vmem>>
      %dma_start3A_61 = arith.constant 0 : i32
      %dma_start3A_62 = arith.constant 0 : i32
      %dma_start3A_63 = tpu.memref_slice %arg4[%dma_start3A_61, %dma_start3A_62] : memref<10240x128xf32, #tpu.memory_space<hbm>> -> memref<10240x128xf32, #tpu.memory_space<hbm>>
      tpu.enqueue_indirect_dma source(%dma_start3A_63 : memref<10240x128xf32, #tpu.memory_space<hbm>>) target(%arg9 : memref<128x128xf32, #tpu.memory_space<vmem>>) offsets(%dma_start3A_60 : memref<128xi32, #tpu.memory_space<vmem>>) semaphore(%arg12 : memref<!tpu.dma_semaphore, #tpu.memory_space<semaphore_mem>>)
      %dma_wait3A = arith.constant 0 : i32
      %dma_wait3A_64 = arith.constant 0 : i32
      %dma_wait3A_65 = tpu.memref_slice %arg4[%dma_wait3A, %dma_wait3A_64] : memref<10240x128xf32, #tpu.memory_space<hbm>> -> memref<128x128xf32, #tpu.memory_space<hbm>>
      %dma_wait3A_66 = arith.constant 0 : i32
      %dma_wait3A_67 = arith.constant 0 : i32
      %dma_wait3A_68 = tpu.memref_slice %arg4[%dma_wait3A_66, %dma_wait3A_67] : memref<10240x128xf32, #tpu.memory_space<hbm>> -> memref<128x128xf32, #tpu.memory_space<hbm>>
      tpu.wait_dma2 semaphore(%arg11 : memref<!tpu.dma_semaphore, #tpu.memory_space<semaphore_mem>>) src(%dma_wait3A_68 : memref<128x128xf32, #tpu.memory_space<hbm>>) dst(%arg8 : memref<128x128xf32, #tpu.memory_space<vmem>>)
      "tpu.region"() ({
        %run_scoped3A = tpu.sem_alloc : memref<!tpu.dma_semaphore, #tpu.memory_space<semaphore_mem>>
        %dma_start3A_81 = arith.constant 0 : i32
        %dma_start3A_82 = tpu.memref_slice %arg7[%mul3A_55, %dma_start3A_81] : memref<40x128xi32, #tpu.memory_space<vmem>> -> memref<1x128xi32, #tpu.memory_space<vmem>>
        %dma_start3A_83 = tpu.memref_squeeze %dma_start3A_82 : memref<1x128xi32, #tpu.memory_space<vmem>> -> memref<128xi32, #tpu.memory_space<vmem>>
        %dma_start3A_84 = arith.constant 0 : i32
        %dma_start3A_85 = arith.constant 0 : i32
        %dma_start3A_86 = tpu.memref_slice %arg10[%dma_start3A_84, %dma_start3A_85] : memref<10240x128xf32, #tpu.memory_space<vmem_shared>> -> memref<10240x128xf32, #tpu.memory_space<vmem_shared>>
        tpu.enqueue_indirect_dma source(%arg8 : memref<128x128xf32, #tpu.memory_space<vmem>>) target(%dma_start3A_86 : memref<10240x128xf32, #tpu.memory_space<vmem_shared>>) offsets(%dma_start3A_83 : memref<128xi32, #tpu.memory_space<vmem>>) semaphore(%run_scoped3A : memref<!tpu.dma_semaphore, #tpu.memory_space<semaphore_mem>>) {add = true}
        %dma_wait3A_87 = arith.constant 0 : i32
        %dma_wait3A_88 = tpu.memref_slice %arg7[%mul3A_55, %dma_wait3A_87] : memref<40x128xi32, #tpu.memory_space<vmem>> -> memref<1x128xi32, #tpu.memory_space<vmem>>
        %dma_wait3A_89 = tpu.memref_squeeze %dma_wait3A_88 : memref<1x128xi32, #tpu.memory_space<vmem>> -> memref<128xi32, #tpu.memory_space<vmem>>
        %dma_wait3A_90 = arith.constant 0 : i32
        %dma_wait3A_91 = arith.constant 0 : i32
        %dma_wait3A_92 = tpu.memref_slice %arg10[%dma_wait3A_90, %dma_wait3A_91] : memref<10240x128xf32, #tpu.memory_space<vmem_shared>> -> memref<10240x128xf32, #tpu.memory_space<vmem_shared>>
        tpu.wait_indirect_dma semaphore(%run_scoped3A : memref<!tpu.dma_semaphore, #tpu.memory_space<semaphore_mem>>) src(%arg8 : memref<128x128xf32, #tpu.memory_space<vmem>>) dst(%dma_wait3A_92 : memref<10240x128xf32, #tpu.memory_space<vmem_shared>>)
        tpu.yield
      }) : () -> ()
      %add3A_69 = arith.constant 1 : i32
      %add3A_70 = arith.addi %scan3A_53, %add3A_69 : i32
      %lt3A = arith.constant 20 : i32
      %lt3A_71 = arith.cmpi slt, %add3A_70, %lt3A : i32
      %convert_element_type3A = arith.extui %lt3A_71 : i1 to i32
      %cond3A = arith.constant 0 : i32
      %cond3A_72 = arith.cmpi ne, %convert_element_type3A, %cond3A : i32
      scf.if %cond3A_72 {
        %add3A_81 = arith.constant 2 : i32
        %add3A_82 = arith.addi %mul3A_55, %add3A_81 : i32
        %dma_start3A_83 = arith.constant 0 : i32
        %dma_start3A_84 = tpu.memref_slice %arg6[%add3A_82, %dma_start3A_83] : memref<40x128xi32, #tpu.memory_space<vmem>> -> memref<1x128xi32, #tpu.memory_space<vmem>>
        %dma_start3A_85 = tpu.memref_squeeze %dma_start3A_84 : memref<1x128xi32, #tpu.memory_space<vmem>> -> memref<128xi32, #tpu.memory_space<vmem>>
        %dma_start3A_86 = arith.constant 0 : i32
        %dma_start3A_87 = arith.constant 0 : i32
        %dma_start3A_88 = tpu.memref_slice %arg4[%dma_start3A_86, %dma_start3A_87] : memref<10240x128xf32, #tpu.memory_space<hbm>> -> memref<10240x128xf32, #tpu.memory_space<hbm>>
        tpu.enqueue_indirect_dma source(%dma_start3A_88 : memref<10240x128xf32, #tpu.memory_space<hbm>>) target(%arg8 : memref<128x128xf32, #tpu.memory_space<vmem>>) offsets(%dma_start3A_85 : memref<128xi32, #tpu.memory_space<vmem>>) semaphore(%arg11 : memref<!tpu.dma_semaphore, #tpu.memory_space<semaphore_mem>>)
      } else {
      }
      %dma_wait3A_73 = arith.constant 0 : i32
      %dma_wait3A_74 = tpu.memref_slice %arg6[%add3A_57, %dma_wait3A_73] : memref<40x128xi32, #tpu.memory_space<vmem>> -> memref<1x128xi32, #tpu.memory_space<vmem>>
      %dma_wait3A_75 = tpu.memref_squeeze %dma_wait3A_74 : memref<1x128xi32, #tpu.memory_space<vmem>> -> memref<128xi32, #tpu.memory_space<vmem>>
      %dma_wait3A_76 = arith.constant 0 : i32
      %dma_wait3A_77 = arith.constant 0 : i32
      %dma_wait3A_78 = tpu.memref_slice %arg4[%dma_wait3A_76, %dma_wait3A_77] : memref<10240x128xf32, #tpu.memory_space<hbm>> -> memref<10240x128xf32, #tpu.memory_space<hbm>>
      tpu.wait_indirect_dma semaphore(%arg12 : memref<!tpu.dma_semaphore, #tpu.memory_space<semaphore_mem>>) src(%dma_wait3A_78 : memref<10240x128xf32, #tpu.memory_space<hbm>>) dst(%arg9 : memref<128x128xf32, #tpu.memory_space<vmem>>)
      %add3A_79 = arith.constant 1 : i32
      %add3A_80 = arith.addi %mul3A_55, %add3A_79 : i32
      "tpu.region"() ({
        %run_scoped3A = tpu.sem_alloc : memref<!tpu.dma_semaphore, #tpu.memory_space<semaphore_mem>>
        %dma_start3A_81 = arith.constant 0 : i32
        %dma_start3A_82 = tpu.memref_slice %arg7[%add3A_80, %dma_start3A_81] : memref<40x128xi32, #tpu.memory_space<vmem>> -> memref<1x128xi32, #tpu.memory_space<vmem>>
        %dma_start3A_83 = tpu.memref_squeeze %dma_start3A_82 : memref<1x128xi32, #tpu.memory_space<vmem>> -> memref<128xi32, #tpu.memory_space<vmem>>
        %dma_start3A_84 = arith.constant 0 : i32
        %dma_start3A_85 = arith.constant 0 : i32
        %dma_start3A_86 = tpu.memref_slice %arg10[%dma_start3A_84, %dma_start3A_85] : memref<10240x128xf32, #tpu.memory_space<vmem_shared>> -> memref<10240x128xf32, #tpu.memory_space<vmem_shared>>
        tpu.enqueue_indirect_dma source(%arg9 : memref<128x128xf32, #tpu.memory_space<vmem>>) target(%dma_start3A_86 : memref<10240x128xf32, #tpu.memory_space<vmem_shared>>) offsets(%dma_start3A_83 : memref<128xi32, #tpu.memory_space<vmem>>) semaphore(%run_scoped3A : memref<!tpu.dma_semaphore, #tpu.memory_space<semaphore_mem>>) {add = true}
        %dma_wait3A_87 = arith.constant 0 : i32
        %dma_wait3A_88 = tpu.memref_slice %arg7[%add3A_80, %dma_wait3A_87] : memref<40x128xi32, #tpu.memory_space<vmem>> -> memref<1x128xi32, #tpu.memory_space<vmem>>
        %dma_wait3A_89 = tpu.memref_squeeze %dma_wait3A_88 : memref<1x128xi32, #tpu.memory_space<vmem>> -> memref<128xi32, #tpu.memory_space<vmem>>
        %dma_wait3A_90 = arith.constant 0 : i32
        %dma_wait3A_91 = arith.constant 0 : i32
        %dma_wait3A_92 = tpu.memref_slice %arg10[%dma_wait3A_90, %dma_wait3A_91] : memref<10240x128xf32, #tpu.memory_space<vmem_shared>> -> memref<10240x128xf32, #tpu.memory_space<vmem_shared>>
        tpu.wait_indirect_dma semaphore(%run_scoped3A : memref<!tpu.dma_semaphore, #tpu.memory_space<semaphore_mem>>) src(%arg9 : memref<128x128xf32, #tpu.memory_space<vmem>>) dst(%dma_wait3A_92 : memref<10240x128xf32, #tpu.memory_space<vmem_shared>>)
        tpu.yield
      }) : () -> ()
    }
    %scan3A_34 = arith.constant 20 : i32
    %mul3A_35 = arith.constant 80 : i32
    %mul3A_36 = arith.muli %add3A, %mul3A_35 : i32
    %add3A_37 = arith.constant 40 : i32
    %add3A_38 = arith.addi %mul3A_36, %add3A_37 : i32
    "tpu.region"() ({
      %run_scoped3A = tpu.sem_alloc : memref<!tpu.dma_semaphore, #tpu.memory_space<semaphore_mem>>
      %dma_start3A_53 = arith.constant 0 : i32
      %dma_start3A_54 = tpu.memref_slice %arg2[%add3A_38, %dma_start3A_53] : memref<2560x128xi32, #tpu.memory_space<hbm>> -> memref<40x128xi32, #tpu.memory_space<hbm>>
      %dma_start3A_55 = arith.constant 0 : i32
      %dma_start3A_56 = tpu.memref_slice %arg2[%add3A_38, %dma_start3A_55] : memref<2560x128xi32, #tpu.memory_space<hbm>> -> memref<40x128xi32, #tpu.memory_space<hbm>>
      tpu.enqueue_dma source(%dma_start3A_56 : memref<40x128xi32, #tpu.memory_space<hbm>>) target(%arg6 : memref<40x128xi32, #tpu.memory_space<vmem>>) target_semaphore(%run_scoped3A : memref<!tpu.dma_semaphore, #tpu.memory_space<semaphore_mem>>)
      %dma_wait3A = arith.constant 0 : i32
      %dma_wait3A_57 = tpu.memref_slice %arg2[%add3A_38, %dma_wait3A] : memref<2560x128xi32, #tpu.memory_space<hbm>> -> memref<40x128xi32, #tpu.memory_space<hbm>>
      %dma_wait3A_58 = arith.constant 0 : i32
      %dma_wait3A_59 = tpu.memref_slice %arg2[%add3A_38, %dma_wait3A_58] : memref<2560x128xi32, #tpu.memory_space<hbm>> -> memref<40x128xi32, #tpu.memory_space<hbm>>
      tpu.wait_dma2 semaphore(%run_scoped3A : memref<!tpu.dma_semaphore, #tpu.memory_space<semaphore_mem>>) src(%dma_wait3A_59 : memref<40x128xi32, #tpu.memory_space<hbm>>) dst(%arg6 : memref<40x128xi32, #tpu.memory_space<vmem>>)
      tpu.yield
    }) : () -> ()
    "tpu.region"() ({
      %run_scoped3A = tpu.sem_alloc : memref<!tpu.dma_semaphore, #tpu.memory_space<semaphore_mem>>
      %dma_start3A_53 = arith.constant 0 : i32
      %dma_start3A_54 = tpu.memref_slice %arg3[%add3A_38, %dma_start3A_53] : memref<2560x128xi32, #tpu.memory_space<hbm>> -> memref<40x128xi32, #tpu.memory_space<hbm>>
      %dma_start3A_55 = arith.constant 0 : i32
      %dma_start3A_56 = tpu.memref_slice %arg3[%add3A_38, %dma_start3A_55] : memref<2560x128xi32, #tpu.memory_space<hbm>> -> memref<40x128xi32, #tpu.memory_space<hbm>>
      tpu.enqueue_dma source(%dma_start3A_56 : memref<40x128xi32, #tpu.memory_space<hbm>>) target(%arg7 : memref<40x128xi32, #tpu.memory_space<vmem>>) target_semaphore(%run_scoped3A : memref<!tpu.dma_semaphore, #tpu.memory_space<semaphore_mem>>)
      %dma_wait3A = arith.constant 0 : i32
      %dma_wait3A_57 = tpu.memref_slice %arg3[%add3A_38, %dma_wait3A] : memref<2560x128xi32, #tpu.memory_space<hbm>> -> memref<40x128xi32, #tpu.memory_space<hbm>>
      %dma_wait3A_58 = arith.constant 0 : i32
      %dma_wait3A_59 = tpu.memref_slice %arg3[%add3A_38, %dma_wait3A_58] : memref<2560x128xi32, #tpu.memory_space<hbm>> -> memref<40x128xi32, #tpu.memory_space<hbm>>
      tpu.wait_dma2 semaphore(%run_scoped3A : memref<!tpu.dma_semaphore, #tpu.memory_space<semaphore_mem>>) src(%dma_wait3A_59 : memref<40x128xi32, #tpu.memory_space<hbm>>) dst(%arg7 : memref<40x128xi32, #tpu.memory_space<vmem>>)
      tpu.yield
    }) : () -> ()
    %dma_start3A_39 = arith.constant 0 : i32
    %dma_start3A_40 = arith.constant 0 : i32
    %dma_start3A_41 = tpu.memref_slice %arg6[%dma_start3A_39, %dma_start3A_40] : memref<40x128xi32, #tpu.memory_space<vmem>> -> memref<1x128xi32, #tpu.memory_space<vmem>>
    %dma_start3A_42 = tpu.memref_squeeze %dma_start3A_41 : memref<1x128xi32, #tpu.memory_space<vmem>> -> memref<128xi32, #tpu.memory_space<vmem>>
    %dma_start3A_43 = arith.constant 0 : i32
    %dma_start3A_44 = arith.constant 0 : i32
    %dma_start3A_45 = tpu.memref_slice %arg4[%dma_start3A_43, %dma_start3A_44] : memref<10240x128xf32, #tpu.memory_space<hbm>> -> memref<10240x128xf32, #tpu.memory_space<hbm>>
    tpu.enqueue_indirect_dma source(%dma_start3A_45 : memref<10240x128xf32, #tpu.memory_space<hbm>>) target(%arg8 : memref<128x128xf32, #tpu.memory_space<vmem>>) offsets(%dma_start3A_42 : memref<128xi32, #tpu.memory_space<vmem>>) semaphore(%arg11 : memref<!tpu.dma_semaphore, #tpu.memory_space<semaphore_mem>>)
    %scan3A_46 = arith.constant 0 : i32
    %scan3A_47 = arith.constant 0 : i32
    %scan3A_48 = arith.constant 20 : i32
    %scan3A_49 = arith.addi %scan3A_47, %scan3A_48 : i32
    %scan3A_50 = arith.constant 1 : i32
    scf.for %scan3A_53 = %scan3A_47 to %scan3A_49 step %scan3A_50  : i32 {
      %mul3A_54 = arith.constant 2 : i32
      %mul3A_55 = arith.muli %scan3A_53, %mul3A_54 : i32
      %add3A_56 = arith.constant 1 : i32
      %add3A_57 = arith.addi %mul3A_55, %add3A_56 : i32
      %dma_start3A_58 = arith.constant 0 : i32
      %dma_start3A_59 = tpu.memref_slice %arg6[%add3A_57, %dma_start3A_58] : memref<40x128xi32, #tpu.memory_space<vmem>> -> memref<1x128xi32, #tpu.memory_space<vmem>>
      %dma_start3A_60 = tpu.memref_squeeze %dma_start3A_59 : memref<1x128xi32, #tpu.memory_space<vmem>> -> memref<128xi32, #tpu.memory_space<vmem>>
      %dma_start3A_61 = arith.constant 0 : i32
      %dma_start3A_62 = arith.constant 0 : i32
      %dma_start3A_63 = tpu.memref_slice %arg4[%dma_start3A_61, %dma_start3A_62] : memref<10240x128xf32, #tpu.memory_space<hbm>> -> memref<10240x128xf32, #tpu.memory_space<hbm>>
      tpu.enqueue_indirect_dma source(%dma_start3A_63 : memref<10240x128xf32, #tpu.memory_space<hbm>>) target(%arg9 : memref<128x128xf32, #tpu.memory_space<vmem>>) offsets(%dma_start3A_60 : memref<128xi32, #tpu.memory_space<vmem>>) semaphore(%arg12 : memref<!tpu.dma_semaphore, #tpu.memory_space<semaphore_mem>>)
      %dma_wait3A = arith.constant 0 : i32
      %dma_wait3A_64 = arith.constant 0 : i32
      %dma_wait3A_65 = tpu.memref_slice %arg4[%dma_wait3A, %dma_wait3A_64] : memref<10240x128xf32, #tpu.memory_space<hbm>> -> memref<128x128xf32, #tpu.memory_space<hbm>>
      %dma_wait3A_66 = arith.constant 0 : i32
      %dma_wait3A_67 = arith.constant 0 : i32
      %dma_wait3A_68 = tpu.memref_slice %arg4[%dma_wait3A_66, %dma_wait3A_67] : memref<10240x128xf32, #tpu.memory_space<hbm>> -> memref<128x128xf32, #tpu.memory_space<hbm>>
      tpu.wait_dma2 semaphore(%arg11 : memref<!tpu.dma_semaphore, #tpu.memory_space<semaphore_mem>>) src(%dma_wait3A_68 : memref<128x128xf32, #tpu.memory_space<hbm>>) dst(%arg8 : memref<128x128xf32, #tpu.memory_space<vmem>>)
      "tpu.region"() ({
        %run_scoped3A = tpu.sem_alloc : memref<!tpu.dma_semaphore, #tpu.memory_space<semaphore_mem>>
        %dma_start3A_81 = arith.constant 0 : i32
        %dma_start3A_82 = tpu.memref_slice %arg7[%mul3A_55, %dma_start3A_81] : memref<40x128xi32, #tpu.memory_space<vmem>> -> memref<1x128xi32, #tpu.memory_space<vmem>>
        %dma_start3A_83 = tpu.memref_squeeze %dma_start3A_82 : memref<1x128xi32, #tpu.memory_space<vmem>> -> memref<128xi32, #tpu.memory_space<vmem>>
        %dma_start3A_84 = arith.constant 0 : i32
        %dma_start3A_85 = arith.constant 0 : i32
        %dma_start3A_86 = tpu.memref_slice %arg10[%dma_start3A_84, %dma_start3A_85] : memref<10240x128xf32, #tpu.memory_space<vmem_shared>> -> memref<10240x128xf32, #tpu.memory_space<vmem_shared>>
        tpu.enqueue_indirect_dma source(%arg8 : memref<128x128xf32, #tpu.memory_space<vmem>>) target(%dma_start3A_86 : memref<10240x128xf32, #tpu.memory_space<vmem_shared>>) offsets(%dma_start3A_83 : memref<128xi32, #tpu.memory_space<vmem>>) semaphore(%run_scoped3A : memref<!tpu.dma_semaphore, #tpu.memory_space<semaphore_mem>>) {add = true}
        %dma_wait3A_87 = arith.constant 0 : i32
        %dma_wait3A_88 = tpu.memref_slice %arg7[%mul3A_55, %dma_wait3A_87] : memref<40x128xi32, #tpu.memory_space<vmem>> -> memref<1x128xi32, #tpu.memory_space<vmem>>
        %dma_wait3A_89 = tpu.memref_squeeze %dma_wait3A_88 : memref<1x128xi32, #tpu.memory_space<vmem>> -> memref<128xi32, #tpu.memory_space<vmem>>
        %dma_wait3A_90 = arith.constant 0 : i32
        %dma_wait3A_91 = arith.constant 0 : i32
        %dma_wait3A_92 = tpu.memref_slice %arg10[%dma_wait3A_90, %dma_wait3A_91] : memref<10240x128xf32, #tpu.memory_space<vmem_shared>> -> memref<10240x128xf32, #tpu.memory_space<vmem_shared>>
        tpu.wait_indirect_dma semaphore(%run_scoped3A : memref<!tpu.dma_semaphore, #tpu.memory_space<semaphore_mem>>) src(%arg8 : memref<128x128xf32, #tpu.memory_space<vmem>>) dst(%dma_wait3A_92 : memref<10240x128xf32, #tpu.memory_space<vmem_shared>>)
        tpu.yield
      }) : () -> ()
      %add3A_69 = arith.constant 1 : i32
      %add3A_70 = arith.addi %scan3A_53, %add3A_69 : i32
      %lt3A = arith.constant 20 : i32
      %lt3A_71 = arith.cmpi slt, %add3A_70, %lt3A : i32
      %convert_element_type3A = arith.extui %lt3A_71 : i1 to i32
      %cond3A = arith.constant 0 : i32
      %cond3A_72 = arith.cmpi ne, %convert_element_type3A, %cond3A : i32
      scf.if %cond3A_72 {
        %add3A_81 = arith.constant 2 : i32
        %add3A_82 = arith.addi %mul3A_55, %add3A_81 : i32
        %dma_start3A_83 = arith.constant 0 : i32
        %dma_start3A_84 = tpu.memref_slice %arg6[%add3A_82, %dma_start3A_83] : memref<40x128xi32, #tpu.memory_space<vmem>> -> memref<1x128xi32, #tpu.memory_space<vmem>>
        %dma_start3A_85 = tpu.memref_squeeze %dma_start3A_84 : memref<1x128xi32, #tpu.memory_space<vmem>> -> memref<128xi32, #tpu.memory_space<vmem>>
        %dma_start3A_86 = arith.constant 0 : i32
        %dma_start3A_87 = arith.constant 0 : i32
        %dma_start3A_88 = tpu.memref_slice %arg4[%dma_start3A_86, %dma_start3A_87] : memref<10240x128xf32, #tpu.memory_space<hbm>> -> memref<10240x128xf32, #tpu.memory_space<hbm>>
        tpu.enqueue_indirect_dma source(%dma_start3A_88 : memref<10240x128xf32, #tpu.memory_space<hbm>>) target(%arg8 : memref<128x128xf32, #tpu.memory_space<vmem>>) offsets(%dma_start3A_85 : memref<128xi32, #tpu.memory_space<vmem>>) semaphore(%arg11 : memref<!tpu.dma_semaphore, #tpu.memory_space<semaphore_mem>>)
      } else {
      }
      %dma_wait3A_73 = arith.constant 0 : i32
      %dma_wait3A_74 = tpu.memref_slice %arg6[%add3A_57, %dma_wait3A_73] : memref<40x128xi32, #tpu.memory_space<vmem>> -> memref<1x128xi32, #tpu.memory_space<vmem>>
      %dma_wait3A_75 = tpu.memref_squeeze %dma_wait3A_74 : memref<1x128xi32, #tpu.memory_space<vmem>> -> memref<128xi32, #tpu.memory_space<vmem>>
      %dma_wait3A_76 = arith.constant 0 : i32
      %dma_wait3A_77 = arith.constant 0 : i32
      %dma_wait3A_78 = tpu.memref_slice %arg4[%dma_wait3A_76, %dma_wait3A_77] : memref<10240x128xf32, #tpu.memory_space<hbm>> -> memref<10240x128xf32, #tpu.memory_space<hbm>>
      tpu.wait_indirect_dma semaphore(%arg12 : memref<!tpu.dma_semaphore, #tpu.memory_space<semaphore_mem>>) src(%dma_wait3A_78 : memref<10240x128xf32, #tpu.memory_space<hbm>>) dst(%arg9 : memref<128x128xf32, #tpu.memory_space<vmem>>)
      %add3A_79 = arith.constant 1 : i32
      %add3A_80 = arith.addi %mul3A_55, %add3A_79 : i32
      "tpu.region"() ({
        %run_scoped3A = tpu.sem_alloc : memref<!tpu.dma_semaphore, #tpu.memory_space<semaphore_mem>>
        %dma_start3A_81 = arith.constant 0 : i32
        %dma_start3A_82 = tpu.memref_slice %arg7[%add3A_80, %dma_start3A_81] : memref<40x128xi32, #tpu.memory_space<vmem>> -> memref<1x128xi32, #tpu.memory_space<vmem>>
        %dma_start3A_83 = tpu.memref_squeeze %dma_start3A_82 : memref<1x128xi32, #tpu.memory_space<vmem>> -> memref<128xi32, #tpu.memory_space<vmem>>
        %dma_start3A_84 = arith.constant 0 : i32
        %dma_start3A_85 = arith.constant 0 : i32
        %dma_start3A_86 = tpu.memref_slice %arg10[%dma_start3A_84, %dma_start3A_85] : memref<10240x128xf32, #tpu.memory_space<vmem_shared>> -> memref<10240x128xf32, #tpu.memory_space<vmem_shared>>
        tpu.enqueue_indirect_dma source(%arg9 : memref<128x128xf32, #tpu.memory_space<vmem>>) target(%dma_start3A_86 : memref<10240x128xf32, #tpu.memory_space<vmem_shared>>) offsets(%dma_start3A_83 : memref<128xi32, #tpu.memory_space<vmem>>) semaphore(%run_scoped3A : memref<!tpu.dma_semaphore, #tpu.memory_space<semaphore_mem>>) {add = true}
        %dma_wait3A_87 = arith.constant 0 : i32
        %dma_wait3A_88 = tpu.memref_slice %arg7[%add3A_80, %dma_wait3A_87] : memref<40x128xi32, #tpu.memory_space<vmem>> -> memref<1x128xi32, #tpu.memory_space<vmem>>
        %dma_wait3A_89 = tpu.memref_squeeze %dma_wait3A_88 : memref<1x128xi32, #tpu.memory_space<vmem>> -> memref<128xi32, #tpu.memory_space<vmem>>
        %dma_wait3A_90 = arith.constant 0 : i32
        %dma_wait3A_91 = arith.constant 0 : i32
        %dma_wait3A_92 = tpu.memref_slice %arg10[%dma_wait3A_90, %dma_wait3A_91] : memref<10240x128xf32, #tpu.memory_space<vmem_shared>> -> memref<10240x128xf32, #tpu.memory_space<vmem_shared>>
        tpu.wait_indirect_dma semaphore(%run_scoped3A : memref<!tpu.dma_semaphore, #tpu.memory_space<semaphore_mem>>) src(%arg9 : memref<128x128xf32, #tpu.memory_space<vmem>>) dst(%dma_wait3A_92 : memref<10240x128xf32, #tpu.memory_space<vmem_shared>>)
        tpu.yield
      }) : () -> ()
    }
    %scan3A_51 = arith.constant 20 : i32
    %barrier3A_52 = arith.constant 0 : index
    tpu.barrier barrier_id(%barrier3A_52)
    "tpu.region"() ({
      %run_scoped3A = tpu.sem_alloc : memref<!tpu.dma_semaphore, #tpu.memory_space<semaphore_mem>>
      %dma_start3A_53 = arith.constant 0 : i32
      %dma_start3A_54 = tpu.memref_slice %arg5[%arg0, %mul3A_8, %dma_start3A_53] : memref<2x10240x128xf32, #tpu.memory_space<hbm>> -> memref<1x640x128xf32, #tpu.memory_space<hbm>>
      %dma_start3A_55 = tpu.memref_squeeze %dma_start3A_54 : memref<1x640x128xf32, #tpu.memory_space<hbm>> -> memref<640x128xf32, #tpu.memory_space<hbm>>
      %dma_start3A_56 = arith.constant 0 : i32
      %dma_start3A_57 = tpu.memref_slice %arg10[%mul3A_8, %dma_start3A_56] : memref<10240x128xf32, #tpu.memory_space<vmem_shared>> -> memref<640x128xf32, #tpu.memory_space<vmem_shared>>
      tpu.enqueue_dma source(%dma_start3A_57 : memref<640x128xf32, #tpu.memory_space<vmem_shared>>) target(%dma_start3A_55 : memref<640x128xf32, #tpu.memory_space<hbm>>) target_semaphore(%run_scoped3A : memref<!tpu.dma_semaphore, #tpu.memory_space<semaphore_mem>>)
      %dma_wait3A = arith.constant 0 : i32
      %dma_wait3A_58 = tpu.memref_slice %arg5[%arg0, %mul3A_8, %dma_wait3A] : memref<2x10240x128xf32, #tpu.memory_space<hbm>> -> memref<1x640x128xf32, #tpu.memory_space<hbm>>
      %dma_wait3A_59 = tpu.memref_squeeze %dma_wait3A_58 : memref<1x640x128xf32, #tpu.memory_space<hbm>> -> memref<640x128xf32, #tpu.memory_space<hbm>>
      %dma_wait3A_60 = arith.constant 0 : i32
      %dma_wait3A_61 = tpu.memref_slice %arg10[%mul3A_8, %dma_wait3A_60] : memref<10240x128xf32, #tpu.memory_space<vmem_shared>> -> memref<640x128xf32, #tpu.memory_space<vmem_shared>>
      tpu.wait_dma2 semaphore(%run_scoped3A : memref<!tpu.dma_semaphore, #tpu.memory_space<semaphore_mem>>) src(%dma_wait3A_61 : memref<640x128xf32, #tpu.memory_space<vmem_shared>>) dst(%dma_wait3A_59 : memref<640x128xf32, #tpu.memory_space<hbm>>)
      tpu.yield
    }) : () -> ()
    return
  }
}

#map = affine_map<(d0, d1) -> (0, 0)>
#map1 = affine_map<(d0, d1) -> (0, 0, 0)>
module attributes {stable_mosaic.version = 14 : i64} {
  func.func @_deg_body(%arg0: i32, %arg1: i32, %arg2: memref<2560x128xi32, #tpu.memory_space<hbm>>, %arg3: memref<2x10240x128xf32, #tpu.memory_space<hbm>>, %arg4: memref<80x128xi32, #tpu.memory_space<vmem>>, %arg5: memref<128x128xf32, #tpu.memory_space<vmem>>, %arg6: memref<10240x128xf32, #tpu.memory_space<vmem_shared>>) attributes {dimension_semantics = [#tpu.dimension_semantics<core_parallel>, #tpu.dimension_semantics<subcore_parallel>], iteration_bounds = array<i64: 2, 16>, scalar_prefetch = 0 : i64, scratch_operands = 3 : i64, tpu.core_type = #tpu.core_type<sc_vector_subcore>, window_params = [{transform_indices = #map}, {transform_indices = #map1}]} {
    %mul3A = arith.constant 16 : i32
    %mul3A_0 = arith.muli %arg0, %mul3A : i32
    %add3A = arith.addi %mul3A_0, %arg1 : i32
    %broadcast_in_dim3A = arith.constant 0.000000e+00 : f32
    %broadcast_in_dim3A_1 = vector.broadcast %broadcast_in_dim3A : f32 to vector<16xf32>
    %scan3A = arith.constant 0 : i32
    %scan3A_2 = arith.constant 0 : i32
    %scan3A_3 = arith.constant 128 : i32
    %scan3A_4 = arith.addi %scan3A_2, %scan3A_3 : i32
    %scan3A_5 = arith.constant 1 : i32
    scf.for %scan3A_36 = %scan3A_2 to %scan3A_4 step %scan3A_5  : i32 {
      %swap3A = arith.index_cast %scan3A_36 : i32 to index
      %swap3A_37 = arith.constant 0 : index
      %swap3A_38 = tpu.vector_load %arg5[%swap3A, %swap3A_37] {strides = array<i32>} : memref<128x128xf32, #tpu.memory_space<vmem>>, vector<1x16xf32>,
      %swap3A_39 = vector.shape_cast %swap3A_38 : vector<1x16xf32> to vector<16xf32>
      %swap3A_40 = vector.shape_cast %broadcast_in_dim3A_1 : vector<16xf32> to vector<1x16xf32>
      tpu.vector_store %arg5[%swap3A, %swap3A_37], %swap3A_40 {strides = array<i32>} : memref<128x128xf32, #tpu.memory_space<vmem>>, vector<1x16xf32>,
      %swap3A_41 = arith.index_cast %scan3A_36 : i32 to index
      %swap3A_42 = arith.constant 16 : index
      %swap3A_43 = tpu.vector_load %arg5[%swap3A_41, %swap3A_42] {strides = array<i32>} : memref<128x128xf32, #tpu.memory_space<vmem>>, vector<1x16xf32>,
      %swap3A_44 = vector.shape_cast %swap3A_43 : vector<1x16xf32> to vector<16xf32>
      %swap3A_45 = vector.shape_cast %broadcast_in_dim3A_1 : vector<16xf32> to vector<1x16xf32>
      tpu.vector_store %arg5[%swap3A_41, %swap3A_42], %swap3A_45 {strides = array<i32>} : memref<128x128xf32, #tpu.memory_space<vmem>>, vector<1x16xf32>,
      %swap3A_46 = arith.index_cast %scan3A_36 : i32 to index
      %swap3A_47 = arith.constant 32 : index
      %swap3A_48 = tpu.vector_load %arg5[%swap3A_46, %swap3A_47] {strides = array<i32>} : memref<128x128xf32, #tpu.memory_space<vmem>>, vector<1x16xf32>,
      %swap3A_49 = vector.shape_cast %swap3A_48 : vector<1x16xf32> to vector<16xf32>
      %swap3A_50 = vector.shape_cast %broadcast_in_dim3A_1 : vector<16xf32> to vector<1x16xf32>
      tpu.vector_store %arg5[%swap3A_46, %swap3A_47], %swap3A_50 {strides = array<i32>} : memref<128x128xf32, #tpu.memory_space<vmem>>, vector<1x16xf32>,
      %swap3A_51 = arith.index_cast %scan3A_36 : i32 to index
      %swap3A_52 = arith.constant 48 : index
      %swap3A_53 = tpu.vector_load %arg5[%swap3A_51, %swap3A_52] {strides = array<i32>} : memref<128x128xf32, #tpu.memory_space<vmem>>, vector<1x16xf32>,
      %swap3A_54 = vector.shape_cast %swap3A_53 : vector<1x16xf32> to vector<16xf32>
      %swap3A_55 = vector.shape_cast %broadcast_in_dim3A_1 : vector<16xf32> to vector<1x16xf32>
      tpu.vector_store %arg5[%swap3A_51, %swap3A_52], %swap3A_55 {strides = array<i32>} : memref<128x128xf32, #tpu.memory_space<vmem>>, vector<1x16xf32>,
      %swap3A_56 = arith.index_cast %scan3A_36 : i32 to index
      %swap3A_57 = arith.constant 64 : index
      %swap3A_58 = tpu.vector_load %arg5[%swap3A_56, %swap3A_57] {strides = array<i32>} : memref<128x128xf32, #tpu.memory_space<vmem>>, vector<1x16xf32>,
      %swap3A_59 = vector.shape_cast %swap3A_58 : vector<1x16xf32> to vector<16xf32>
      %swap3A_60 = vector.shape_cast %broadcast_in_dim3A_1 : vector<16xf32> to vector<1x16xf32>
      tpu.vector_store %arg5[%swap3A_56, %swap3A_57], %swap3A_60 {strides = array<i32>} : memref<128x128xf32, #tpu.memory_space<vmem>>, vector<1x16xf32>,
      %swap3A_61 = arith.index_cast %scan3A_36 : i32 to index
      %swap3A_62 = arith.constant 80 : index
      %swap3A_63 = tpu.vector_load %arg5[%swap3A_61, %swap3A_62] {strides = array<i32>} : memref<128x128xf32, #tpu.memory_space<vmem>>, vector<1x16xf32>,
      %swap3A_64 = vector.shape_cast %swap3A_63 : vector<1x16xf32> to vector<16xf32>
      %swap3A_65 = vector.shape_cast %broadcast_in_dim3A_1 : vector<16xf32> to vector<1x16xf32>
      tpu.vector_store %arg5[%swap3A_61, %swap3A_62], %swap3A_65 {strides = array<i32>} : memref<128x128xf32, #tpu.memory_space<vmem>>, vector<1x16xf32>,
      %swap3A_66 = arith.index_cast %scan3A_36 : i32 to index
      %swap3A_67 = arith.constant 96 : index
      %swap3A_68 = tpu.vector_load %arg5[%swap3A_66, %swap3A_67] {strides = array<i32>} : memref<128x128xf32, #tpu.memory_space<vmem>>, vector<1x16xf32>,
      %swap3A_69 = vector.shape_cast %swap3A_68 : vector<1x16xf32> to vector<16xf32>
      %swap3A_70 = vector.shape_cast %broadcast_in_dim3A_1 : vector<16xf32> to vector<1x16xf32>
      tpu.vector_store %arg5[%swap3A_66, %swap3A_67], %swap3A_70 {strides = array<i32>} : memref<128x128xf32, #tpu.memory_space<vmem>>, vector<1x16xf32>,
      %swap3A_71 = arith.index_cast %scan3A_36 : i32 to index
      %swap3A_72 = arith.constant 112 : index
      %swap3A_73 = tpu.vector_load %arg5[%swap3A_71, %swap3A_72] {strides = array<i32>} : memref<128x128xf32, #tpu.memory_space<vmem>>, vector<1x16xf32>,
      %swap3A_74 = vector.shape_cast %swap3A_73 : vector<1x16xf32> to vector<16xf32>
      %swap3A_75 = vector.shape_cast %broadcast_in_dim3A_1 : vector<16xf32> to vector<1x16xf32>
      tpu.vector_store %arg5[%swap3A_71, %swap3A_72], %swap3A_75 {strides = array<i32>} : memref<128x128xf32, #tpu.memory_space<vmem>>, vector<1x16xf32>,
    }
    %scan3A_6 = arith.constant 128 : i32
    %mul3A_7 = arith.constant 640 : i32
    %mul3A_8 = arith.muli %arg1, %mul3A_7 : i32
    %add3A_9 = arith.constant 0 : i32
    %add3A_10 = arith.addi %mul3A_8, %add3A_9 : i32
    "tpu.region"() ({
      %run_scoped3A = tpu.sem_alloc : memref<!tpu.dma_semaphore, #tpu.memory_space<semaphore_mem>>
      %dma_start3A = arith.constant 0 : i32
      %dma_start3A_36 = tpu.memref_slice %arg6[%add3A_10, %dma_start3A] : memref<10240x128xf32, #tpu.memory_space<vmem_shared>> -> memref<128x128xf32, #tpu.memory_space<vmem_shared>>
      %dma_start3A_37 = arith.constant 0 : i32
      %dma_start3A_38 = tpu.memref_slice %arg6[%add3A_10, %dma_start3A_37] : memref<10240x128xf32, #tpu.memory_space<vmem_shared>> -> memref<128x128xf32, #tpu.memory_space<vmem_shared>>
      tpu.enqueue_dma source(%arg5 : memref<128x128xf32, #tpu.memory_space<vmem>>) target(%dma_start3A_38 : memref<128x128xf32, #tpu.memory_space<vmem_shared>>) target_semaphore(%run_scoped3A : memref<!tpu.dma_semaphore, #tpu.memory_space<semaphore_mem>>)
      %dma_wait3A = arith.constant 0 : i32
      %dma_wait3A_39 = tpu.memref_slice %arg6[%add3A_10, %dma_wait3A] : memref<10240x128xf32, #tpu.memory_space<vmem_shared>> -> memref<128x128xf32, #tpu.memory_space<vmem_shared>>
      %dma_wait3A_40 = arith.constant 0 : i32
      %dma_wait3A_41 = tpu.memref_slice %arg6[%add3A_10, %dma_wait3A_40] : memref<10240x128xf32, #tpu.memory_space<vmem_shared>> -> memref<128x128xf32, #tpu.memory_space<vmem_shared>>
      tpu.wait_dma2 semaphore(%run_scoped3A : memref<!tpu.dma_semaphore, #tpu.memory_space<semaphore_mem>>) src(%arg5 : memref<128x128xf32, #tpu.memory_space<vmem>>) dst(%dma_wait3A_41 : memref<128x128xf32, #tpu.memory_space<vmem_shared>>)
      tpu.yield
    }) : () -> ()
    %add3A_11 = arith.constant 128 : i32
    %add3A_12 = arith.addi %mul3A_8, %add3A_11 : i32
    "tpu.region"() ({
      %run_scoped3A = tpu.sem_alloc : memref<!tpu.dma_semaphore, #tpu.memory_space<semaphore_mem>>
      %dma_start3A = arith.constant 0 : i32
      %dma_start3A_36 = tpu.memref_slice %arg6[%add3A_12, %dma_start3A] : memref<10240x128xf32, #tpu.memory_space<vmem_shared>> -> memref<128x128xf32, #tpu.memory_space<vmem_shared>>
      %dma_start3A_37 = arith.constant 0 : i32
      %dma_start3A_38 = tpu.memref_slice %arg6[%add3A_12, %dma_start3A_37] : memref<10240x128xf32, #tpu.memory_space<vmem_shared>> -> memref<128x128xf32, #tpu.memory_space<vmem_shared>>
      tpu.enqueue_dma source(%arg5 : memref<128x128xf32, #tpu.memory_space<vmem>>) target(%dma_start3A_38 : memref<128x128xf32, #tpu.memory_space<vmem_shared>>) target_semaphore(%run_scoped3A : memref<!tpu.dma_semaphore, #tpu.memory_space<semaphore_mem>>)
      %dma_wait3A = arith.constant 0 : i32
      %dma_wait3A_39 = tpu.memref_slice %arg6[%add3A_12, %dma_wait3A] : memref<10240x128xf32, #tpu.memory_space<vmem_shared>> -> memref<128x128xf32, #tpu.memory_space<vmem_shared>>
      %dma_wait3A_40 = arith.constant 0 : i32
      %dma_wait3A_41 = tpu.memref_slice %arg6[%add3A_12, %dma_wait3A_40] : memref<10240x128xf32, #tpu.memory_space<vmem_shared>> -> memref<128x128xf32, #tpu.memory_space<vmem_shared>>
      tpu.wait_dma2 semaphore(%run_scoped3A : memref<!tpu.dma_semaphore, #tpu.memory_space<semaphore_mem>>) src(%arg5 : memref<128x128xf32, #tpu.memory_space<vmem>>) dst(%dma_wait3A_41 : memref<128x128xf32, #tpu.memory_space<vmem_shared>>)
      tpu.yield
    }) : () -> ()
    %add3A_13 = arith.constant 256 : i32
    %add3A_14 = arith.addi %mul3A_8, %add3A_13 : i32
    "tpu.region"() ({
      %run_scoped3A = tpu.sem_alloc : memref<!tpu.dma_semaphore, #tpu.memory_space<semaphore_mem>>
      %dma_start3A = arith.constant 0 : i32
      %dma_start3A_36 = tpu.memref_slice %arg6[%add3A_14, %dma_start3A] : memref<10240x128xf32, #tpu.memory_space<vmem_shared>> -> memref<128x128xf32, #tpu.memory_space<vmem_shared>>
      %dma_start3A_37 = arith.constant 0 : i32
      %dma_start3A_38 = tpu.memref_slice %arg6[%add3A_14, %dma_start3A_37] : memref<10240x128xf32, #tpu.memory_space<vmem_shared>> -> memref<128x128xf32, #tpu.memory_space<vmem_shared>>
      tpu.enqueue_dma source(%arg5 : memref<128x128xf32, #tpu.memory_space<vmem>>) target(%dma_start3A_38 : memref<128x128xf32, #tpu.memory_space<vmem_shared>>) target_semaphore(%run_scoped3A : memref<!tpu.dma_semaphore, #tpu.memory_space<semaphore_mem>>)
      %dma_wait3A = arith.constant 0 : i32
      %dma_wait3A_39 = tpu.memref_slice %arg6[%add3A_14, %dma_wait3A] : memref<10240x128xf32, #tpu.memory_space<vmem_shared>> -> memref<128x128xf32, #tpu.memory_space<vmem_shared>>
      %dma_wait3A_40 = arith.constant 0 : i32
      %dma_wait3A_41 = tpu.memref_slice %arg6[%add3A_14, %dma_wait3A_40] : memref<10240x128xf32, #tpu.memory_space<vmem_shared>> -> memref<128x128xf32, #tpu.memory_space<vmem_shared>>
      tpu.wait_dma2 semaphore(%run_scoped3A : memref<!tpu.dma_semaphore, #tpu.memory_space<semaphore_mem>>) src(%arg5 : memref<128x128xf32, #tpu.memory_space<vmem>>) dst(%dma_wait3A_41 : memref<128x128xf32, #tpu.memory_space<vmem_shared>>)
      tpu.yield
    }) : () -> ()
    %add3A_15 = arith.constant 384 : i32
    %add3A_16 = arith.addi %mul3A_8, %add3A_15 : i32
    "tpu.region"() ({
      %run_scoped3A = tpu.sem_alloc : memref<!tpu.dma_semaphore, #tpu.memory_space<semaphore_mem>>
      %dma_start3A = arith.constant 0 : i32
      %dma_start3A_36 = tpu.memref_slice %arg6[%add3A_16, %dma_start3A] : memref<10240x128xf32, #tpu.memory_space<vmem_shared>> -> memref<128x128xf32, #tpu.memory_space<vmem_shared>>
      %dma_start3A_37 = arith.constant 0 : i32
      %dma_start3A_38 = tpu.memref_slice %arg6[%add3A_16, %dma_start3A_37] : memref<10240x128xf32, #tpu.memory_space<vmem_shared>> -> memref<128x128xf32, #tpu.memory_space<vmem_shared>>
      tpu.enqueue_dma source(%arg5 : memref<128x128xf32, #tpu.memory_space<vmem>>) target(%dma_start3A_38 : memref<128x128xf32, #tpu.memory_space<vmem_shared>>) target_semaphore(%run_scoped3A : memref<!tpu.dma_semaphore, #tpu.memory_space<semaphore_mem>>)
      %dma_wait3A = arith.constant 0 : i32
      %dma_wait3A_39 = tpu.memref_slice %arg6[%add3A_16, %dma_wait3A] : memref<10240x128xf32, #tpu.memory_space<vmem_shared>> -> memref<128x128xf32, #tpu.memory_space<vmem_shared>>
      %dma_wait3A_40 = arith.constant 0 : i32
      %dma_wait3A_41 = tpu.memref_slice %arg6[%add3A_16, %dma_wait3A_40] : memref<10240x128xf32, #tpu.memory_space<vmem_shared>> -> memref<128x128xf32, #tpu.memory_space<vmem_shared>>
      tpu.wait_dma2 semaphore(%run_scoped3A : memref<!tpu.dma_semaphore, #tpu.memory_space<semaphore_mem>>) src(%arg5 : memref<128x128xf32, #tpu.memory_space<vmem>>) dst(%dma_wait3A_41 : memref<128x128xf32, #tpu.memory_space<vmem_shared>>)
      tpu.yield
    }) : () -> ()
    %add3A_17 = arith.constant 512 : i32
    %add3A_18 = arith.addi %mul3A_8, %add3A_17 : i32
    "tpu.region"() ({
      %run_scoped3A = tpu.sem_alloc : memref<!tpu.dma_semaphore, #tpu.memory_space<semaphore_mem>>
      %dma_start3A = arith.constant 0 : i32
      %dma_start3A_36 = tpu.memref_slice %arg6[%add3A_18, %dma_start3A] : memref<10240x128xf32, #tpu.memory_space<vmem_shared>> -> memref<128x128xf32, #tpu.memory_space<vmem_shared>>
      %dma_start3A_37 = arith.constant 0 : i32
      %dma_start3A_38 = tpu.memref_slice %arg6[%add3A_18, %dma_start3A_37] : memref<10240x128xf32, #tpu.memory_space<vmem_shared>> -> memref<128x128xf32, #tpu.memory_space<vmem_shared>>
      tpu.enqueue_dma source(%arg5 : memref<128x128xf32, #tpu.memory_space<vmem>>) target(%dma_start3A_38 : memref<128x128xf32, #tpu.memory_space<vmem_shared>>) target_semaphore(%run_scoped3A : memref<!tpu.dma_semaphore, #tpu.memory_space<semaphore_mem>>)
      %dma_wait3A = arith.constant 0 : i32
      %dma_wait3A_39 = tpu.memref_slice %arg6[%add3A_18, %dma_wait3A] : memref<10240x128xf32, #tpu.memory_space<vmem_shared>> -> memref<128x128xf32, #tpu.memory_space<vmem_shared>>
      %dma_wait3A_40 = arith.constant 0 : i32
      %dma_wait3A_41 = tpu.memref_slice %arg6[%add3A_18, %dma_wait3A_40] : memref<10240x128xf32, #tpu.memory_space<vmem_shared>> -> memref<128x128xf32, #tpu.memory_space<vmem_shared>>
      tpu.wait_dma2 semaphore(%run_scoped3A : memref<!tpu.dma_semaphore, #tpu.memory_space<semaphore_mem>>) src(%arg5 : memref<128x128xf32, #tpu.memory_space<vmem>>) dst(%dma_wait3A_41 : memref<128x128xf32, #tpu.memory_space<vmem_shared>>)
      tpu.yield
    }) : () -> ()
    %broadcast_in_dim3A_19 = arith.constant 1.000000e+00 : f32
    %broadcast_in_dim3A_20 = vector.broadcast %broadcast_in_dim3A_19 : f32 to vector<16xf32>
    %scan3A_21 = arith.constant 0 : i32
    %scan3A_22 = arith.constant 0 : i32
    %scan3A_23 = arith.constant 128 : i32
    %scan3A_24 = arith.addi %scan3A_22, %scan3A_23 : i32
    %scan3A_25 = arith.constant 1 : i32
    scf.for %scan3A_36 = %scan3A_22 to %scan3A_24 step %scan3A_25  : i32 {
      %swap3A = arith.index_cast %scan3A_36 : i32 to index
      %swap3A_37 = arith.constant 0 : index
      %swap3A_38 = tpu.vector_load %arg5[%swap3A, %swap3A_37] {strides = array<i32>} : memref<128x128xf32, #tpu.memory_space<vmem>>, vector<1x16xf32>,
      %swap3A_39 = vector.shape_cast %swap3A_38 : vector<1x16xf32> to vector<16xf32>
      %swap3A_40 = vector.shape_cast %broadcast_in_dim3A_20 : vector<16xf32> to vector<1x16xf32>
      tpu.vector_store %arg5[%swap3A, %swap3A_37], %swap3A_40 {strides = array<i32>} : memref<128x128xf32, #tpu.memory_space<vmem>>, vector<1x16xf32>,
      %swap3A_41 = arith.index_cast %scan3A_36 : i32 to index
      %swap3A_42 = arith.constant 16 : index
      %swap3A_43 = tpu.vector_load %arg5[%swap3A_41, %swap3A_42] {strides = array<i32>} : memref<128x128xf32, #tpu.memory_space<vmem>>, vector<1x16xf32>,
      %swap3A_44 = vector.shape_cast %swap3A_43 : vector<1x16xf32> to vector<16xf32>
      %swap3A_45 = vector.shape_cast %broadcast_in_dim3A_20 : vector<16xf32> to vector<1x16xf32>
      tpu.vector_store %arg5[%swap3A_41, %swap3A_42], %swap3A_45 {strides = array<i32>} : memref<128x128xf32, #tpu.memory_space<vmem>>, vector<1x16xf32>,
      %swap3A_46 = arith.index_cast %scan3A_36 : i32 to index
      %swap3A_47 = arith.constant 32 : index
      %swap3A_48 = tpu.vector_load %arg5[%swap3A_46, %swap3A_47] {strides = array<i32>} : memref<128x128xf32, #tpu.memory_space<vmem>>, vector<1x16xf32>,
      %swap3A_49 = vector.shape_cast %swap3A_48 : vector<1x16xf32> to vector<16xf32>
      %swap3A_50 = vector.shape_cast %broadcast_in_dim3A_20 : vector<16xf32> to vector<1x16xf32>
      tpu.vector_store %arg5[%swap3A_46, %swap3A_47], %swap3A_50 {strides = array<i32>} : memref<128x128xf32, #tpu.memory_space<vmem>>, vector<1x16xf32>,
      %swap3A_51 = arith.index_cast %scan3A_36 : i32 to index
      %swap3A_52 = arith.constant 48 : index
      %swap3A_53 = tpu.vector_load %arg5[%swap3A_51, %swap3A_52] {strides = array<i32>} : memref<128x128xf32, #tpu.memory_space<vmem>>, vector<1x16xf32>,
      %swap3A_54 = vector.shape_cast %swap3A_53 : vector<1x16xf32> to vector<16xf32>
      %swap3A_55 = vector.shape_cast %broadcast_in_dim3A_20 : vector<16xf32> to vector<1x16xf32>
      tpu.vector_store %arg5[%swap3A_51, %swap3A_52], %swap3A_55 {strides = array<i32>} : memref<128x128xf32, #tpu.memory_space<vmem>>, vector<1x16xf32>,
      %swap3A_56 = arith.index_cast %scan3A_36 : i32 to index
      %swap3A_57 = arith.constant 64 : index
      %swap3A_58 = tpu.vector_load %arg5[%swap3A_56, %swap3A_57] {strides = array<i32>} : memref<128x128xf32, #tpu.memory_space<vmem>>, vector<1x16xf32>,
      %swap3A_59 = vector.shape_cast %swap3A_58 : vector<1x16xf32> to vector<16xf32>
      %swap3A_60 = vector.shape_cast %broadcast_in_dim3A_20 : vector<16xf32> to vector<1x16xf32>
      tpu.vector_store %arg5[%swap3A_56, %swap3A_57], %swap3A_60 {strides = array<i32>} : memref<128x128xf32, #tpu.memory_space<vmem>>, vector<1x16xf32>,
      %swap3A_61 = arith.index_cast %scan3A_36 : i32 to index
      %swap3A_62 = arith.constant 80 : index
      %swap3A_63 = tpu.vector_load %arg5[%swap3A_61, %swap3A_62] {strides = array<i32>} : memref<128x128xf32, #tpu.memory_space<vmem>>, vector<1x16xf32>,
      %swap3A_64 = vector.shape_cast %swap3A_63 : vector<1x16xf32> to vector<16xf32>
      %swap3A_65 = vector.shape_cast %broadcast_in_dim3A_20 : vector<16xf32> to vector<1x16xf32>
      tpu.vector_store %arg5[%swap3A_61, %swap3A_62], %swap3A_65 {strides = array<i32>} : memref<128x128xf32, #tpu.memory_space<vmem>>, vector<1x16xf32>,
      %swap3A_66 = arith.index_cast %scan3A_36 : i32 to index
      %swap3A_67 = arith.constant 96 : index
      %swap3A_68 = tpu.vector_load %arg5[%swap3A_66, %swap3A_67] {strides = array<i32>} : memref<128x128xf32, #tpu.memory_space<vmem>>, vector<1x16xf32>,
      %swap3A_69 = vector.shape_cast %swap3A_68 : vector<1x16xf32> to vector<16xf32>
      %swap3A_70 = vector.shape_cast %broadcast_in_dim3A_20 : vector<16xf32> to vector<1x16xf32>
      tpu.vector_store %arg5[%swap3A_66, %swap3A_67], %swap3A_70 {strides = array<i32>} : memref<128x128xf32, #tpu.memory_space<vmem>>, vector<1x16xf32>,
      %swap3A_71 = arith.index_cast %scan3A_36 : i32 to index
      %swap3A_72 = arith.constant 112 : index
      %swap3A_73 = tpu.vector_load %arg5[%swap3A_71, %swap3A_72] {strides = array<i32>} : memref<128x128xf32, #tpu.memory_space<vmem>>, vector<1x16xf32>,
      %swap3A_74 = vector.shape_cast %swap3A_73 : vector<1x16xf32> to vector<16xf32>
      %swap3A_75 = vector.shape_cast %broadcast_in_dim3A_20 : vector<16xf32> to vector<1x16xf32>
      tpu.vector_store %arg5[%swap3A_71, %swap3A_72], %swap3A_75 {strides = array<i32>} : memref<128x128xf32, #tpu.memory_space<vmem>>, vector<1x16xf32>,
    }
    %scan3A_26 = arith.constant 128 : i32
    %barrier3A = arith.constant 0 : index
    tpu.barrier barrier_id(%barrier3A)
    %mul3A_27 = arith.constant 80 : i32
    %mul3A_28 = arith.muli %add3A, %mul3A_27 : i32
    "tpu.region"() ({
      %run_scoped3A = tpu.sem_alloc : memref<!tpu.dma_semaphore, #tpu.memory_space<semaphore_mem>>
      %dma_start3A = arith.constant 0 : i32
      %dma_start3A_36 = tpu.memref_slice %arg2[%mul3A_28, %dma_start3A] : memref<2560x128xi32, #tpu.memory_space<hbm>> -> memref<80x128xi32, #tpu.memory_space<hbm>>
      %dma_start3A_37 = arith.constant 0 : i32
      %dma_start3A_38 = tpu.memref_slice %arg2[%mul3A_28, %dma_start3A_37] : memref<2560x128xi32, #tpu.memory_space<hbm>> -> memref<80x128xi32, #tpu.memory_space<hbm>>
      tpu.enqueue_dma source(%dma_start3A_38 : memref<80x128xi32, #tpu.memory_space<hbm>>) target(%arg4 : memref<80x128xi32, #tpu.memory_space<vmem>>) target_semaphore(%run_scoped3A : memref<!tpu.dma_semaphore, #tpu.memory_space<semaphore_mem>>)
      %dma_wait3A = arith.constant 0 : i32
      %dma_wait3A_39 = tpu.memref_slice %arg2[%mul3A_28, %dma_wait3A] : memref<2560x128xi32, #tpu.memory_space<hbm>> -> memref<80x128xi32, #tpu.memory_space<hbm>>
      %dma_wait3A_40 = arith.constant 0 : i32
      %dma_wait3A_41 = tpu.memref_slice %arg2[%mul3A_28, %dma_wait3A_40] : memref<2560x128xi32, #tpu.memory_space<hbm>> -> memref<80x128xi32, #tpu.memory_space<hbm>>
      tpu.wait_dma2 semaphore(%run_scoped3A : memref<!tpu.dma_semaphore, #tpu.memory_space<semaphore_mem>>) src(%dma_wait3A_41 : memref<80x128xi32, #tpu.memory_space<hbm>>) dst(%arg4 : memref<80x128xi32, #tpu.memory_space<vmem>>)
      tpu.yield
    }) : () -> ()
    %scan3A_29 = arith.constant 0 : i32
    %scan3A_30 = arith.constant 0 : i32
    %scan3A_31 = arith.constant 80 : i32
    %scan3A_32 = arith.addi %scan3A_30, %scan3A_31 : i32
    %scan3A_33 = arith.constant 1 : i32
    scf.for %scan3A_36 = %scan3A_30 to %scan3A_32 step %scan3A_33  : i32 {
      "tpu.region"() ({
        %run_scoped3A = tpu.sem_alloc : memref<!tpu.dma_semaphore, #tpu.memory_space<semaphore_mem>>
        %dma_start3A = arith.constant 0 : i32
        %dma_start3A_37 = tpu.memref_slice %arg4[%scan3A_36, %dma_start3A] : memref<80x128xi32, #tpu.memory_space<vmem>> -> memref<1x128xi32, #tpu.memory_space<vmem>>
        %dma_start3A_38 = tpu.memref_squeeze %dma_start3A_37 : memref<1x128xi32, #tpu.memory_space<vmem>> -> memref<128xi32, #tpu.memory_space<vmem>>
        %dma_start3A_39 = arith.constant 0 : i32
        %dma_start3A_40 = arith.constant 0 : i32
        %dma_start3A_41 = tpu.memref_slice %arg6[%dma_start3A_39, %dma_start3A_40] : memref<10240x128xf32, #tpu.memory_space<vmem_shared>> -> memref<10240x128xf32, #tpu.memory_space<vmem_shared>>
        tpu.enqueue_indirect_dma source(%arg5 : memref<128x128xf32, #tpu.memory_space<vmem>>) target(%dma_start3A_41 : memref<10240x128xf32, #tpu.memory_space<vmem_shared>>) offsets(%dma_start3A_38 : memref<128xi32, #tpu.memory_space<vmem>>) semaphore(%run_scoped3A : memref<!tpu.dma_semaphore, #tpu.memory_space<semaphore_mem>>) {add = true}
        %dma_wait3A = arith.constant 0 : i32
        %dma_wait3A_42 = tpu.memref_slice %arg4[%scan3A_36, %dma_wait3A] : memref<80x128xi32, #tpu.memory_space<vmem>> -> memref<1x128xi32, #tpu.memory_space<vmem>>
        %dma_wait3A_43 = tpu.memref_squeeze %dma_wait3A_42 : memref<1x128xi32, #tpu.memory_space<vmem>> -> memref<128xi32, #tpu.memory_space<vmem>>
        %dma_wait3A_44 = arith.constant 0 : i32
        %dma_wait3A_45 = arith.constant 0 : i32
        %dma_wait3A_46 = tpu.memref_slice %arg6[%dma_wait3A_44, %dma_wait3A_45] : memref<10240x128xf32, #tpu.memory_space<vmem_shared>> -> memref<10240x128xf32, #tpu.memory_space<vmem_shared>>
        tpu.wait_indirect_dma semaphore(%run_scoped3A : memref<!tpu.dma_semaphore, #tpu.memory_space<semaphore_mem>>) src(%arg5 : memref<128x128xf32, #tpu.memory_space<vmem>>) dst(%dma_wait3A_46 : memref<10240x128xf32, #tpu.memory_space<vmem_shared>>)
        tpu.yield
      }) : () -> ()
    }
    %scan3A_34 = arith.constant 80 : i32
    %barrier3A_35 = arith.constant 0 : index
    tpu.barrier barrier_id(%barrier3A_35)
    "tpu.region"() ({
      %run_scoped3A = tpu.sem_alloc : memref<!tpu.dma_semaphore, #tpu.memory_space<semaphore_mem>>
      %dma_start3A = arith.constant 0 : i32
      %dma_start3A_36 = tpu.memref_slice %arg3[%arg0, %mul3A_8, %dma_start3A] : memref<2x10240x128xf32, #tpu.memory_space<hbm>> -> memref<1x640x128xf32, #tpu.memory_space<hbm>>
      %dma_start3A_37 = tpu.memref_squeeze %dma_start3A_36 : memref<1x640x128xf32, #tpu.memory_space<hbm>> -> memref<640x128xf32, #tpu.memory_space<hbm>>
      %dma_start3A_38 = arith.constant 0 : i32
      %dma_start3A_39 = tpu.memref_slice %arg6[%mul3A_8, %dma_start3A_38] : memref<10240x128xf32, #tpu.memory_space<vmem_shared>> -> memref<640x128xf32, #tpu.memory_space<vmem_shared>>
      tpu.enqueue_dma source(%dma_start3A_39 : memref<640x128xf32, #tpu.memory_space<vmem_shared>>) target(%dma_start3A_37 : memref<640x128xf32, #tpu.memory_space<hbm>>) target_semaphore(%run_scoped3A : memref<!tpu.dma_semaphore, #tpu.memory_space<semaphore_mem>>)
      %dma_wait3A = arith.constant 0 : i32
      %dma_wait3A_40 = tpu.memref_slice %arg3[%arg0, %mul3A_8, %dma_wait3A] : memref<2x10240x128xf32, #tpu.memory_space<hbm>> -> memref<1x640x128xf32, #tpu.memory_space<hbm>>
      %dma_wait3A_41 = tpu.memref_squeeze %dma_wait3A_40 : memref<1x640x128xf32, #tpu.memory_space<hbm>> -> memref<640x128xf32, #tpu.memory_space<hbm>>
      %dma_wait3A_42 = arith.constant 0 : i32
      %dma_wait3A_43 = tpu.memref_slice %arg6[%mul3A_8, %dma_wait3A_42] : memref<10240x128xf32, #tpu.memory_space<vmem_shared>> -> memref<640x128xf32, #tpu.memory_space<vmem_shared>>
      tpu.wait_dma2 semaphore(%run_scoped3A : memref<!tpu.dma_semaphore, #tpu.memory_space<semaphore_mem>>) src(%dma_wait3A_43 : memref<640x128xf32, #tpu.memory_space<vmem_shared>>) dst(%dma_wait3A_41 : memref<640x128xf32, #tpu.memory_space<hbm>>)
      tpu.yield
    }) : () -> ()
    return
  }
}

#map = affine_map<(d0, d1) -> (0, 0)>
#map1 = affine_map<(d0, d1) -> (0, 0, 0)>
module attributes {stable_mosaic.version = 14 : i64} {
  func.func @_scatter_body(%arg0: i32, %arg1: i32, %arg2: memref<2560x128xi32, #tpu.memory_space<hbm>>, %arg3: memref<2560x128xi32, #tpu.memory_space<hbm>>, %arg4: memref<10240x128xf32, #tpu.memory_space<hbm>>, %arg5: memref<2x10240x128xf32, #tpu.memory_space<hbm>>, %arg6: memref<40x128xi32, #tpu.memory_space<vmem>>, %arg7: memref<40x128xi32, #tpu.memory_space<vmem>>, %arg8: memref<128x128xf32, #tpu.memory_space<vmem>>, %arg9: memref<128x128xf32, #tpu.memory_space<vmem>>, %arg10: memref<10240x128xf32, #tpu.memory_space<vmem_shared>>, %arg11: memref<!tpu.dma_semaphore, #tpu.memory_space<semaphore_mem>>, %arg12: memref<!tpu.dma_semaphore, #tpu.memory_space<semaphore_mem>>) attributes {dimension_semantics = [#tpu.dimension_semantics<core_parallel>, #tpu.dimension_semantics<subcore_parallel>], iteration_bounds = array<i64: 2, 16>, scalar_prefetch = 0 : i64, scratch_operands = 7 : i64, tpu.core_type = #tpu.core_type<sc_vector_subcore>, window_params = [{transform_indices = #map}, {transform_indices = #map}, {transform_indices = #map}, {transform_indices = #map1}]} {
    %mul3A = arith.constant 16 : i32
    %mul3A_0 = arith.muli %arg0, %mul3A : i32
    %add3A = arith.addi %mul3A_0, %arg1 : i32
    %broadcast_in_dim3A = arith.constant 0.000000e+00 : f32
    %broadcast_in_dim3A_1 = vector.broadcast %broadcast_in_dim3A : f32 to vector<16xf32>
    %scan3A = arith.constant 0 : i32
    %scan3A_2 = arith.constant 0 : i32
    %scan3A_3 = arith.constant 128 : i32
    %scan3A_4 = arith.addi %scan3A_2, %scan3A_3 : i32
    %scan3A_5 = arith.constant 1 : i32
    scf.for %scan3A_53 = %scan3A_2 to %scan3A_4 step %scan3A_5  : i32 {
      %swap3A = arith.index_cast %scan3A_53 : i32 to index
      %swap3A_54 = arith.constant 0 : index
      %swap3A_55 = tpu.vector_load %arg8[%swap3A, %swap3A_54] {strides = array<i32>} : memref<128x128xf32, #tpu.memory_space<vmem>>, vector<1x16xf32>,
      %swap3A_56 = vector.shape_cast %swap3A_55 : vector<1x16xf32> to vector<16xf32>
      %swap3A_57 = vector.shape_cast %broadcast_in_dim3A_1 : vector<16xf32> to vector<1x16xf32>
      tpu.vector_store %arg8[%swap3A, %swap3A_54], %swap3A_57 {strides = array<i32>} : memref<128x128xf32, #tpu.memory_space<vmem>>, vector<1x16xf32>,
      %swap3A_58 = arith.index_cast %scan3A_53 : i32 to index
      %swap3A_59 = arith.constant 16 : index
      %swap3A_60 = tpu.vector_load %arg8[%swap3A_58, %swap3A_59] {strides = array<i32>} : memref<128x128xf32, #tpu.memory_space<vmem>>, vector<1x16xf32>,
      %swap3A_61 = vector.shape_cast %swap3A_60 : vector<1x16xf32> to vector<16xf32>
      %swap3A_62 = vector.shape_cast %broadcast_in_dim3A_1 : vector<16xf32> to vector<1x16xf32>
      tpu.vector_store %arg8[%swap3A_58, %swap3A_59], %swap3A_62 {strides = array<i32>} : memref<128x128xf32, #tpu.memory_space<vmem>>, vector<1x16xf32>,
      %swap3A_63 = arith.index_cast %scan3A_53 : i32 to index
      %swap3A_64 = arith.constant 32 : index
      %swap3A_65 = tpu.vector_load %arg8[%swap3A_63, %swap3A_64] {strides = array<i32>} : memref<128x128xf32, #tpu.memory_space<vmem>>, vector<1x16xf32>,
      %swap3A_66 = vector.shape_cast %swap3A_65 : vector<1x16xf32> to vector<16xf32>
      %swap3A_67 = vector.shape_cast %broadcast_in_dim3A_1 : vector<16xf32> to vector<1x16xf32>
      tpu.vector_store %arg8[%swap3A_63, %swap3A_64], %swap3A_67 {strides = array<i32>} : memref<128x128xf32, #tpu.memory_space<vmem>>, vector<1x16xf32>,
      %swap3A_68 = arith.index_cast %scan3A_53 : i32 to index
      %swap3A_69 = arith.constant 48 : index
      %swap3A_70 = tpu.vector_load %arg8[%swap3A_68, %swap3A_69] {strides = array<i32>} : memref<128x128xf32, #tpu.memory_space<vmem>>, vector<1x16xf32>,
      %swap3A_71 = vector.shape_cast %swap3A_70 : vector<1x16xf32> to vector<16xf32>
      %swap3A_72 = vector.shape_cast %broadcast_in_dim3A_1 : vector<16xf32> to vector<1x16xf32>
      tpu.vector_store %arg8[%swap3A_68, %swap3A_69], %swap3A_72 {strides = array<i32>} : memref<128x128xf32, #tpu.memory_space<vmem>>, vector<1x16xf32>,
      %swap3A_73 = arith.index_cast %scan3A_53 : i32 to index
      %swap3A_74 = arith.constant 64 : index
      %swap3A_75 = tpu.vector_load %arg8[%swap3A_73, %swap3A_74] {strides = array<i32>} : memref<128x128xf32, #tpu.memory_space<vmem>>, vector<1x16xf32>,
      %swap3A_76 = vector.shape_cast %swap3A_75 : vector<1x16xf32> to vector<16xf32>
      %swap3A_77 = vector.shape_cast %broadcast_in_dim3A_1 : vector<16xf32> to vector<1x16xf32>
      tpu.vector_store %arg8[%swap3A_73, %swap3A_74], %swap3A_77 {strides = array<i32>} : memref<128x128xf32, #tpu.memory_space<vmem>>, vector<1x16xf32>,
      %swap3A_78 = arith.index_cast %scan3A_53 : i32 to index
      %swap3A_79 = arith.constant 80 : index
      %swap3A_80 = tpu.vector_load %arg8[%swap3A_78, %swap3A_79] {strides = array<i32>} : memref<128x128xf32, #tpu.memory_space<vmem>>, vector<1x16xf32>,
      %swap3A_81 = vector.shape_cast %swap3A_80 : vector<1x16xf32> to vector<16xf32>
      %swap3A_82 = vector.shape_cast %broadcast_in_dim3A_1 : vector<16xf32> to vector<1x16xf32>
      tpu.vector_store %arg8[%swap3A_78, %swap3A_79], %swap3A_82 {strides = array<i32>} : memref<128x128xf32, #tpu.memory_space<vmem>>, vector<1x16xf32>,
      %swap3A_83 = arith.index_cast %scan3A_53 : i32 to index
      %swap3A_84 = arith.constant 96 : index
      %swap3A_85 = tpu.vector_load %arg8[%swap3A_83, %swap3A_84] {strides = array<i32>} : memref<128x128xf32, #tpu.memory_space<vmem>>, vector<1x16xf32>,
      %swap3A_86 = vector.shape_cast %swap3A_85 : vector<1x16xf32> to vector<16xf32>
      %swap3A_87 = vector.shape_cast %broadcast_in_dim3A_1 : vector<16xf32> to vector<1x16xf32>
      tpu.vector_store %arg8[%swap3A_83, %swap3A_84], %swap3A_87 {strides = array<i32>} : memref<128x128xf32, #tpu.memory_space<vmem>>, vector<1x16xf32>,
      %swap3A_88 = arith.index_cast %scan3A_53 : i32 to index
      %swap3A_89 = arith.constant 112 : index
      %swap3A_90 = tpu.vector_load %arg8[%swap3A_88, %swap3A_89] {strides = array<i32>} : memref<128x128xf32, #tpu.memory_space<vmem>>, vector<1x16xf32>,
      %swap3A_91 = vector.shape_cast %swap3A_90 : vector<1x16xf32> to vector<16xf32>
      %swap3A_92 = vector.shape_cast %broadcast_in_dim3A_1 : vector<16xf32> to vector<1x16xf32>
      tpu.vector_store %arg8[%swap3A_88, %swap3A_89], %swap3A_92 {strides = array<i32>} : memref<128x128xf32, #tpu.memory_space<vmem>>, vector<1x16xf32>,
    }
    %scan3A_6 = arith.constant 128 : i32
    %mul3A_7 = arith.constant 640 : i32
    %mul3A_8 = arith.muli %arg1, %mul3A_7 : i32
    %add3A_9 = arith.constant 0 : i32
    %add3A_10 = arith.addi %mul3A_8, %add3A_9 : i32
    "tpu.region"() ({
      %run_scoped3A = tpu.sem_alloc : memref<!tpu.dma_semaphore, #tpu.memory_space<semaphore_mem>>
      %dma_start3A_53 = arith.constant 0 : i32
      %dma_start3A_54 = tpu.memref_slice %arg10[%add3A_10, %dma_start3A_53] : memref<10240x128xf32, #tpu.memory_space<vmem_shared>> -> memref<128x128xf32, #tpu.memory_space<vmem_shared>>
      %dma_start3A_55 = arith.constant 0 : i32
      %dma_start3A_56 = tpu.memref_slice %arg10[%add3A_10, %dma_start3A_55] : memref<10240x128xf32, #tpu.memory_space<vmem_shared>> -> memref<128x128xf32, #tpu.memory_space<vmem_shared>>
      tpu.enqueue_dma source(%arg8 : memref<128x128xf32, #tpu.memory_space<vmem>>) target(%dma_start3A_56 : memref<128x128xf32, #tpu.memory_space<vmem_shared>>) target_semaphore(%run_scoped3A : memref<!tpu.dma_semaphore, #tpu.memory_space<semaphore_mem>>)
      %dma_wait3A = arith.constant 0 : i32
      %dma_wait3A_57 = tpu.memref_slice %arg10[%add3A_10, %dma_wait3A] : memref<10240x128xf32, #tpu.memory_space<vmem_shared>> -> memref<128x128xf32, #tpu.memory_space<vmem_shared>>
      %dma_wait3A_58 = arith.constant 0 : i32
      %dma_wait3A_59 = tpu.memref_slice %arg10[%add3A_10, %dma_wait3A_58] : memref<10240x128xf32, #tpu.memory_space<vmem_shared>> -> memref<128x128xf32, #tpu.memory_space<vmem_shared>>
      tpu.wait_dma2 semaphore(%run_scoped3A : memref<!tpu.dma_semaphore, #tpu.memory_space<semaphore_mem>>) src(%arg8 : memref<128x128xf32, #tpu.memory_space<vmem>>) dst(%dma_wait3A_59 : memref<128x128xf32, #tpu.memory_space<vmem_shared>>)
      tpu.yield
    }) : () -> ()
    %add3A_11 = arith.constant 128 : i32
    %add3A_12 = arith.addi %mul3A_8, %add3A_11 : i32
    "tpu.region"() ({
      %run_scoped3A = tpu.sem_alloc : memref<!tpu.dma_semaphore, #tpu.memory_space<semaphore_mem>>
      %dma_start3A_53 = arith.constant 0 : i32
      %dma_start3A_54 = tpu.memref_slice %arg10[%add3A_12, %dma_start3A_53] : memref<10240x128xf32, #tpu.memory_space<vmem_shared>> -> memref<128x128xf32, #tpu.memory_space<vmem_shared>>
      %dma_start3A_55 = arith.constant 0 : i32
      %dma_start3A_56 = tpu.memref_slice %arg10[%add3A_12, %dma_start3A_55] : memref<10240x128xf32, #tpu.memory_space<vmem_shared>> -> memref<128x128xf32, #tpu.memory_space<vmem_shared>>
      tpu.enqueue_dma source(%arg8 : memref<128x128xf32, #tpu.memory_space<vmem>>) target(%dma_start3A_56 : memref<128x128xf32, #tpu.memory_space<vmem_shared>>) target_semaphore(%run_scoped3A : memref<!tpu.dma_semaphore, #tpu.memory_space<semaphore_mem>>)
      %dma_wait3A = arith.constant 0 : i32
      %dma_wait3A_57 = tpu.memref_slice %arg10[%add3A_12, %dma_wait3A] : memref<10240x128xf32, #tpu.memory_space<vmem_shared>> -> memref<128x128xf32, #tpu.memory_space<vmem_shared>>
      %dma_wait3A_58 = arith.constant 0 : i32
      %dma_wait3A_59 = tpu.memref_slice %arg10[%add3A_12, %dma_wait3A_58] : memref<10240x128xf32, #tpu.memory_space<vmem_shared>> -> memref<128x128xf32, #tpu.memory_space<vmem_shared>>
      tpu.wait_dma2 semaphore(%run_scoped3A : memref<!tpu.dma_semaphore, #tpu.memory_space<semaphore_mem>>) src(%arg8 : memref<128x128xf32, #tpu.memory_space<vmem>>) dst(%dma_wait3A_59 : memref<128x128xf32, #tpu.memory_space<vmem_shared>>)
      tpu.yield
    }) : () -> ()
    %add3A_13 = arith.constant 256 : i32
    %add3A_14 = arith.addi %mul3A_8, %add3A_13 : i32
    "tpu.region"() ({
      %run_scoped3A = tpu.sem_alloc : memref<!tpu.dma_semaphore, #tpu.memory_space<semaphore_mem>>
      %dma_start3A_53 = arith.constant 0 : i32
      %dma_start3A_54 = tpu.memref_slice %arg10[%add3A_14, %dma_start3A_53] : memref<10240x128xf32, #tpu.memory_space<vmem_shared>> -> memref<128x128xf32, #tpu.memory_space<vmem_shared>>
      %dma_start3A_55 = arith.constant 0 : i32
      %dma_start3A_56 = tpu.memref_slice %arg10[%add3A_14, %dma_start3A_55] : memref<10240x128xf32, #tpu.memory_space<vmem_shared>> -> memref<128x128xf32, #tpu.memory_space<vmem_shared>>
      tpu.enqueue_dma source(%arg8 : memref<128x128xf32, #tpu.memory_space<vmem>>) target(%dma_start3A_56 : memref<128x128xf32, #tpu.memory_space<vmem_shared>>) target_semaphore(%run_scoped3A : memref<!tpu.dma_semaphore, #tpu.memory_space<semaphore_mem>>)
      %dma_wait3A = arith.constant 0 : i32
      %dma_wait3A_57 = tpu.memref_slice %arg10[%add3A_14, %dma_wait3A] : memref<10240x128xf32, #tpu.memory_space<vmem_shared>> -> memref<128x128xf32, #tpu.memory_space<vmem_shared>>
      %dma_wait3A_58 = arith.constant 0 : i32
      %dma_wait3A_59 = tpu.memref_slice %arg10[%add3A_14, %dma_wait3A_58] : memref<10240x128xf32, #tpu.memory_space<vmem_shared>> -> memref<128x128xf32, #tpu.memory_space<vmem_shared>>
      tpu.wait_dma2 semaphore(%run_scoped3A : memref<!tpu.dma_semaphore, #tpu.memory_space<semaphore_mem>>) src(%arg8 : memref<128x128xf32, #tpu.memory_space<vmem>>) dst(%dma_wait3A_59 : memref<128x128xf32, #tpu.memory_space<vmem_shared>>)
      tpu.yield
    }) : () -> ()
    %add3A_15 = arith.constant 384 : i32
    %add3A_16 = arith.addi %mul3A_8, %add3A_15 : i32
    "tpu.region"() ({
      %run_scoped3A = tpu.sem_alloc : memref<!tpu.dma_semaphore, #tpu.memory_space<semaphore_mem>>
      %dma_start3A_53 = arith.constant 0 : i32
      %dma_start3A_54 = tpu.memref_slice %arg10[%add3A_16, %dma_start3A_53] : memref<10240x128xf32, #tpu.memory_space<vmem_shared>> -> memref<128x128xf32, #tpu.memory_space<vmem_shared>>
      %dma_start3A_55 = arith.constant 0 : i32
      %dma_start3A_56 = tpu.memref_slice %arg10[%add3A_16, %dma_start3A_55] : memref<10240x128xf32, #tpu.memory_space<vmem_shared>> -> memref<128x128xf32, #tpu.memory_space<vmem_shared>>
      tpu.enqueue_dma source(%arg8 : memref<128x128xf32, #tpu.memory_space<vmem>>) target(%dma_start3A_56 : memref<128x128xf32, #tpu.memory_space<vmem_shared>>) target_semaphore(%run_scoped3A : memref<!tpu.dma_semaphore, #tpu.memory_space<semaphore_mem>>)
      %dma_wait3A = arith.constant 0 : i32
      %dma_wait3A_57 = tpu.memref_slice %arg10[%add3A_16, %dma_wait3A] : memref<10240x128xf32, #tpu.memory_space<vmem_shared>> -> memref<128x128xf32, #tpu.memory_space<vmem_shared>>
      %dma_wait3A_58 = arith.constant 0 : i32
      %dma_wait3A_59 = tpu.memref_slice %arg10[%add3A_16, %dma_wait3A_58] : memref<10240x128xf32, #tpu.memory_space<vmem_shared>> -> memref<128x128xf32, #tpu.memory_space<vmem_shared>>
      tpu.wait_dma2 semaphore(%run_scoped3A : memref<!tpu.dma_semaphore, #tpu.memory_space<semaphore_mem>>) src(%arg8 : memref<128x128xf32, #tpu.memory_space<vmem>>) dst(%dma_wait3A_59 : memref<128x128xf32, #tpu.memory_space<vmem_shared>>)
      tpu.yield
    }) : () -> ()
    %add3A_17 = arith.constant 512 : i32
    %add3A_18 = arith.addi %mul3A_8, %add3A_17 : i32
    "tpu.region"() ({
      %run_scoped3A = tpu.sem_alloc : memref<!tpu.dma_semaphore, #tpu.memory_space<semaphore_mem>>
      %dma_start3A_53 = arith.constant 0 : i32
      %dma_start3A_54 = tpu.memref_slice %arg10[%add3A_18, %dma_start3A_53] : memref<10240x128xf32, #tpu.memory_space<vmem_shared>> -> memref<128x128xf32, #tpu.memory_space<vmem_shared>>
      %dma_start3A_55 = arith.constant 0 : i32
      %dma_start3A_56 = tpu.memref_slice %arg10[%add3A_18, %dma_start3A_55] : memref<10240x128xf32, #tpu.memory_space<vmem_shared>> -> memref<128x128xf32, #tpu.memory_space<vmem_shared>>
      tpu.enqueue_dma source(%arg8 : memref<128x128xf32, #tpu.memory_space<vmem>>) target(%dma_start3A_56 : memref<128x128xf32, #tpu.memory_space<vmem_shared>>) target_semaphore(%run_scoped3A : memref<!tpu.dma_semaphore, #tpu.memory_space<semaphore_mem>>)
      %dma_wait3A = arith.constant 0 : i32
      %dma_wait3A_57 = tpu.memref_slice %arg10[%add3A_18, %dma_wait3A] : memref<10240x128xf32, #tpu.memory_space<vmem_shared>> -> memref<128x128xf32, #tpu.memory_space<vmem_shared>>
      %dma_wait3A_58 = arith.constant 0 : i32
      %dma_wait3A_59 = tpu.memref_slice %arg10[%add3A_18, %dma_wait3A_58] : memref<10240x128xf32, #tpu.memory_space<vmem_shared>> -> memref<128x128xf32, #tpu.memory_space<vmem_shared>>
      tpu.wait_dma2 semaphore(%run_scoped3A : memref<!tpu.dma_semaphore, #tpu.memory_space<semaphore_mem>>) src(%arg8 : memref<128x128xf32, #tpu.memory_space<vmem>>) dst(%dma_wait3A_59 : memref<128x128xf32, #tpu.memory_space<vmem_shared>>)
      tpu.yield
    }) : () -> ()
    %barrier3A = arith.constant 0 : index
    tpu.barrier barrier_id(%barrier3A)
    %mul3A_19 = arith.constant 80 : i32
    %mul3A_20 = arith.muli %add3A, %mul3A_19 : i32
    %add3A_21 = arith.constant 0 : i32
    %add3A_22 = arith.addi %mul3A_20, %add3A_21 : i32
    "tpu.region"() ({
      %run_scoped3A = tpu.sem_alloc : memref<!tpu.dma_semaphore, #tpu.memory_space<semaphore_mem>>
      %dma_start3A_53 = arith.constant 0 : i32
      %dma_start3A_54 = tpu.memref_slice %arg2[%add3A_22, %dma_start3A_53] : memref<2560x128xi32, #tpu.memory_space<hbm>> -> memref<40x128xi32, #tpu.memory_space<hbm>>
      %dma_start3A_55 = arith.constant 0 : i32
      %dma_start3A_56 = tpu.memref_slice %arg2[%add3A_22, %dma_start3A_55] : memref<2560x128xi32, #tpu.memory_space<hbm>> -> memref<40x128xi32, #tpu.memory_space<hbm>>
      tpu.enqueue_dma source(%dma_start3A_56 : memref<40x128xi32, #tpu.memory_space<hbm>>) target(%arg6 : memref<40x128xi32, #tpu.memory_space<vmem>>) target_semaphore(%run_scoped3A : memref<!tpu.dma_semaphore, #tpu.memory_space<semaphore_mem>>)
      %dma_wait3A = arith.constant 0 : i32
      %dma_wait3A_57 = tpu.memref_slice %arg2[%add3A_22, %dma_wait3A] : memref<2560x128xi32, #tpu.memory_space<hbm>> -> memref<40x128xi32, #tpu.memory_space<hbm>>
      %dma_wait3A_58 = arith.constant 0 : i32
      %dma_wait3A_59 = tpu.memref_slice %arg2[%add3A_22, %dma_wait3A_58] : memref<2560x128xi32, #tpu.memory_space<hbm>> -> memref<40x128xi32, #tpu.memory_space<hbm>>
      tpu.wait_dma2 semaphore(%run_scoped3A : memref<!tpu.dma_semaphore, #tpu.memory_space<semaphore_mem>>) src(%dma_wait3A_59 : memref<40x128xi32, #tpu.memory_space<hbm>>) dst(%arg6 : memref<40x128xi32, #tpu.memory_space<vmem>>)
      tpu.yield
    }) : () -> ()
    "tpu.region"() ({
      %run_scoped3A = tpu.sem_alloc : memref<!tpu.dma_semaphore, #tpu.memory_space<semaphore_mem>>
      %dma_start3A_53 = arith.constant 0 : i32
      %dma_start3A_54 = tpu.memref_slice %arg3[%add3A_22, %dma_start3A_53] : memref<2560x128xi32, #tpu.memory_space<hbm>> -> memref<40x128xi32, #tpu.memory_space<hbm>>
      %dma_start3A_55 = arith.constant 0 : i32
      %dma_start3A_56 = tpu.memref_slice %arg3[%add3A_22, %dma_start3A_55] : memref<2560x128xi32, #tpu.memory_space<hbm>> -> memref<40x128xi32, #tpu.memory_space<hbm>>
      tpu.enqueue_dma source(%dma_start3A_56 : memref<40x128xi32, #tpu.memory_space<hbm>>) target(%arg7 : memref<40x128xi32, #tpu.memory_space<vmem>>) target_semaphore(%run_scoped3A : memref<!tpu.dma_semaphore, #tpu.memory_space<semaphore_mem>>)
      %dma_wait3A = arith.constant 0 : i32
      %dma_wait3A_57 = tpu.memref_slice %arg3[%add3A_22, %dma_wait3A] : memref<2560x128xi32, #tpu.memory_space<hbm>> -> memref<40x128xi32, #tpu.memory_space<hbm>>
      %dma_wait3A_58 = arith.constant 0 : i32
      %dma_wait3A_59 = tpu.memref_slice %arg3[%add3A_22, %dma_wait3A_58] : memref<2560x128xi32, #tpu.memory_space<hbm>> -> memref<40x128xi32, #tpu.memory_space<hbm>>
      tpu.wait_dma2 semaphore(%run_scoped3A : memref<!tpu.dma_semaphore, #tpu.memory_space<semaphore_mem>>) src(%dma_wait3A_59 : memref<40x128xi32, #tpu.memory_space<hbm>>) dst(%arg7 : memref<40x128xi32, #tpu.memory_space<vmem>>)
      tpu.yield
    }) : () -> ()
    %dma_start3A = arith.constant 0 : i32
    %dma_start3A_23 = arith.constant 0 : i32
    %dma_start3A_24 = tpu.memref_slice %arg6[%dma_start3A, %dma_start3A_23] : memref<40x128xi32, #tpu.memory_space<vmem>> -> memref<1x128xi32, #tpu.memory_space<vmem>>
    %dma_start3A_25 = tpu.memref_squeeze %dma_start3A_24 : memref<1x128xi32, #tpu.memory_space<vmem>> -> memref<128xi32, #tpu.memory_space<vmem>>
    %dma_start3A_26 = arith.constant 0 : i32
    %dma_start3A_27 = arith.constant 0 : i32
    %dma_start3A_28 = tpu.memref_slice %arg4[%dma_start3A_26, %dma_start3A_27] : memref<10240x128xf32, #tpu.memory_space<hbm>> -> memref<10240x128xf32, #tpu.memory_space<hbm>>
    tpu.enqueue_indirect_dma source(%dma_start3A_28 : memref<10240x128xf32, #tpu.memory_space<hbm>>) target(%arg8 : memref<128x128xf32, #tpu.memory_space<vmem>>) offsets(%dma_start3A_25 : memref<128xi32, #tpu.memory_space<vmem>>) semaphore(%arg11 : memref<!tpu.dma_semaphore, #tpu.memory_space<semaphore_mem>>)
    %scan3A_29 = arith.constant 0 : i32
    %scan3A_30 = arith.constant 0 : i32
    %scan3A_31 = arith.constant 20 : i32
    %scan3A_32 = arith.addi %scan3A_30, %scan3A_31 : i32
    %scan3A_33 = arith.constant 1 : i32
    scf.for %scan3A_53 = %scan3A_30 to %scan3A_32 step %scan3A_33  : i32 {
      %mul3A_54 = arith.constant 2 : i32
      %mul3A_55 = arith.muli %scan3A_53, %mul3A_54 : i32
      %add3A_56 = arith.constant 1 : i32
      %add3A_57 = arith.addi %mul3A_55, %add3A_56 : i32
      %dma_start3A_58 = arith.constant 0 : i32
      %dma_start3A_59 = tpu.memref_slice %arg6[%add3A_57, %dma_start3A_58] : memref<40x128xi32, #tpu.memory_space<vmem>> -> memref<1x128xi32, #tpu.memory_space<vmem>>
      %dma_start3A_60 = tpu.memref_squeeze %dma_start3A_59 : memref<1x128xi32, #tpu.memory_space<vmem>> -> memref<128xi32, #tpu.memory_space<vmem>>
      %dma_start3A_61 = arith.constant 0 : i32
      %dma_start3A_62 = arith.constant 0 : i32
      %dma_start3A_63 = tpu.memref_slice %arg4[%dma_start3A_61, %dma_start3A_62] : memref<10240x128xf32, #tpu.memory_space<hbm>> -> memref<10240x128xf32, #tpu.memory_space<hbm>>
      tpu.enqueue_indirect_dma source(%dma_start3A_63 : memref<10240x128xf32, #tpu.memory_space<hbm>>) target(%arg9 : memref<128x128xf32, #tpu.memory_space<vmem>>) offsets(%dma_start3A_60 : memref<128xi32, #tpu.memory_space<vmem>>) semaphore(%arg12 : memref<!tpu.dma_semaphore, #tpu.memory_space<semaphore_mem>>)
      %dma_wait3A = arith.constant 0 : i32
      %dma_wait3A_64 = arith.constant 0 : i32
      %dma_wait3A_65 = tpu.memref_slice %arg4[%dma_wait3A, %dma_wait3A_64] : memref<10240x128xf32, #tpu.memory_space<hbm>> -> memref<128x128xf32, #tpu.memory_space<hbm>>
      %dma_wait3A_66 = arith.constant 0 : i32
      %dma_wait3A_67 = arith.constant 0 : i32
      %dma_wait3A_68 = tpu.memref_slice %arg4[%dma_wait3A_66, %dma_wait3A_67] : memref<10240x128xf32, #tpu.memory_space<hbm>> -> memref<128x128xf32, #tpu.memory_space<hbm>>
      tpu.wait_dma2 semaphore(%arg11 : memref<!tpu.dma_semaphore, #tpu.memory_space<semaphore_mem>>) src(%dma_wait3A_68 : memref<128x128xf32, #tpu.memory_space<hbm>>) dst(%arg8 : memref<128x128xf32, #tpu.memory_space<vmem>>)
      "tpu.region"() ({
        %run_scoped3A = tpu.sem_alloc : memref<!tpu.dma_semaphore, #tpu.memory_space<semaphore_mem>>
        %dma_start3A_81 = arith.constant 0 : i32
        %dma_start3A_82 = tpu.memref_slice %arg7[%mul3A_55, %dma_start3A_81] : memref<40x128xi32, #tpu.memory_space<vmem>> -> memref<1x128xi32, #tpu.memory_space<vmem>>
        %dma_start3A_83 = tpu.memref_squeeze %dma_start3A_82 : memref<1x128xi32, #tpu.memory_space<vmem>> -> memref<128xi32, #tpu.memory_space<vmem>>
        %dma_start3A_84 = arith.constant 0 : i32
        %dma_start3A_85 = arith.constant 0 : i32
        %dma_start3A_86 = tpu.memref_slice %arg10[%dma_start3A_84, %dma_start3A_85] : memref<10240x128xf32, #tpu.memory_space<vmem_shared>> -> memref<10240x128xf32, #tpu.memory_space<vmem_shared>>
        tpu.enqueue_indirect_dma source(%arg8 : memref<128x128xf32, #tpu.memory_space<vmem>>) target(%dma_start3A_86 : memref<10240x128xf32, #tpu.memory_space<vmem_shared>>) offsets(%dma_start3A_83 : memref<128xi32, #tpu.memory_space<vmem>>) semaphore(%run_scoped3A : memref<!tpu.dma_semaphore, #tpu.memory_space<semaphore_mem>>) {add = true}
        %dma_wait3A_87 = arith.constant 0 : i32
        %dma_wait3A_88 = tpu.memref_slice %arg7[%mul3A_55, %dma_wait3A_87] : memref<40x128xi32, #tpu.memory_space<vmem>> -> memref<1x128xi32, #tpu.memory_space<vmem>>
        %dma_wait3A_89 = tpu.memref_squeeze %dma_wait3A_88 : memref<1x128xi32, #tpu.memory_space<vmem>> -> memref<128xi32, #tpu.memory_space<vmem>>
        %dma_wait3A_90 = arith.constant 0 : i32
        %dma_wait3A_91 = arith.constant 0 : i32
        %dma_wait3A_92 = tpu.memref_slice %arg10[%dma_wait3A_90, %dma_wait3A_91] : memref<10240x128xf32, #tpu.memory_space<vmem_shared>> -> memref<10240x128xf32, #tpu.memory_space<vmem_shared>>
        tpu.wait_indirect_dma semaphore(%run_scoped3A : memref<!tpu.dma_semaphore, #tpu.memory_space<semaphore_mem>>) src(%arg8 : memref<128x128xf32, #tpu.memory_space<vmem>>) dst(%dma_wait3A_92 : memref<10240x128xf32, #tpu.memory_space<vmem_shared>>)
        tpu.yield
      }) : () -> ()
      %add3A_69 = arith.constant 1 : i32
      %add3A_70 = arith.addi %scan3A_53, %add3A_69 : i32
      %lt3A = arith.constant 20 : i32
      %lt3A_71 = arith.cmpi slt, %add3A_70, %lt3A : i32
      %convert_element_type3A = arith.extui %lt3A_71 : i1 to i32
      %cond3A = arith.constant 0 : i32
      %cond3A_72 = arith.cmpi ne, %convert_element_type3A, %cond3A : i32
      scf.if %cond3A_72 {
        %add3A_81 = arith.constant 2 : i32
        %add3A_82 = arith.addi %mul3A_55, %add3A_81 : i32
        %dma_start3A_83 = arith.constant 0 : i32
        %dma_start3A_84 = tpu.memref_slice %arg6[%add3A_82, %dma_start3A_83] : memref<40x128xi32, #tpu.memory_space<vmem>> -> memref<1x128xi32, #tpu.memory_space<vmem>>
        %dma_start3A_85 = tpu.memref_squeeze %dma_start3A_84 : memref<1x128xi32, #tpu.memory_space<vmem>> -> memref<128xi32, #tpu.memory_space<vmem>>
        %dma_start3A_86 = arith.constant 0 : i32
        %dma_start3A_87 = arith.constant 0 : i32
        %dma_start3A_88 = tpu.memref_slice %arg4[%dma_start3A_86, %dma_start3A_87] : memref<10240x128xf32, #tpu.memory_space<hbm>> -> memref<10240x128xf32, #tpu.memory_space<hbm>>
        tpu.enqueue_indirect_dma source(%dma_start3A_88 : memref<10240x128xf32, #tpu.memory_space<hbm>>) target(%arg8 : memref<128x128xf32, #tpu.memory_space<vmem>>) offsets(%dma_start3A_85 : memref<128xi32, #tpu.memory_space<vmem>>) semaphore(%arg11 : memref<!tpu.dma_semaphore, #tpu.memory_space<semaphore_mem>>)
      } else {
      }
      %dma_wait3A_73 = arith.constant 0 : i32
      %dma_wait3A_74 = tpu.memref_slice %arg6[%add3A_57, %dma_wait3A_73] : memref<40x128xi32, #tpu.memory_space<vmem>> -> memref<1x128xi32, #tpu.memory_space<vmem>>
      %dma_wait3A_75 = tpu.memref_squeeze %dma_wait3A_74 : memref<1x128xi32, #tpu.memory_space<vmem>> -> memref<128xi32, #tpu.memory_space<vmem>>
      %dma_wait3A_76 = arith.constant 0 : i32
      %dma_wait3A_77 = arith.constant 0 : i32
      %dma_wait3A_78 = tpu.memref_slice %arg4[%dma_wait3A_76, %dma_wait3A_77] : memref<10240x128xf32, #tpu.memory_space<hbm>> -> memref<10240x128xf32, #tpu.memory_space<hbm>>
      tpu.wait_indirect_dma semaphore(%arg12 : memref<!tpu.dma_semaphore, #tpu.memory_space<semaphore_mem>>) src(%dma_wait3A_78 : memref<10240x128xf32, #tpu.memory_space<hbm>>) dst(%arg9 : memref<128x128xf32, #tpu.memory_space<vmem>>)
      %add3A_79 = arith.constant 1 : i32
      %add3A_80 = arith.addi %mul3A_55, %add3A_79 : i32
      "tpu.region"() ({
        %run_scoped3A = tpu.sem_alloc : memref<!tpu.dma_semaphore, #tpu.memory_space<semaphore_mem>>
        %dma_start3A_81 = arith.constant 0 : i32
        %dma_start3A_82 = tpu.memref_slice %arg7[%add3A_80, %dma_start3A_81] : memref<40x128xi32, #tpu.memory_space<vmem>> -> memref<1x128xi32, #tpu.memory_space<vmem>>
        %dma_start3A_83 = tpu.memref_squeeze %dma_start3A_82 : memref<1x128xi32, #tpu.memory_space<vmem>> -> memref<128xi32, #tpu.memory_space<vmem>>
        %dma_start3A_84 = arith.constant 0 : i32
        %dma_start3A_85 = arith.constant 0 : i32
        %dma_start3A_86 = tpu.memref_slice %arg10[%dma_start3A_84, %dma_start3A_85] : memref<10240x128xf32, #tpu.memory_space<vmem_shared>> -> memref<10240x128xf32, #tpu.memory_space<vmem_shared>>
        tpu.enqueue_indirect_dma source(%arg9 : memref<128x128xf32, #tpu.memory_space<vmem>>) target(%dma_start3A_86 : memref<10240x128xf32, #tpu.memory_space<vmem_shared>>) offsets(%dma_start3A_83 : memref<128xi32, #tpu.memory_space<vmem>>) semaphore(%run_scoped3A : memref<!tpu.dma_semaphore, #tpu.memory_space<semaphore_mem>>) {add = true}
        %dma_wait3A_87 = arith.constant 0 : i32
        %dma_wait3A_88 = tpu.memref_slice %arg7[%add3A_80, %dma_wait3A_87] : memref<40x128xi32, #tpu.memory_space<vmem>> -> memref<1x128xi32, #tpu.memory_space<vmem>>
        %dma_wait3A_89 = tpu.memref_squeeze %dma_wait3A_88 : memref<1x128xi32, #tpu.memory_space<vmem>> -> memref<128xi32, #tpu.memory_space<vmem>>
        %dma_wait3A_90 = arith.constant 0 : i32
        %dma_wait3A_91 = arith.constant 0 : i32
        %dma_wait3A_92 = tpu.memref_slice %arg10[%dma_wait3A_90, %dma_wait3A_91] : memref<10240x128xf32, #tpu.memory_space<vmem_shared>> -> memref<10240x128xf32, #tpu.memory_space<vmem_shared>>
        tpu.wait_indirect_dma semaphore(%run_scoped3A : memref<!tpu.dma_semaphore, #tpu.memory_space<semaphore_mem>>) src(%arg9 : memref<128x128xf32, #tpu.memory_space<vmem>>) dst(%dma_wait3A_92 : memref<10240x128xf32, #tpu.memory_space<vmem_shared>>)
        tpu.yield
      }) : () -> ()
    }
    %scan3A_34 = arith.constant 20 : i32
    %mul3A_35 = arith.constant 80 : i32
    %mul3A_36 = arith.muli %add3A, %mul3A_35 : i32
    %add3A_37 = arith.constant 40 : i32
    %add3A_38 = arith.addi %mul3A_36, %add3A_37 : i32
    "tpu.region"() ({
      %run_scoped3A = tpu.sem_alloc : memref<!tpu.dma_semaphore, #tpu.memory_space<semaphore_mem>>
      %dma_start3A_53 = arith.constant 0 : i32
      %dma_start3A_54 = tpu.memref_slice %arg2[%add3A_38, %dma_start3A_53] : memref<2560x128xi32, #tpu.memory_space<hbm>> -> memref<40x128xi32, #tpu.memory_space<hbm>>
      %dma_start3A_55 = arith.constant 0 : i32
      %dma_start3A_56 = tpu.memref_slice %arg2[%add3A_38, %dma_start3A_55] : memref<2560x128xi32, #tpu.memory_space<hbm>> -> memref<40x128xi32, #tpu.memory_space<hbm>>
      tpu.enqueue_dma source(%dma_start3A_56 : memref<40x128xi32, #tpu.memory_space<hbm>>) target(%arg6 : memref<40x128xi32, #tpu.memory_space<vmem>>) target_semaphore(%run_scoped3A : memref<!tpu.dma_semaphore, #tpu.memory_space<semaphore_mem>>)
      %dma_wait3A = arith.constant 0 : i32
      %dma_wait3A_57 = tpu.memref_slice %arg2[%add3A_38, %dma_wait3A] : memref<2560x128xi32, #tpu.memory_space<hbm>> -> memref<40x128xi32, #tpu.memory_space<hbm>>
      %dma_wait3A_58 = arith.constant 0 : i32
      %dma_wait3A_59 = tpu.memref_slice %arg2[%add3A_38, %dma_wait3A_58] : memref<2560x128xi32, #tpu.memory_space<hbm>> -> memref<40x128xi32, #tpu.memory_space<hbm>>
      tpu.wait_dma2 semaphore(%run_scoped3A : memref<!tpu.dma_semaphore, #tpu.memory_space<semaphore_mem>>) src(%dma_wait3A_59 : memref<40x128xi32, #tpu.memory_space<hbm>>) dst(%arg6 : memref<40x128xi32, #tpu.memory_space<vmem>>)
      tpu.yield
    }) : () -> ()
    "tpu.region"() ({
      %run_scoped3A = tpu.sem_alloc : memref<!tpu.dma_semaphore, #tpu.memory_space<semaphore_mem>>
      %dma_start3A_53 = arith.constant 0 : i32
      %dma_start3A_54 = tpu.memref_slice %arg3[%add3A_38, %dma_start3A_53] : memref<2560x128xi32, #tpu.memory_space<hbm>> -> memref<40x128xi32, #tpu.memory_space<hbm>>
      %dma_start3A_55 = arith.constant 0 : i32
      %dma_start3A_56 = tpu.memref_slice %arg3[%add3A_38, %dma_start3A_55] : memref<2560x128xi32, #tpu.memory_space<hbm>> -> memref<40x128xi32, #tpu.memory_space<hbm>>
      tpu.enqueue_dma source(%dma_start3A_56 : memref<40x128xi32, #tpu.memory_space<hbm>>) target(%arg7 : memref<40x128xi32, #tpu.memory_space<vmem>>) target_semaphore(%run_scoped3A : memref<!tpu.dma_semaphore, #tpu.memory_space<semaphore_mem>>)
      %dma_wait3A = arith.constant 0 : i32
      %dma_wait3A_57 = tpu.memref_slice %arg3[%add3A_38, %dma_wait3A] : memref<2560x128xi32, #tpu.memory_space<hbm>> -> memref<40x128xi32, #tpu.memory_space<hbm>>
      %dma_wait3A_58 = arith.constant 0 : i32
      %dma_wait3A_59 = tpu.memref_slice %arg3[%add3A_38, %dma_wait3A_58] : memref<2560x128xi32, #tpu.memory_space<hbm>> -> memref<40x128xi32, #tpu.memory_space<hbm>>
      tpu.wait_dma2 semaphore(%run_scoped3A : memref<!tpu.dma_semaphore, #tpu.memory_space<semaphore_mem>>) src(%dma_wait3A_59 : memref<40x128xi32, #tpu.memory_space<hbm>>) dst(%arg7 : memref<40x128xi32, #tpu.memory_space<vmem>>)
      tpu.yield
    }) : () -> ()
    %dma_start3A_39 = arith.constant 0 : i32
    %dma_start3A_40 = arith.constant 0 : i32
    %dma_start3A_41 = tpu.memref_slice %arg6[%dma_start3A_39, %dma_start3A_40] : memref<40x128xi32, #tpu.memory_space<vmem>> -> memref<1x128xi32, #tpu.memory_space<vmem>>
    %dma_start3A_42 = tpu.memref_squeeze %dma_start3A_41 : memref<1x128xi32, #tpu.memory_space<vmem>> -> memref<128xi32, #tpu.memory_space<vmem>>
    %dma_start3A_43 = arith.constant 0 : i32
    %dma_start3A_44 = arith.constant 0 : i32
    %dma_start3A_45 = tpu.memref_slice %arg4[%dma_start3A_43, %dma_start3A_44] : memref<10240x128xf32, #tpu.memory_space<hbm>> -> memref<10240x128xf32, #tpu.memory_space<hbm>>
    tpu.enqueue_indirect_dma source(%dma_start3A_45 : memref<10240x128xf32, #tpu.memory_space<hbm>>) target(%arg8 : memref<128x128xf32, #tpu.memory_space<vmem>>) offsets(%dma_start3A_42 : memref<128xi32, #tpu.memory_space<vmem>>) semaphore(%arg11 : memref<!tpu.dma_semaphore, #tpu.memory_space<semaphore_mem>>)
    %scan3A_46 = arith.constant 0 : i32
    %scan3A_47 = arith.constant 0 : i32
    %scan3A_48 = arith.constant 20 : i32
    %scan3A_49 = arith.addi %scan3A_47, %scan3A_48 : i32
    %scan3A_50 = arith.constant 1 : i32
    scf.for %scan3A_53 = %scan3A_47 to %scan3A_49 step %scan3A_50  : i32 {
      %mul3A_54 = arith.constant 2 : i32
      %mul3A_55 = arith.muli %scan3A_53, %mul3A_54 : i32
      %add3A_56 = arith.constant 1 : i32
      %add3A_57 = arith.addi %mul3A_55, %add3A_56 : i32
      %dma_start3A_58 = arith.constant 0 : i32
      %dma_start3A_59 = tpu.memref_slice %arg6[%add3A_57, %dma_start3A_58] : memref<40x128xi32, #tpu.memory_space<vmem>> -> memref<1x128xi32, #tpu.memory_space<vmem>>
      %dma_start3A_60 = tpu.memref_squeeze %dma_start3A_59 : memref<1x128xi32, #tpu.memory_space<vmem>> -> memref<128xi32, #tpu.memory_space<vmem>>
      %dma_start3A_61 = arith.constant 0 : i32
      %dma_start3A_62 = arith.constant 0 : i32
      %dma_start3A_63 = tpu.memref_slice %arg4[%dma_start3A_61, %dma_start3A_62] : memref<10240x128xf32, #tpu.memory_space<hbm>> -> memref<10240x128xf32, #tpu.memory_space<hbm>>
      tpu.enqueue_indirect_dma source(%dma_start3A_63 : memref<10240x128xf32, #tpu.memory_space<hbm>>) target(%arg9 : memref<128x128xf32, #tpu.memory_space<vmem>>) offsets(%dma_start3A_60 : memref<128xi32, #tpu.memory_space<vmem>>) semaphore(%arg12 : memref<!tpu.dma_semaphore, #tpu.memory_space<semaphore_mem>>)
      %dma_wait3A = arith.constant 0 : i32
      %dma_wait3A_64 = arith.constant 0 : i32
      %dma_wait3A_65 = tpu.memref_slice %arg4[%dma_wait3A, %dma_wait3A_64] : memref<10240x128xf32, #tpu.memory_space<hbm>> -> memref<128x128xf32, #tpu.memory_space<hbm>>
      %dma_wait3A_66 = arith.constant 0 : i32
      %dma_wait3A_67 = arith.constant 0 : i32
      %dma_wait3A_68 = tpu.memref_slice %arg4[%dma_wait3A_66, %dma_wait3A_67] : memref<10240x128xf32, #tpu.memory_space<hbm>> -> memref<128x128xf32, #tpu.memory_space<hbm>>
      tpu.wait_dma2 semaphore(%arg11 : memref<!tpu.dma_semaphore, #tpu.memory_space<semaphore_mem>>) src(%dma_wait3A_68 : memref<128x128xf32, #tpu.memory_space<hbm>>) dst(%arg8 : memref<128x128xf32, #tpu.memory_space<vmem>>)
      "tpu.region"() ({
        %run_scoped3A = tpu.sem_alloc : memref<!tpu.dma_semaphore, #tpu.memory_space<semaphore_mem>>
        %dma_start3A_81 = arith.constant 0 : i32
        %dma_start3A_82 = tpu.memref_slice %arg7[%mul3A_55, %dma_start3A_81] : memref<40x128xi32, #tpu.memory_space<vmem>> -> memref<1x128xi32, #tpu.memory_space<vmem>>
        %dma_start3A_83 = tpu.memref_squeeze %dma_start3A_82 : memref<1x128xi32, #tpu.memory_space<vmem>> -> memref<128xi32, #tpu.memory_space<vmem>>
        %dma_start3A_84 = arith.constant 0 : i32
        %dma_start3A_85 = arith.constant 0 : i32
        %dma_start3A_86 = tpu.memref_slice %arg10[%dma_start3A_84, %dma_start3A_85] : memref<10240x128xf32, #tpu.memory_space<vmem_shared>> -> memref<10240x128xf32, #tpu.memory_space<vmem_shared>>
        tpu.enqueue_indirect_dma source(%arg8 : memref<128x128xf32, #tpu.memory_space<vmem>>) target(%dma_start3A_86 : memref<10240x128xf32, #tpu.memory_space<vmem_shared>>) offsets(%dma_start3A_83 : memref<128xi32, #tpu.memory_space<vmem>>) semaphore(%run_scoped3A : memref<!tpu.dma_semaphore, #tpu.memory_space<semaphore_mem>>) {add = true}
        %dma_wait3A_87 = arith.constant 0 : i32
        %dma_wait3A_88 = tpu.memref_slice %arg7[%mul3A_55, %dma_wait3A_87] : memref<40x128xi32, #tpu.memory_space<vmem>> -> memref<1x128xi32, #tpu.memory_space<vmem>>
        %dma_wait3A_89 = tpu.memref_squeeze %dma_wait3A_88 : memref<1x128xi32, #tpu.memory_space<vmem>> -> memref<128xi32, #tpu.memory_space<vmem>>
        %dma_wait3A_90 = arith.constant 0 : i32
        %dma_wait3A_91 = arith.constant 0 : i32
        %dma_wait3A_92 = tpu.memref_slice %arg10[%dma_wait3A_90, %dma_wait3A_91] : memref<10240x128xf32, #tpu.memory_space<vmem_shared>> -> memref<10240x128xf32, #tpu.memory_space<vmem_shared>>
        tpu.wait_indirect_dma semaphore(%run_scoped3A : memref<!tpu.dma_semaphore, #tpu.memory_space<semaphore_mem>>) src(%arg8 : memref<128x128xf32, #tpu.memory_space<vmem>>) dst(%dma_wait3A_92 : memref<10240x128xf32, #tpu.memory_space<vmem_shared>>)
        tpu.yield
      }) : () -> ()
      %add3A_69 = arith.constant 1 : i32
      %add3A_70 = arith.addi %scan3A_53, %add3A_69 : i32
      %lt3A = arith.constant 20 : i32
      %lt3A_71 = arith.cmpi slt, %add3A_70, %lt3A : i32
      %convert_element_type3A = arith.extui %lt3A_71 : i1 to i32
      %cond3A = arith.constant 0 : i32
      %cond3A_72 = arith.cmpi ne, %convert_element_type3A, %cond3A : i32
      scf.if %cond3A_72 {
        %add3A_81 = arith.constant 2 : i32
        %add3A_82 = arith.addi %mul3A_55, %add3A_81 : i32
        %dma_start3A_83 = arith.constant 0 : i32
        %dma_start3A_84 = tpu.memref_slice %arg6[%add3A_82, %dma_start3A_83] : memref<40x128xi32, #tpu.memory_space<vmem>> -> memref<1x128xi32, #tpu.memory_space<vmem>>
        %dma_start3A_85 = tpu.memref_squeeze %dma_start3A_84 : memref<1x128xi32, #tpu.memory_space<vmem>> -> memref<128xi32, #tpu.memory_space<vmem>>
        %dma_start3A_86 = arith.constant 0 : i32
        %dma_start3A_87 = arith.constant 0 : i32
        %dma_start3A_88 = tpu.memref_slice %arg4[%dma_start3A_86, %dma_start3A_87] : memref<10240x128xf32, #tpu.memory_space<hbm>> -> memref<10240x128xf32, #tpu.memory_space<hbm>>
        tpu.enqueue_indirect_dma source(%dma_start3A_88 : memref<10240x128xf32, #tpu.memory_space<hbm>>) target(%arg8 : memref<128x128xf32, #tpu.memory_space<vmem>>) offsets(%dma_start3A_85 : memref<128xi32, #tpu.memory_space<vmem>>) semaphore(%arg11 : memref<!tpu.dma_semaphore, #tpu.memory_space<semaphore_mem>>)
      } else {
      }
      %dma_wait3A_73 = arith.constant 0 : i32
      %dma_wait3A_74 = tpu.memref_slice %arg6[%add3A_57, %dma_wait3A_73] : memref<40x128xi32, #tpu.memory_space<vmem>> -> memref<1x128xi32, #tpu.memory_space<vmem>>
      %dma_wait3A_75 = tpu.memref_squeeze %dma_wait3A_74 : memref<1x128xi32, #tpu.memory_space<vmem>> -> memref<128xi32, #tpu.memory_space<vmem>>
      %dma_wait3A_76 = arith.constant 0 : i32
      %dma_wait3A_77 = arith.constant 0 : i32
      %dma_wait3A_78 = tpu.memref_slice %arg4[%dma_wait3A_76, %dma_wait3A_77] : memref<10240x128xf32, #tpu.memory_space<hbm>> -> memref<10240x128xf32, #tpu.memory_space<hbm>>
      tpu.wait_indirect_dma semaphore(%arg12 : memref<!tpu.dma_semaphore, #tpu.memory_space<semaphore_mem>>) src(%dma_wait3A_78 : memref<10240x128xf32, #tpu.memory_space<hbm>>) dst(%arg9 : memref<128x128xf32, #tpu.memory_space<vmem>>)
      %add3A_79 = arith.constant 1 : i32
      %add3A_80 = arith.addi %mul3A_55, %add3A_79 : i32
      "tpu.region"() ({
        %run_scoped3A = tpu.sem_alloc : memref<!tpu.dma_semaphore, #tpu.memory_space<semaphore_mem>>
        %dma_start3A_81 = arith.constant 0 : i32
        %dma_start3A_82 = tpu.memref_slice %arg7[%add3A_80, %dma_start3A_81] : memref<40x128xi32, #tpu.memory_space<vmem>> -> memref<1x128xi32, #tpu.memory_space<vmem>>
        %dma_start3A_83 = tpu.memref_squeeze %dma_start3A_82 : memref<1x128xi32, #tpu.memory_space<vmem>> -> memref<128xi32, #tpu.memory_space<vmem>>
        %dma_start3A_84 = arith.constant 0 : i32
        %dma_start3A_85 = arith.constant 0 : i32
        %dma_start3A_86 = tpu.memref_slice %arg10[%dma_start3A_84, %dma_start3A_85] : memref<10240x128xf32, #tpu.memory_space<vmem_shared>> -> memref<10240x128xf32, #tpu.memory_space<vmem_shared>>
        tpu.enqueue_indirect_dma source(%arg9 : memref<128x128xf32, #tpu.memory_space<vmem>>) target(%dma_start3A_86 : memref<10240x128xf32, #tpu.memory_space<vmem_shared>>) offsets(%dma_start3A_83 : memref<128xi32, #tpu.memory_space<vmem>>) semaphore(%run_scoped3A : memref<!tpu.dma_semaphore, #tpu.memory_space<semaphore_mem>>) {add = true}
        %dma_wait3A_87 = arith.constant 0 : i32
        %dma_wait3A_88 = tpu.memref_slice %arg7[%add3A_80, %dma_wait3A_87] : memref<40x128xi32, #tpu.memory_space<vmem>> -> memref<1x128xi32, #tpu.memory_space<vmem>>
        %dma_wait3A_89 = tpu.memref_squeeze %dma_wait3A_88 : memref<1x128xi32, #tpu.memory_space<vmem>> -> memref<128xi32, #tpu.memory_space<vmem>>
        %dma_wait3A_90 = arith.constant 0 : i32
        %dma_wait3A_91 = arith.constant 0 : i32
        %dma_wait3A_92 = tpu.memref_slice %arg10[%dma_wait3A_90, %dma_wait3A_91] : memref<10240x128xf32, #tpu.memory_space<vmem_shared>> -> memref<10240x128xf32, #tpu.memory_space<vmem_shared>>
        tpu.wait_indirect_dma semaphore(%run_scoped3A : memref<!tpu.dma_semaphore, #tpu.memory_space<semaphore_mem>>) src(%arg9 : memref<128x128xf32, #tpu.memory_space<vmem>>) dst(%dma_wait3A_92 : memref<10240x128xf32, #tpu.memory_space<vmem_shared>>)
        tpu.yield
      }) : () -> ()
    }
    %scan3A_51 = arith.constant 20 : i32
    %barrier3A_52 = arith.constant 0 : index
    tpu.barrier barrier_id(%barrier3A_52)
    "tpu.region"() ({
      %run_scoped3A = tpu.sem_alloc : memref<!tpu.dma_semaphore, #tpu.memory_space<semaphore_mem>>
      %dma_start3A_53 = arith.constant 0 : i32
      %dma_start3A_54 = tpu.memref_slice %arg5[%arg0, %mul3A_8, %dma_start3A_53] : memref<2x10240x128xf32, #tpu.memory_space<hbm>> -> memref<1x640x128xf32, #tpu.memory_space<hbm>>
      %dma_start3A_55 = tpu.memref_squeeze %dma_start3A_54 : memref<1x640x128xf32, #tpu.memory_space<hbm>> -> memref<640x128xf32, #tpu.memory_space<hbm>>
      %dma_start3A_56 = arith.constant 0 : i32
      %dma_start3A_57 = tpu.memref_slice %arg10[%mul3A_8, %dma_start3A_56] : memref<10240x128xf32, #tpu.memory_space<vmem_shared>> -> memref<640x128xf32, #tpu.memory_space<vmem_shared>>
      tpu.enqueue_dma source(%dma_start3A_57 : memref<640x128xf32, #tpu.memory_space<vmem_shared>>) target(%dma_start3A_55 : memref<640x128xf32, #tpu.memory_space<hbm>>) target_semaphore(%run_scoped3A : memref<!tpu.dma_semaphore, #tpu.memory_space<semaphore_mem>>)
      %dma_wait3A = arith.constant 0 : i32
      %dma_wait3A_58 = tpu.memref_slice %arg5[%arg0, %mul3A_8, %dma_wait3A] : memref<2x10240x128xf32, #tpu.memory_space<hbm>> -> memref<1x640x128xf32, #tpu.memory_space<hbm>>
      %dma_wait3A_59 = tpu.memref_squeeze %dma_wait3A_58 : memref<1x640x128xf32, #tpu.memory_space<hbm>> -> memref<640x128xf32, #tpu.memory_space<hbm>>
      %dma_wait3A_60 = arith.constant 0 : i32
      %dma_wait3A_61 = tpu.memref_slice %arg10[%mul3A_8, %dma_wait3A_60] : memref<10240x128xf32, #tpu.memory_space<vmem_shared>> -> memref<640x128xf32, #tpu.memory_space<vmem_shared>>
      tpu.wait_dma2 semaphore(%run_scoped3A : memref<!tpu.dma_semaphore, #tpu.memory_space<semaphore_mem>>) src(%dma_wait3A_61 : memref<640x128xf32, #tpu.memory_space<vmem_shared>>) dst(%dma_wait3A_59 : memref<640x128xf32, #tpu.memory_space<hbm>>)
      tpu.yield
    }) : () -> ()
    return
  }
}

module attributes {stable_mosaic.version = 14 : i64} {
  func.func @_tc_g1_body(%arg0: i32, %arg1: memref<1024x128xf32, #tpu.memory_space<vmem>>, %arg2: memref<128x128xf32, #tpu.memory_space<vmem>>, %arg3: memref<2x1024x128xf32, #tpu.memory_space<vmem>>, %arg4: memref<1024x128xf32, #tpu.memory_space<vmem>>, %arg5: memref<1024x128xf32, #tpu.memory_space<vmem>>) attributes {dimension_semantics = [#tpu.dimension_semantics<arbitrary>], iteration_bounds = array<i64: 10>, scalar_prefetch = 0 : i64, scratch_operands = 0 : i64, tpu.core_type = #tpu.core_type<tc>, window_params = [{transform_indices = @transform_0, window_bounds = array<i64: 1024, 128>}, {pipeline_mode = #tpu.pipeline_mode<synchronous>, transform_indices = @transform_1, window_bounds = array<i64: 128, 128>}, {transform_indices = @transform_2, window_bounds = array<i64: 2, 1024, 128>}, {transform_indices = @transform_3, window_bounds = array<i64: 1024, 128>}, {transform_indices = @transform_4, window_bounds = array<i64: 1024, 128>}]} {
    %get3A = arith.constant 0 : index
    %get3A_0 = arith.constant 0 : index
    %get3A_1 = arith.constant 0 : index
    %get3A_2 = vector.load %arg3[%get3A, %get3A_0, %get3A_1] : memref<2x1024x128xf32, #tpu.memory_space<vmem>>, vector<1x1024x1xf32>
    %get3A_3 = vector.shape_cast %get3A_2 : vector<1x1024x1xf32> to vector<1024x1xf32>
    %add3A = arith.constant 1.000000e+00 : f32
    %add3A_4 = vector.broadcast %add3A : f32 to vector<1024x1xf32>
    %add3A_5 = arith.addf %add3A_4, %get3A_3 : vector<1024x1xf32>
    %get3A_6 = arith.constant 1 : index
    %get3A_7 = arith.constant 0 : index
    %get3A_8 = arith.constant 0 : index
    %get3A_9 = vector.load %arg3[%get3A_6, %get3A_7, %get3A_8] : memref<2x1024x128xf32, #tpu.memory_space<vmem>>, vector<1x1024x1xf32>
    %get3A_10 = vector.shape_cast %get3A_9 : vector<1x1024x1xf32> to vector<1024x1xf32>
    %add3A_11 = arith.addf %add3A_5, %get3A_10 : vector<1024x1xf32>
    %rsqrt3A = math.rsqrt %add3A_11 : vector<1024x1xf32>
    %broadcast_in_dim3A = vector.shape_cast %rsqrt3A : vector<1024x1xf32> to vector<1024x1xf32>
    %broadcast_in_dim3A_12 = vector.broadcast %broadcast_in_dim3A : vector<1024x1xf32> to vector<1024x128xf32>
    %get3A_13 = arith.constant 0 : index
    %get3A_14 = arith.constant 0 : index
    %get3A_15 = vector.load %arg1[%get3A_13, %get3A_14] : memref<1024x128xf32, #tpu.memory_space<vmem>>, vector<1024x128xf32>
    %get3A_16 = arith.constant 0 : index
    %get3A_17 = arith.constant 0 : index
    %get3A_18 = vector.load %arg2[%get3A_16, %get3A_17] : memref<128x128xf32, #tpu.memory_space<vmem>>, vector<128x128xf32>
    %dot_general3A = arith.constant dense<0.000000e+00> : vector<1024x128xf32>
    %dot_general3A_19 = tpu.matmul %get3A_15, %get3A_18, %dot_general3A {dimension_numbers = #tpu.dot_dimension_numbers<[1], [0], [0], [1], [0, 0, 1, 1], [], []>, transpose_lhs_hint = false} : vector<1024x128xf32>, vector<128x128xf32>, vector<1024x128xf32> -> vector<1024x128xf32>
    %mul3A = arith.mulf %dot_general3A_19, %broadcast_in_dim3A_12 : vector<1024x128xf32>
    %swap3A = arith.constant 0 : index
    %swap3A_20 = arith.constant 0 : index
    %swap3A_21 = vector.load %arg4[%swap3A, %swap3A_20] : memref<1024x128xf32, #tpu.memory_space<vmem>>, vector<1024x128xf32>
    tpu.vector_store %arg4[%swap3A, %swap3A_20], %mul3A {strides = array<i32>} : memref<1024x128xf32, #tpu.memory_space<vmem>>, vector<1024x128xf32>,
    %swap3A_22 = arith.constant 0 : index
    %swap3A_23 = arith.constant 0 : index
    %swap3A_24 = vector.load %arg5[%swap3A_22, %swap3A_23] : memref<1024x128xf32, #tpu.memory_space<vmem>>, vector<1024x128xf32>
    tpu.vector_store %arg5[%swap3A_22, %swap3A_23], %broadcast_in_dim3A_12 {strides = array<i32>} : memref<1024x128xf32, #tpu.memory_space<vmem>>, vector<1024x128xf32>,
    return
  }
  func.func @transform_0(%arg0: i32) -> (i32, i32) {
    %c0_i32 = arith.constant 0 : i32
    %c0_i32_0 = arith.constant 0 : i32
    return %arg0, %c0_i32 : i32, i32
  }
  func.func @transform_1(%arg0: i32) -> (i32, i32) {
    %c0_i32 = arith.constant 0 : i32
    %c0_i32_0 = arith.constant 0 : i32
    %c0_i32_1 = arith.constant 0 : i32
    return %c0_i32, %c0_i32_0 : i32, i32
  }
  func.func @transform_2(%arg0: i32) -> (i32, i32, i32) {
    %c0_i32 = arith.constant 0 : i32
    %c0_i32_0 = arith.constant 0 : i32
    %c0_i32_1 = arith.constant 0 : i32
    return %c0_i32, %arg0, %c0_i32_0 : i32, i32, i32
  }
  func.func @transform_3(%arg0: i32) -> (i32, i32) {
    %c0_i32 = arith.constant 0 : i32
    %c0_i32_0 = arith.constant 0 : i32
    return %arg0, %c0_i32 : i32, i32
  }
  func.func @transform_4(%arg0: i32) -> (i32, i32) {
    %c0_i32 = arith.constant 0 : i32
    %c0_i32_0 = arith.constant 0 : i32
    return %arg0, %c0_i32 : i32, i32
  }
}

module attributes {stable_mosaic.version = 14 : i64} {
  func.func @_tc_g2_body(%arg0: i32, %arg1: memref<2x1024x128xf32, #tpu.memory_space<vmem>>, %arg2: memref<1024x128xf32, #tpu.memory_space<vmem>>, %arg3: memref<1024x128xf32, #tpu.memory_space<vmem>>, %arg4: memref<128x128xf32, #tpu.memory_space<vmem>>, %arg5: memref<1x128xf32, #tpu.memory_space<vmem>>, %arg6: memref<1024x128xf32, #tpu.memory_space<vmem>>) attributes {dimension_semantics = [#tpu.dimension_semantics<arbitrary>], iteration_bounds = array<i64: 10>, scalar_prefetch = 0 : i64, scratch_operands = 0 : i64, tpu.core_type = #tpu.core_type<tc>, window_params = [{transform_indices = @transform_0, window_bounds = array<i64: 2, 1024, 128>}, {transform_indices = @transform_1, window_bounds = array<i64: 1024, 128>}, {transform_indices = @transform_2, window_bounds = array<i64: 1024, 128>}, {pipeline_mode = #tpu.pipeline_mode<synchronous>, transform_indices = @transform_3, window_bounds = array<i64: 128, 128>}, {pipeline_mode = #tpu.pipeline_mode<synchronous>, transform_indices = @transform_4, window_bounds = array<i64: 1, 128>}, {transform_indices = @transform_5, window_bounds = array<i64: 1024, 128>}]} {
    %get3A = arith.constant 0 : index
    %get3A_0 = arith.constant 0 : index
    %get3A_1 = vector.load %arg3[%get3A, %get3A_0] : memref<1024x128xf32, #tpu.memory_space<vmem>>, vector<1024x128xf32>
    %get3A_2 = arith.constant 0 : index
    %get3A_3 = arith.constant 0 : index
    %get3A_4 = arith.constant 0 : index
    %get3A_5 = vector.load %arg1[%get3A_2, %get3A_3, %get3A_4] : memref<2x1024x128xf32, #tpu.memory_space<vmem>>, vector<1x1024x128xf32>
    %get3A_6 = vector.shape_cast %get3A_5 : vector<1x1024x128xf32> to vector<1024x128xf32>
    %get3A_7 = arith.constant 1 : index
    %get3A_8 = arith.constant 0 : index
    %get3A_9 = arith.constant 0 : index
    %get3A_10 = vector.load %arg1[%get3A_7, %get3A_8, %get3A_9] : memref<2x1024x128xf32, #tpu.memory_space<vmem>>, vector<1x1024x128xf32>
    %get3A_11 = vector.shape_cast %get3A_10 : vector<1x1024x128xf32> to vector<1024x128xf32>
    %add3A = arith.addf %get3A_6, %get3A_11 : vector<1024x128xf32>
    %get3A_12 = arith.constant 0 : index
    %get3A_13 = arith.constant 0 : index
    %get3A_14 = vector.load %arg2[%get3A_12, %get3A_13] : memref<1024x128xf32, #tpu.memory_space<vmem>>, vector<1024x128xf32>
    %add3A_15 = arith.addf %add3A, %get3A_14 : vector<1024x128xf32>
    %mul3A = arith.mulf %get3A_1, %add3A_15 : vector<1024x128xf32>
    %get3A_16 = arith.constant 0 : index
    %get3A_17 = arith.constant 0 : index
    %get3A_18 = vector.load %arg5[%get3A_16, %get3A_17] : memref<1x128xf32, #tpu.memory_space<vmem>>, vector<1x128xf32>
    %add3A_19 = vector.broadcast %get3A_18 : vector<1x128xf32> to vector<1024x128xf32>
    %add3A_20 = arith.addf %mul3A, %add3A_19 : vector<1024x128xf32>
    %max3A = arith.constant 0.000000e+00 : f32
    %max3A_21 = vector.broadcast %max3A : f32 to vector<1024x128xf32>
    %max3A_22 = arith.maximumf %add3A_20, %max3A_21 : vector<1024x128xf32>
    %get3A_23 = arith.constant 0 : index
    %get3A_24 = arith.constant 0 : index
    %get3A_25 = vector.load %arg4[%get3A_23, %get3A_24] : memref<128x128xf32, #tpu.memory_space<vmem>>, vector<128x128xf32>
    %dot_general3A = arith.constant dense<0.000000e+00> : vector<1024x128xf32>
    %dot_general3A_26 = tpu.matmul %max3A_22, %get3A_25, %dot_general3A {dimension_numbers = #tpu.dot_dimension_numbers<[1], [0], [0], [1], [0, 0, 1, 1], [], []>, transpose_lhs_hint = false} : vector<1024x128xf32>, vector<128x128xf32>, vector<1024x128xf32> -> vector<1024x128xf32>
    %mul3A_27 = arith.mulf %dot_general3A_26, %get3A_1 : vector<1024x128xf32>
    %swap3A = arith.constant 0 : index
    %swap3A_28 = arith.constant 0 : index
    %swap3A_29 = vector.load %arg6[%swap3A, %swap3A_28] : memref<1024x128xf32, #tpu.memory_space<vmem>>, vector<1024x128xf32>
    tpu.vector_store %arg6[%swap3A, %swap3A_28], %mul3A_27 {strides = array<i32>} : memref<1024x128xf32, #tpu.memory_space<vmem>>, vector<1024x128xf32>,
    return
  }
  func.func @transform_0(%arg0: i32) -> (i32, i32, i32) {
    %c0_i32 = arith.constant 0 : i32
    %c0_i32_0 = arith.constant 0 : i32
    %c0_i32_1 = arith.constant 0 : i32
    return %c0_i32, %arg0, %c0_i32_0 : i32, i32, i32
  }
  func.func @transform_1(%arg0: i32) -> (i32, i32) {
    %c0_i32 = arith.constant 0 : i32
    %c0_i32_0 = arith.constant 0 : i32
    return %arg0, %c0_i32 : i32, i32
  }
  func.func @transform_2(%arg0: i32) -> (i32, i32) {
    %c0_i32 = arith.constant 0 : i32
    %c0_i32_0 = arith.constant 0 : i32
    return %arg0, %c0_i32 : i32, i32
  }
  func.func @transform_3(%arg0: i32) -> (i32, i32) {
    %c0_i32 = arith.constant 0 : i32
    %c0_i32_0 = arith.constant 0 : i32
    %c0_i32_1 = arith.constant 0 : i32
    return %c0_i32, %c0_i32_0 : i32, i32
  }
  func.func @transform_4(%arg0: i32) -> (i32, i32) {
    %c0_i32 = arith.constant 0 : i32
    %c0_i32_0 = arith.constant 0 : i32
    %c0_i32_1 = arith.constant 0 : i32
    return %c0_i32, %c0_i32_0 : i32, i32
  }
  func.func @transform_5(%arg0: i32) -> (i32, i32) {
    %c0_i32 = arith.constant 0 : i32
    %c0_i32_0 = arith.constant 0 : i32
    return %arg0, %c0_i32 : i32, i32
  }
}

module attributes {stable_mosaic.version = 14 : i64} {
  func.func @_tc_pool_body(%arg0: i32, %arg1: memref<2x1024x128xf32, #tpu.memory_space<vmem>>, %arg2: memref<1024x128xf32, #tpu.memory_space<vmem>>, %arg3: memref<1024x128xf32, #tpu.memory_space<vmem>>, %arg4: memref<1x128xf32, #tpu.memory_space<vmem>>, %arg5: memref<8x128xi32, #tpu.memory_space<vmem>>, %arg6: memref<64x128xf32, #tpu.memory_space<vmem>>, %arg7: memref<64x128xf32, #tpu.memory_space<vmem>>, %arg8: memref<64x128xf32, #tpu.memory_space<vmem>>) attributes {dimension_semantics = [#tpu.dimension_semantics<arbitrary>], iteration_bounds = array<i64: 10>, scalar_prefetch = 0 : i64, scratch_operands = 2 : i64, tpu.core_type = #tpu.core_type<tc>, window_params = [{transform_indices = @transform_0, window_bounds = array<i64: 2, 1024, 128>}, {transform_indices = @transform_1, window_bounds = array<i64: 1024, 128>}, {transform_indices = @transform_2, window_bounds = array<i64: 1024, 128>}, {pipeline_mode = #tpu.pipeline_mode<synchronous>, transform_indices = @transform_3, window_bounds = array<i64: 1, 128>}, {transform_indices = @transform_4, window_bounds = array<i64: 8, 128>}, {pipeline_mode = #tpu.pipeline_mode<synchronous>, transform_indices = @transform_5, window_bounds = array<i64: 64, 128>}]} {
    %get3A = arith.constant 0 : index
    %get3A_0 = arith.constant 0 : index
    %get3A_1 = vector.load %arg3[%get3A, %get3A_0] : memref<1024x128xf32, #tpu.memory_space<vmem>>, vector<1024x128xf32>
    %get3A_2 = arith.constant 0 : index
    %get3A_3 = arith.constant 0 : index
    %get3A_4 = arith.constant 0 : index
    %get3A_5 = vector.load %arg1[%get3A_2, %get3A_3, %get3A_4] : memref<2x1024x128xf32, #tpu.memory_space<vmem>>, vector<1x1024x128xf32>
    %get3A_6 = vector.shape_cast %get3A_5 : vector<1x1024x128xf32> to vector<1024x128xf32>
    %get3A_7 = arith.constant 1 : index
    %get3A_8 = arith.constant 0 : index
    %get3A_9 = arith.constant 0 : index
    %get3A_10 = vector.load %arg1[%get3A_7, %get3A_8, %get3A_9] : memref<2x1024x128xf32, #tpu.memory_space<vmem>>, vector<1x1024x128xf32>
    %get3A_11 = vector.shape_cast %get3A_10 : vector<1x1024x128xf32> to vector<1024x128xf32>
    %add3A = arith.addf %get3A_6, %get3A_11 : vector<1024x128xf32>
    %get3A_12 = arith.constant 0 : index
    %get3A_13 = arith.constant 0 : index
    %get3A_14 = vector.load %arg2[%get3A_12, %get3A_13] : memref<1024x128xf32, #tpu.memory_space<vmem>>, vector<1024x128xf32>
    %add3A_15 = arith.addf %add3A, %get3A_14 : vector<1024x128xf32>
    %mul3A = arith.mulf %get3A_1, %add3A_15 : vector<1024x128xf32>
    %get3A_16 = arith.constant 0 : index
    %get3A_17 = arith.constant 0 : index
    %get3A_18 = vector.load %arg4[%get3A_16, %get3A_17] : memref<1x128xf32, #tpu.memory_space<vmem>>, vector<1x128xf32>
    %add3A_19 = vector.broadcast %get3A_18 : vector<1x128xf32> to vector<1024x128xf32>
    %add3A_20 = arith.addf %mul3A, %add3A_19 : vector<1024x128xf32>
    %get3A_21 = arith.constant 0 : index
    %get3A_22 = arith.constant 0 : index
    %get3A_23 = vector.load %arg5[%get3A_21, %get3A_22] : memref<8x128xi32, #tpu.memory_space<vmem>>, vector<8x128xi32>
    %reshape3A = vector.shape_cast %get3A_23 : vector<8x128xi32> to vector<1024xi32>
    %iota3A = tpu.iota {dimensions = array<i32: 0>} : vector<64x1024xi32>
    %broadcast_in_dim3A = vector.shape_cast %reshape3A : vector<1024xi32> to vector<1x1024xi32>
    %broadcast_in_dim3A_24 = vector.shape_cast %broadcast_in_dim3A : vector<1x1024xi32> to vector<1x1024xi32>
    %broadcast_in_dim3A_25 = vector.broadcast %broadcast_in_dim3A_24 : vector<1x1024xi32> to vector<64x1024xi32>
    %eq3A = arith.cmpi eq, %iota3A, %broadcast_in_dim3A_25 : vector<64x1024xi32>
    %convert_element_type3A = arith.extui %eq3A : vector<64x1024xi1> to vector<64x1024xi32>
    %convert_element_type3A_26 = arith.sitofp %convert_element_type3A : vector<64x1024xi32> to vector<64x1024xf32>
    %dot_general3A = arith.constant dense<0.000000e+00> : vector<64x128xf32>
    %dot_general3A_27 = tpu.matmul %convert_element_type3A_26, %add3A_20, %dot_general3A {dimension_numbers = #tpu.dot_dimension_numbers<[1], [0], [0], [1], [0, 0, 1, 1], [], []>, transpose_lhs_hint = false} : vector<64x1024xf32>, vector<1024x128xf32>, vector<64x128xf32> -> vector<64x128xf32>
    %reduce_sum3A = arith.constant dense<0.000000e+00> : vector<64xf32>
    %reduce_sum3A_28 = vector.multi_reduction <add>, %convert_element_type3A_26, %reduce_sum3A [1] : vector<64x1024xf32> to vector<64xf32>
    %broadcast_in_dim3A_29 = vector.shape_cast %reduce_sum3A_28 : vector<64xf32> to vector<64x1xf32>
    %broadcast_in_dim3A_30 = vector.shape_cast %broadcast_in_dim3A_29 : vector<64x1xf32> to vector<64x1xf32>
    %broadcast_in_dim3A_31 = vector.broadcast %broadcast_in_dim3A_30 : vector<64x1xf32> to vector<64x128xf32>
    %eq3A_32 = arith.constant 0 : i32
    %eq3A_33 = arith.cmpi eq, %arg0, %eq3A_32 : i32
    %convert_element_type3A_34 = arith.extui %eq3A_33 : i1 to i32
    %cond3A = arith.constant 0 : i32
    %cond3A_35 = arith.cmpi ne, %convert_element_type3A_34, %cond3A : i32
    scf.if %cond3A_35 {
      %swap3A = arith.constant 0 : index
      %swap3A_45 = arith.constant 0 : index
      %swap3A_46 = vector.load %arg7[%swap3A, %swap3A_45] : memref<64x128xf32, #tpu.memory_space<vmem>>, vector<64x128xf32>
      tpu.vector_store %arg7[%swap3A, %swap3A_45], %dot_general3A_27 {strides = array<i32>} : memref<64x128xf32, #tpu.memory_space<vmem>>, vector<64x128xf32>,
      %swap3A_47 = arith.constant 0 : index
      %swap3A_48 = arith.constant 0 : index
      %swap3A_49 = vector.load %arg8[%swap3A_47, %swap3A_48] : memref<64x128xf32, #tpu.memory_space<vmem>>, vector<64x128xf32>
      tpu.vector_store %arg8[%swap3A_47, %swap3A_48], %broadcast_in_dim3A_31 {strides = array<i32>} : memref<64x128xf32, #tpu.memory_space<vmem>>, vector<64x128xf32>,
    } else {
    }
    %gt3A = arith.constant 0 : i32
    %gt3A_36 = arith.cmpi sgt, %arg0, %gt3A : i32
    %convert_element_type3A_37 = arith.extui %gt3A_36 : i1 to i32
    %cond3A_38 = arith.constant 0 : i32
    %cond3A_39 = arith.cmpi ne, %convert_element_type3A_37, %cond3A_38 : i32
    scf.if %cond3A_39 {
      %get3A_45 = arith.constant 0 : index
      %get3A_46 = arith.constant 0 : index
      %get3A_47 = vector.load %arg7[%get3A_45, %get3A_46] : memref<64x128xf32, #tpu.memory_space<vmem>>, vector<64x128xf32>
      %add3A_48 = arith.addf %get3A_47, %dot_general3A_27 : vector<64x128xf32>
      %swap3A = arith.constant 0 : index
      %swap3A_49 = arith.constant 0 : index
      %swap3A_50 = vector.load %arg7[%swap3A, %swap3A_49] : memref<64x128xf32, #tpu.memory_space<vmem>>, vector<64x128xf32>
      tpu.vector_store %arg7[%swap3A, %swap3A_49], %add3A_48 {strides = array<i32>} : memref<64x128xf32, #tpu.memory_space<vmem>>, vector<64x128xf32>,
      %get3A_51 = arith.constant 0 : index
      %get3A_52 = arith.constant 0 : index
      %get3A_53 = vector.load %arg8[%get3A_51, %get3A_52] : memref<64x128xf32, #tpu.memory_space<vmem>>, vector<64x128xf32>
      %add3A_54 = arith.addf %get3A_53, %broadcast_in_dim3A_31 : vector<64x128xf32>
      %swap3A_55 = arith.constant 0 : index
      %swap3A_56 = arith.constant 0 : index
      %swap3A_57 = vector.load %arg8[%swap3A_55, %swap3A_56] : memref<64x128xf32, #tpu.memory_space<vmem>>, vector<64x128xf32>
      tpu.vector_store %arg8[%swap3A_55, %swap3A_56], %add3A_54 {strides = array<i32>} : memref<64x128xf32, #tpu.memory_space<vmem>>, vector<64x128xf32>,
    } else {
    }
    %eq3A_40 = arith.constant 9 : i32
    %eq3A_41 = arith.cmpi eq, %arg0, %eq3A_40 : i32
    %convert_element_type3A_42 = arith.extui %eq3A_41 : i1 to i32
    %cond3A_43 = arith.constant 0 : i32
    %cond3A_44 = arith.cmpi ne, %convert_element_type3A_42, %cond3A_43 : i32
    scf.if %cond3A_44 {
      %get3A_45 = arith.constant 0 : index
      %get3A_46 = arith.constant 0 : index
      %get3A_47 = vector.load %arg7[%get3A_45, %get3A_46] : memref<64x128xf32, #tpu.memory_space<vmem>>, vector<64x128xf32>
      %get3A_48 = arith.constant 0 : index
      %get3A_49 = arith.constant 0 : index
      %get3A_50 = vector.load %arg8[%get3A_48, %get3A_49] : memref<64x128xf32, #tpu.memory_space<vmem>>, vector<64x128xf32>
      %max3A = arith.constant 1.000000e+00 : f32
      %max3A_51 = vector.broadcast %max3A : f32 to vector<64x128xf32>
      %max3A_52 = arith.maximumf %get3A_50, %max3A_51 : vector<64x128xf32>
      %div3A = arith.divf %get3A_47, %max3A_52 : vector<64x128xf32>
      %swap3A = arith.constant 0 : index
      %swap3A_53 = arith.constant 0 : index
      %swap3A_54 = vector.load %arg6[%swap3A, %swap3A_53] : memref<64x128xf32, #tpu.memory_space<vmem>>, vector<64x128xf32>
      tpu.vector_store %arg6[%swap3A, %swap3A_53], %div3A {strides = array<i32>} : memref<64x128xf32, #tpu.memory_space<vmem>>, vector<64x128xf32>,
    } else {
    }
    return
  }
  func.func @transform_0(%arg0: i32) -> (i32, i32, i32) {
    %c0_i32 = arith.constant 0 : i32
    %c0_i32_0 = arith.constant 0 : i32
    %c0_i32_1 = arith.constant 0 : i32
    return %c0_i32, %arg0, %c0_i32_0 : i32, i32, i32
  }
  func.func @transform_1(%arg0: i32) -> (i32, i32) {
    %c0_i32 = arith.constant 0 : i32
    %c0_i32_0 = arith.constant 0 : i32
    return %arg0, %c0_i32 : i32, i32
  }
  func.func @transform_2(%arg0: i32) -> (i32, i32) {
    %c0_i32 = arith.constant 0 : i32
    %c0_i32_0 = arith.constant 0 : i32
    return %arg0, %c0_i32 : i32, i32
  }
  func.func @transform_3(%arg0: i32) -> (i32, i32) {
    %c0_i32 = arith.constant 0 : i32
    %c0_i32_0 = arith.constant 0 : i32
    %c0_i32_1 = arith.constant 0 : i32
    return %c0_i32, %c0_i32_0 : i32, i32
  }
  func.func @transform_4(%arg0: i32) -> (i32, i32) {
    %c0_i32 = arith.constant 0 : i32
    %c0_i32_0 = arith.constant 0 : i32
    return %arg0, %c0_i32 : i32, i32
  }
  func.func @transform_5(%arg0: i32) -> (i32, i32) {
    %c0_i32 = arith.constant 0 : i32
    %c0_i32_0 = arith.constant 0 : i32
    %c0_i32_1 = arith.constant 0 : i32
    return %c0_i32, %c0_i32_0 : i32, i32
  }
}

</mosaic_0001>

<sc_bundles>
// kernel: kernel.11.cloned.1.call-start
scs
__scs_entry_jumppad:
0x0: {  	(pc) =	sbr.rel $0x88, $3  }
0x1: {  	(tag) =	ssettag $0x0;
	lr =	simm.s32 $0x1  }
0x2: {  	[smem:$0x3F9A] =	sst lr;
	_ =	strace $0xD0000000  }
0x3: {  	_ = 	snop  }
0x4: {  	_ = 	snop  }
0x5: {  	_ = 	snop  }
0x6: {  	_ = 	snop  }
0x7: {  	_ = 	snop  }
__scs_overlays_trampoline_lowered:
0x8: {  	[smem:$0x3FA9] =	sst s0  }
0x9: {  	[smem:$0x3FAA] =	sst s1  }
0xa: {  	[smem:$0x3FAB] =	sst s2  }
0xb: {  	[smem:$0x3FAC] =	sst s3  }
0xc: {  	[smem:$0x3FAD] =	sst s4  }
0xd: {  	[smem:$0x3FAE] =	sst s5  }
0xe: {  	[smem:$0x3FAF] =	sst s6  }
0xf: {  	[smem:$0x3FB0] =	sst s7  }
0x10: {  	[smem:$0x3FB1] =	sst s8  }
0x11: {  	[smem:$0x3FB2] =	sst s9;
	s0 =	simm.s32 @!p0 $0x0  }
0x12: {  	s1 =	sld [smem:$0x3F98];
	s0 =	simm.s32 @p0 $0x1  }
0x13: {  	[smem:$0x3FB3] =	sst s0;
	s0 =	simm.s32 @!p1 $0x0  }
0x14: {  	s2 =	sld [smem:$0x3F97];
	s0 =	simm.s32 @p1 $0x1  }
0x15: {  	[smem:$0x3FB4] =	sst s0;
	s0 =	simm.s32 @!p2 $0x0  }
0x16: {  	s3 =	sld [smem:$0x3FDB];
	s0 =	simm.s32 @p2 $0x1  }
0x17: {  	s4 =	simm.s32 $0x1BF5;
	[smem:$0x3FB6] =	sst s0  }
0x18: {  	s0 =	sld [smem:$0x3F99];
	_ =	swait.ge [sflag:s4], $0x0  }
0x19: {  	s7 =	sld [smem:$0x3F9A]  }
0x1a: {  	s8 =	sadd.s32 $0xFFFFE003, lr  }
0x1b: {  	s9 =	sadd.s32 $0xFFFFFEF7, lr;
	s5 =	simm.s32 $0xFFFFFFFF;
	p2 =	slt.u32 s8, $0xFFFFF086  }
0x1c: {  	p1 =	slt.u32 s9, $0xF7A;
	s5 =	simm.s32 @!p2 $0x0  }
0x1d: {  	s5 =	simm.s32 @p1 $0x1;
	p0 =	seq.s32 s7, s2  }
0x1e: {  	s7 =	smul.u32 @!p0 $0xF7A, s2;
	p2 =	seq.s32 @!p0 s5, $0x0  }
0x1f: {  	s9 =	smul.u32 $0xF7A, s1;
	s8 =	simm.s32 @!p0 $0x1BF5;
	p2 =	por !p2, p0  }
0x20: {  	[sflag:s8] =	ssyncset.s32 @!p0 $0xFFFFF086;
	s6 =	sadd.s32 @!p0 s3, s7;
	s7 =	simm.s32 @!p0 $0x108  }
0x21: {  	s3 =	sadd.s32 s3, s9;
	s6 =	sadd.s32 @!p0 $0x88, s6;
	s7 =	simm.s32 @p2 $0x1082  }
0x22: {  	[simem:s7], [sflag:s8] =	dma.local @!p0 [hbm:s6], $0xF7A  }
0x23: {  	s9 =	sor.u32 $0xD0000000, s2;
	s6 =	simm.s32 $0x108;
	_ =	swait.ge @!p0 [sflag:s8], $0x0  }
0x24: {  	s3 =	sadd.s32 $0x88, s3;
	s6 =	simm.s32 @!p1 $0x1082;
	[sflag:s4] =	ssyncset.s32 $0xFFFFF086  }
0x25: {  	[simem:s6], [sflag:s4] =	dma.local [hbm:s3], $0xF7A  }
0x26: {  	[smem:$0x3F9A] =	sst s1;
	(tag) =	ssettag s2;
	_ =	strace s9  }
0x27: {  	s1 =	sld [smem:$0x3FAA]  }
0x28: {  	s2 =	sld [smem:$0x3FAB]  }
0x29: {  	s4 =	sld [smem:$0x3FAD]  }
0x2a: {  	p0 =	seq.s32 s5, $0x0;
	s5 =	sld [smem:$0x3FAE]  }
0x2b: {  	s6 =	sld [smem:$0x3FAF]  }
0x2c: {  	s7 =	sld [smem:$0x3FB0]  }
0x2d: {  	s3 =	simm.s32 $0x108;
	s8 =	sld [smem:$0x3FB1]  }
0x2e: {  	s3 =	simm.s32 @!p0 $0x1082;
	s9 =	sld [smem:$0x3FB2]  }
0x2f: {  	lr =	sadd.s32 s0, s3;
	s0 =	sld [smem:$0x3FA9]  }
0x30: {  	s3 =	sld [smem:$0x3FAC]  }
0x31: {  	[smem:$0x3FB5] =	sst s10  }
0x32: {  	s10 =	sld [smem:$0x3FB3];
	_ =	sdelay $0x3  }
0x33: {  	p0 =	seq.s32 s10, $0x1;
	s10 =	sld [smem:$0x3FB5];
	_ =	sdelay $0x3  }
0x34: {  	[smem:$0x3FB5] =	sst s10  }
0x35: {  	s10 =	sld [smem:$0x3FB4];
	_ =	sdelay $0x3  }
0x36: {  	p1 =	seq.s32 s10, $0x1;
	s10 =	sld [smem:$0x3FB5];
	_ =	sdelay $0x3  }
0x37: {  	[smem:$0x3FB5] =	sst s10  }
0x38: {  	s10 =	sld [smem:$0x3FB6]  }
0x39: {  	_ = 	snop;
	(pc) =	sbr.ind lr, $3  }
0x3a: {  	_ = 	snop  }
0x3b: {  	_ = 	snop  }
0x3c: {  	p2 =	seq.s32 s10, $0x1;
	s10 =	sld [smem:$0x3FB5]  }
0x3d: {  	_ =	shalt  }
0x3e: {  	_ =	shalt  }
0x3f: {  	_ =	shalt  }
0x40: {  	_ =	shalt  }
0x41: {  	_ =	shalt  }
0x42: {  	_ =	shalt  }
0x43: {  	_ =	shalt  }
0x44: {  	_ =	shalt  }
0x45: {  	_ =	shalt  }
0x46: {  	_ =	shalt  }
0x47: {  	_ =	shalt  }
0x48: {  	_ =	shalt  }
0x49: {  	_ =	shalt  }
0x4a: {  	_ =	shalt  }
0x4b: {  	_ =	shalt  }
0x4c: {  	_ =	shalt  }
0x4d: {  	_ =	shalt  }
0x4e: {  	_ =	shalt  }
0x4f: {  	_ =	shalt  }
0x50: {  	_ =	shalt  }
0x51: {  	_ =	shalt  }
0x52: {  	_ =	shalt  }
0x53: {  	_ =	shalt  }
0x54: {  	_ =	shalt  }
0x55: {  	_ =	shalt  }
0x56: {  	_ =	shalt  }
0x57: {  	_ =	shalt  }
0x58: {  	_ =	shalt  }
0x59: {  	_ =	shalt  }
0x5a: {  	_ =	shalt  }
0x5b: {  	_ =	shalt  }
0x5c: {  	_ =	shalt  }
0x5d: {  	_ =	shalt  }
0x5e: {  	_ =	shalt  }
0x5f: {  	_ =	shalt  }
0x60: {  	_ =	shalt  }
0x61: {  	_ =	shalt  }
0x62: {  	_ =	shalt  }
0x63: {  	_ =	shalt  }
0x64: {  	_ =	shalt  }
0x65: {  	_ =	shalt  }
0x66: {  	_ =	shalt  }
0x67: {  	_ =	shalt  }
0x68: {  	_ =	shalt  }
0x69: {  	_ =	shalt  }
0x6a: {  	_ =	shalt  }
0x6b: {  	_ =	shalt  }
0x6c: {  	_ =	shalt  }
0x6d: {  	_ =	shalt  }
0x6e: {  	_ =	shalt  }
0x6f: {  	_ =	shalt  }
0x70: {  	_ =	shalt  }
0x71: {  	_ =	shalt  }
0x72: {  	_ =	shalt  }
0x73: {  	_ =	shalt  }
0x74: {  	_ =	shalt  }
0x75: {  	_ =	shalt  }
0x76: {  	_ =	shalt  }
0x77: {  	_ =	shalt  }
0x78: {  	_ =	shalt  }
0x79: {  	_ =	shalt  }
0x7a: {  	_ =	shalt  }
0x7b: {  	_ =	shalt  }
0x7c: {  	_ =	shalt  }
0x7d: {  	_ =	shalt  }
0x7e: {  	_ =	shalt  }
0x7f: {  	_ =	shalt  }
0x80: {  	_ =	shalt  }
0x81: {  	_ =	shalt  }
0x82: {  	_ =	shalt  }
0x83: {  	_ =	shalt  }
0x84: {  	_ =	shalt  }
0x85: {  	_ =	shalt  }
0x86: {  	_ =	shalt  }
0x87: {  	_ =	shalt  }
.Lfunc_end0:
.L_simem_size_0:
called_computation.1_lowered:
.L_overlay_start_0:
0x88: {  	s2 =	sld [smem:$0x3FD9]  }
0x89: {  	s3 =	sld [smem:$0x3FFE];
	_ =	sdelay $0x1  }
0x8a: {  	s1 =	srdreg.scid  }
0x8b: {  	s0 =	sand.u32 $0x1, s1  }
0x8c: {  	s16 =	sshll.u32 s0, $0xA;
	s2 =	sadd.s32 s3, s2  }
0x8d: {  	s2 =	sadd.s32 s2, s16  }
0x8e: {  	[smem:$0x3FC1] =	sst s2  }
0x8f: {  	_ = 	snop  }
0x90: {  	(tm) =	ssettm $0x1  }
0x91: {  	s17 =	sld [smem:$0x3FFB];
	_ =	sdelay $0x3  }
0x92: {  	_ =	strace s17  }
0x93: {  	s2 =	sld [smem:$0x3FFC];
	_ =	sdelay $0x3  }
0x94: {  	_ =	strace s2  }
0x95: {  	s2 =	sld [smem:$0x3FFD];
	_ =	sdelay $0x3  }
0x96: {  	_ =	strace s2  }
0x97: {  	_ =	strace $0x8FFFFFFF  }
0x98: {  	s18 =	sld [smem:$0x3FDB];
	_ =	sdelay $0x1  }
0x99: {  	s19 =	simm.s32 $_scs_section_size  }
0x9a: {  	s4 =	simm.s32 $_size__tile_overlayer_lowered;
	s5 =	simm.s32 $_tile_overlayer_lowered  }
0x9b: {  	s22 =	simm.s32 $0x1BFF;
	s21 =	sshll.u32 s5, $0x1;
	s2 =	sadd.s32 s19, s18  }
0x9c: {  	s6 =	simm.s32 $0x0;
	s20 =	sshll.u32 s4, $0x1;
	s4 =	sadd.s32 s21, s2  }
0x9d: {  	[timem:s6], [sflag:s22] =	dma.local [hbm:s4], s20  }
0x9e: {  	_ =	swait.ge [sflag:s22], s20  }
0x9f: {  	s3 =	ssub.s32 $0x0, s20;
	[sflag:s22] =	ssyncset.done $0x0  }
0xa0: {  	[sflag:s22] =	ssyncadd.s32 s3;
	_ =	sdelay $0x1  }
0xa1: {  	s23 =	simm.s32 $0x1B8B  }
0xa2: {  	_ =	swait.ge [sflag:s23], $0x1  }
0xa3: {  	[sflag:s23] =	ssyncset.done $0x0  }
0xa4: {  	s25 =	simm.s32 $0x1B8E;
	s24 =	sld [smem:$0x3FFE];
	[sflag:s23] =	ssyncadd.s32 $0xFFFFFFFF  }
0xa5: {  	s26 =	simm.s32 $execute0_lowered;
	[smem:$0x3FD2] =	sst s25  }
0xa6: {  	s4 =	sshll.u32 s26, $0x1;
	_ =	strace $0x80000049;
	[dreg:$0x1] =	wrdreg $0xFFFFFFFF  }
0xa7: {  	s28 =	simm.s32 $_size_execute0_lowered;
	s2 =	sadd.s32 s2, s4;
	[dreg:$0x0] =	wrdreg $0x0  }
0xa8: {  	s4 =	sshll.u32 s28, $0x1;
	[dreg:$0x2] =	wrdreg s2  }
0xa9: {  	[dreg:$0x3] =	wrdreg s4  }
0xaa: {  	[dreg:$0x4] =	wrdreg $0xC0  }
0xab: {  	_ =	task [dreg:s6], $0x5FFFF  }
0xac: {  	[dreg:$0x1] =	wrdreg $0xFFFFFFFF  }
0xad: {  	[dreg:$0x0] =	wrdreg $0x60  }
0xae: {  	[dreg:$0x2] =	wrdreg s24  }
0xaf: {  	[dreg:$0x3] =	wrdreg $0xA8000  }
0xb0: {  	[dreg:$0x4] =	wrdreg $0x9  }
0xb1: {  	_ =	task.clear_ibuf [dreg:s6], $0x5FFFF;
	_ =	strace $0x90000049  }
0xb2: {  	s29 =	simm.s32 $0x9;
	_ =	strace $0x8000004B  }
0xb3: {  	_ =	swait.ge [sflag:s29], $0x1  }
0xb4: {  	[sflag:s29] =	ssyncadd.s32 $0xFFFFFFFF  }
0xb5: {  	_ =	strace $0x9000004B  }
0xb6: {  	_ =	sfence  }
0xb7: {  	s30 =	sld [smem:$0x0];
	_ =	sdelay $0x2  }
0xb8: {  	s31 =	sshll.u32 s1, $0xD;
	s1 =	sshrl.u32 s1, $0x2  }
0xb9: {  	s3 =	sand.u32 $0x4000, s31;
	s1 =	sadd.s32 s1, s30  }
0xba: {  	s0 =	sor.u32 s3, s0;
	s1 =	sshll.u32 s1, $0x11  }
0xbb: {  	s0 =	sor.u32 s1, s0  }
0xbc: {  	s0 =	sadd.s32 $0x8F2B, s0  }
0xbd: {  	[sflag:s0] =	ssyncadd.remote.s32 $0x1  }
0xbe: {  	_ =	sfence.sel $0xFFFF  }
0xbf: {  	[dreg:$0x0] =	wrdreg $0xFFFFFFFF;
	(pc) =	sbr.abs _section_cstart, $3  }
0xc0: {  	[dreg:$0x1] =	wrdreg $0xFFFFFFFF  }
0xc1: {  	_ =	task.clear_ibuf [dreg:s6], $0x2FFFF;
	_ =	strace $0x9FFFFFFF  }
0xc2: {  	(tm) =	ssettm $0x7FFFFFFF  }
0xc3: {  	_ =	shalt  }
tec
execute0_lowered:
.L_overlay_start_1:
0x0: {  	(tag) =	ssettag $0x1  }
0x1: {  	s5 =	rddreg [dreg:$0x0];
	s0 =	srdreg.scid  }
0x2: {  	s2 =	rddreg [dreg:$0x1];
	s1 =	stileid.u32  }
0x3: {  	s3 =	simm.s32 $0x0;
	s17 =	simm.s32 $0x3;
	s18 =	simm.s32 $0x1400  }
0x4: {  	s19 =	simm.s32 $0x80;
	s20 =	simm.s32 $0x6800;
	s21 =	simm.s32 $0x1  }
0x5: {  	s22 =	simm.s32 $0x2;
	s23 =	simm.s32 $0x1380;
	s24 =	simm.s32 $0x2700  }
0x6: {  	s6 =	sand.u32 $0x1, s0;
	s0 =	rddreg [dreg:$0x2];
	s7 =	smul.u32 $0x14000, s1  }
0x7: {  	s25 =	simm.s32 $0x2780;
	[smem:$0x7FF] =	sst s3;
	s8 =	smul.u32 $0x50000, s1  }
0x8: {  	s12 =	sadd.s32 $0xCA00, s5;
	s13 =	sadd.s32 $0x2A00, s5;
	s4 =	smul.u32 $0x140000, s6  }
0x9: {  	_ =	strace $0x8000004A;
	s28 =	sshll.u32 s6, $0x4;
	s6 =	ssub.s32 $0x2, s6  }
0xa: {  	s29 =	sor.u32 s1, s28;
	s30 =	sshrl.u32 s8, $0x2;
	s31 =	sshrl.u32 s6, $0x1  }
0xb: {  	s4 =	sadd.s32 s7, s4;
	s9 =	smul.u32 $0x2800, s29;
	s15 =	ssub.s32 s6, s31  }
0xc: {  	s11 =	smul.u32 $0x500, s29;
	s7 =	sshrl.u32 s4, $0x3;
	s4 =	sadd.s32 $0x16A00, s5  }
0xd: {  	s15 =	smax.u32 s15, $0x1;
	s14 =	sadd.s32 s7, s5;
	s5 =	sadd.s32 s30, s2  }
0xe: {  	s16 =	sshrl.u32 s9, $0x3;
	s10 =	sadd.s32 s12, s11;
	s11 =	sadd.s32 s13, s11  }
0xf: {  	s6 =	sadd.s32 $0x4000, s5;
	s7 =	sadd.s32 $0x8000, s5;
	s8 =	sadd.s32 $0xC000, s5  }
0x10: {  	s9 =	sadd.s32 $0x10000, s5;
	s16 =	sadd.s32 $0x280, s16;
	s14 =	sadd.s32 $0x3EA00, s14  }
0x11: {  	v0 =	vimm.f32 $0.0e+00;
	s12 =	sadd.s32 s12, s16;
	s13 =	sadd.s32 s13, s16;
	s16 =	simm.s32 $0x2800  }
.LBB2_1:
0x12: {  	s26 =	simm.s32 $0x0;
	s28 =	simm.s32 $0x200  }
.LBB2_2:
0x13: {  	p0 =	sne.s32 s28, $0xFE00;
	[tilespmem:s26+$0x2870] =	vst v0  }
0x14: {  	[tilespmem:s26+$0x2800] =	vst v0  }
0x15: {  	[tilespmem:s26+$0x2810] =	vst v0  }
.Ltmp0:
0x16: {  	[tilespmem:s26+$0x2820] =	vst v0;
	(pc) =	sbr.rel @p0 .LBB2_2-.Ltmp0, $4  }
0x17: {  	[tilespmem:s26+$0x2830] =	vst v0  }
0x18: {  	[tilespmem:s26+$0x2840] =	vst v0  }
0x19: {  	[tilespmem:s26+$0x2850] =	vst v0  }
0x1a: {  	[tilespmem:s26+$0x2860] =	vst v0;
	s26 =	sshra.s32 s28, $0x2;
	s28 =	sadd.s32 $0x200, s28  }
0x1b: {  	[tilespmem:s26+$0x2870] =	vst v0  }
0x1c: {  	[tilespmem:s26+$0x2800] =	vst v0  }
0x1d: {  	[tilespmem:s26+$0x2810] =	vst v0  }
0x1e: {  	[tilespmem:s26+$0x2820] =	vst v0  }
0x1f: {  	[tilespmem:s26+$0x2830] =	vst v0  }
0x20: {  	[tilespmem:s26+$0x2840] =	vst v0  }
0x21: {  	[tilespmem:s26+$0x2850] =	vst v0  }
0x22: {  	[tilespmem:s26+$0x2860] =	vst v0  }
0x23: {  	[spmem:s5] =	stream.linear.scatter [tilespmem:s16], [sflag:$0x3], $0x4000, $0x38;
	[tilespmem:$0x1E800] =	vst v63  }
0x24: {  	_ =	swait.ge [sflag:s17], $0x4000  }
0x25: {  	[sflag:s17] =	ssyncset.done $0x0  }
0x26: {  	[sflag:s17] =	ssyncadd.s32 $0xFFFFC000  }
0x27: {  	[spmem:s6] =	stream.linear.scatter [tilespmem:s16], [sflag:$0x3], $0x4000, $0x38;
	[tilespmem:$0x1E800] =	vst v63  }
0x28: {  	_ =	swait.ge [sflag:s17], $0x4000  }
0x29: {  	[sflag:s17] =	ssyncset.done $0x0  }
0x2a: {  	[sflag:s17] =	ssyncadd.s32 $0xFFFFC000  }
0x2b: {  	[spmem:s7] =	stream.linear.scatter [tilespmem:s16], [sflag:$0x3], $0x4000, $0x38;
	[tilespmem:$0x1E800] =	vst v63  }
0x2c: {  	_ =	swait.ge [sflag:s17], $0x4000  }
0x2d: {  	[sflag:s17] =	ssyncset.done $0x0  }
0x2e: {  	[sflag:s17] =	ssyncadd.s32 $0xFFFFC000  }
0x2f: {  	[spmem:s8] =	stream.linear.scatter [tilespmem:s16], [sflag:$0x3], $0x4000, $0x38;
	[tilespmem:$0x1E800] =	vst v63  }
0x30: {  	_ =	swait.ge [sflag:s17], $0x4000  }
0x31: {  	[sflag:s17] =	ssyncset.done $0x0  }
0x32: {  	[sflag:s17] =	ssyncadd.s32 $0xFFFFC000  }
0x33: {  	[spmem:s9] =	stream.linear.scatter [tilespmem:s16], [sflag:$0x3], $0x4000, $0x38;
	[tilespmem:$0x1E800] =	vst v63  }
0x34: {  	_ =	swait.ge [sflag:s17], $0x4000  }
0x35: {  	[sflag:s17] =	ssyncset.done $0x0  }
0x36: {  	[sflag:s17] =	ssyncadd.s32 $0xFFFFC000  }
0x37: {  	s30 =	simm.s32 $0x0;
	[bflag:$0x0] =	sbarrier.arrive $0xFFFF  }
0x38: {  	[tilespmem:s30], [sflag:$0x3] =	stream.linear.gather [hbm4b:s10+s30], $0x1400, $0x38;
	[tilespmem:$0x1E800] =	vst v63  }
0x39: {  	_ =	swait.ge [sflag:s17], $0x1400  }
0x3a: {  	[sflag:s17] =	ssyncset.done $0x0  }
0x3b: {  	[sflag:s17] =	ssyncadd.s32 $0xFFFFEC00  }
0x3c: {  	[tilespmem:s18], [sflag:$0x3] =	stream.linear.gather [hbm4b:s11+s30], $0x1400, $0x38;
	[tilespmem:$0x1E800] =	vst v63  }
0x3d: {  	_ =	swait.ge [sflag:s17], $0x1400  }
0x3e: {  	[sflag:s17] =	ssyncset.done $0x0  }
0x3f: {  	[sflag:s17] =	ssyncadd.s32 $0xFFFFEC00  }
0x40: {  	[tilespmem:s16], [sflag:$0x1] =	stream.indirect.gather [hbm4b:s4+s19], $0x80, s30, s19, $0xb8;
	[tilespmem:$0x1E800] =	vst v63  }
0x41: {  	s31 =	simm.s32 $0x80  }
0x42: {  	[tilespmem:s20], [sflag:$0x2] =	stream.indirect.gather [hbm4b:s4+s19], $0x80, s31, s19, $0xb8;
	[tilespmem:$0x1E800] =	vst v63  }
0x43: {  	_ =	swait.ge [sflag:s21], $0x4000  }
0x44: {  	[sflag:s21] =	ssyncset.done $0x0  }
0x45: {  	s29 =	simm.s32 $0x1400;
	[sflag:s21] =	ssyncadd.s32 $0xFFFFC000  }
0x46: {  	[spmem:s2] =	stream.indirect.scatter.add.f32 [tilespmem:s16], [sflag:$0x3], $0x80, s29, s19, $0xb8;
	[tilespmem:$0x1E800] =	vst v63  }
0x47: {  	_ =	swait.ge [sflag:s17], $0x4000  }
0x48: {  	[sflag:s17] =	ssyncset.done $0x0  }
0x49: {  	s30 =	simm.s32 $0x100;
	[sflag:s17] =	ssyncadd.s32 $0xFFFFC000  }
0x4a: {  	[tilespmem:s16], [sflag:$0x1] =	stream.indirect.gather [hbm4b:s4+s19], $0x80, s30, s19, $0xb8;
	[tilespmem:$0x1E800] =	vst v63  }
0x4b: {  	_ =	swait.ge [sflag:s22], $0x4000  }
0x4c: {  	[sflag:s22] =	ssyncset.done $0x0  }
0x4d: {  	s31 =	simm.s32 $0x1480;
	[sflag:s22] =	ssyncadd.s32 $0xFFFFC000  }
0x4e: {  	[spmem:s2] =	stream.indirect.scatter.add.f32 [tilespmem:s20], [sflag:$0x3], $0x80, s31, s19, $0xb8;
	[tilespmem:$0x1E800] =	vst v63  }
0x4f: {  	_ =	swait.ge [sflag:s17], $0x4000  }
0x50: {  	s28 =	simm.s32 $0x800;
	s26 =	simm.s32 $0x100;
	[sflag:s17] =	ssyncset.done $0x0  }
.LBB2_4:
0x51: {  	s29 =	sadd.s32 $0x80, s26  }
0x52: {  	[sflag:s17] =	ssyncadd.s32 $0xFFFFC000;
	s30 =	smov.u32 s28;
	s31 =	sadd.s32 $0x400, s28  }
0x53: {  	[tilespmem:s20], [sflag:$0x2] =	stream.indirect.gather [hbm4b:s4+s19], $0x80, s29, s19, $0xb8;
	[tilespmem:$0x1E800] =	vst v63  }
0x54: {  	p0 =	sne.s32 s28, $0x4800;
	_ =	swait.ge [sflag:s21], $0x4000  }
0x55: {  	[sflag:s21] =	ssyncset.done $0x0  }
0x56: {  	s28 =	sadd.s32 $0x1400, s26;
	[sflag:s21] =	ssyncadd.s32 $0xFFFFC000  }
0x57: {  	[spmem:s2] =	stream.indirect.scatter.add.f32 [tilespmem:s16], [sflag:$0x3], $0x80, s28, s19, $0xb8;
	[tilespmem:$0x1E800] =	vst v63  }
0x58: {  	_ =	swait.ge [sflag:s17], $0x4000  }
0x59: {  	[sflag:s17] =	ssyncset.done $0x0  }
0x5a: {  	s28 =	sadd.s32 $0x100, s26;
	[sflag:s17] =	ssyncadd.s32 $0xFFFFC000  }
0x5b: {  	[tilespmem:s16], [sflag:$0x1] =	stream.indirect.gather [hbm4b:s4+s19], $0x80, s28, s19, $0xb8;
	[tilespmem:$0x1E800] =	vst v63  }
0x5c: {  	_ =	swait.ge [sflag:s22], $0x4000  }
.Ltmp1:
0x5d: {  	[sflag:s22] =	ssyncset.done $0x0;
	(pc) =	sbr.rel @p0 .LBB2_4-.Ltmp1, $4  }
0x5e: {  	s26 =	sadd.s32 $0x1480, s26;
	[sflag:s22] =	ssyncadd.s32 $0xFFFFC000  }
0x5f: {  	[spmem:s2] =	stream.indirect.scatter.add.f32 [tilespmem:s20], [sflag:$0x3], $0x80, s26, s19, $0xb8;
	[tilespmem:$0x1E800] =	vst v63  }
0x60: {  	_ =	swait.ge [sflag:s17], $0x4000  }
0x61: {  	s28 =	smov.u32 s31;
	s26 =	sshra.s32 s30, $0x2;
	[sflag:s17] =	ssyncset.done $0x0  }
0x62: {  	s28 =	sadd.s32 $0x80, s26;
	[sflag:s17] =	ssyncadd.s32 $0xFFFFC000  }
0x63: {  	[tilespmem:s20], [sflag:$0x2] =	stream.indirect.gather [hbm4b:s4+s19], $0x80, s28, s19, $0xb8;
	[tilespmem:$0x1E800] =	vst v63  }
0x64: {  	_ =	swait.ge [sflag:s21], $0x4000  }
0x65: {  	[sflag:s21] =	ssyncset.done $0x0  }
0x66: {  	s28 =	sadd.s32 $0x1400, s26;
	[sflag:s21] =	ssyncadd.s32 $0xFFFFC000  }
0x67: {  	[spmem:s2] =	stream.indirect.scatter.add.f32 [tilespmem:s16], [sflag:$0x3], $0x80, s28, s19, $0xb8;
	[tilespmem:$0x1E800] =	vst v63  }
0x68: {  	_ =	swait.ge [sflag:s17], $0x4000  }
0x69: {  	[sflag:s17] =	ssyncset.done $0x0  }
0x6a: {  	s28 =	sadd.s32 $0x100, s26;
	[sflag:s17] =	ssyncadd.s32 $0xFFFFC000  }
0x6b: {  	[tilespmem:s16], [sflag:$0x1] =	stream.indirect.gather [hbm4b:s4+s19], $0x80, s28, s19, $0xb8;
	[tilespmem:$0x1E800] =	vst v63  }
0x6c: {  	_ =	swait.ge [sflag:s22], $0x4000  }
0x6d: {  	[sflag:s22] =	ssyncset.done $0x0  }
0x6e: {  	s29 =	sadd.s32 $0x1480, s26;
	[sflag:s22] =	ssyncadd.s32 $0xFFFFC000  }
0x6f: {  	[spmem:s2] =	stream.indirect.scatter.add.f32 [tilespmem:s20], [sflag:$0x3], $0x80, s29, s19, $0xb8;
	[tilespmem:$0x1E800] =	vst v63  }
0x70: {  	_ =	swait.ge [sflag:s17], $0x4000  }
0x71: {  	[sflag:s17] =	ssyncset.done $0x0  }
0x72: {  	[sflag:s17] =	ssyncadd.s32 $0xFFFFC000  }
0x73: {  	[tilespmem:s20], [sflag:$0x2] =	stream.indirect.gather [hbm4b:s4+s19], $0x80, s23, s19, $0xb8;
	[tilespmem:$0x1E800] =	vst v63  }
0x74: {  	_ =	swait.ge [sflag:s21], $0x4000  }
0x75: {  	[sflag:s21] =	ssyncset.done $0x0  }
0x76: {  	[sflag:s21] =	ssyncadd.s32 $0xFFFFC000  }
0x77: {  	[spmem:s2] =	stream.indirect.scatter.add.f32 [tilespmem:s16], [sflag:$0x3], $0x80, s24, s19, $0xb8;
	[tilespmem:$0x1E800] =	vst v63  }
0x78: {  	_ =	swait.ge [sflag:s17], $0x4000  }
0x79: {  	[sflag:s17] =	ssyncset.done $0x0  }
0x7a: {  	[sflag:s17] =	ssyncadd.s32 $0xFFFFC000  }
0x7b: {  	_ =	swait.ge [sflag:s22], $0x4000  }
0x7c: {  	[sflag:s22] =	ssyncset.done $0x0  }
0x7d: {  	[sflag:s22] =	ssyncadd.s32 $0xFFFFC000  }
0x7e: {  	[spmem:s2] =	stream.indirect.scatter.add.f32 [tilespmem:s20], [sflag:$0x3], $0x80, s25, s19, $0xb8;
	[tilespmem:$0x1E800] =	vst v63  }
0x7f: {  	_ =	swait.ge [sflag:s17], $0x4000  }
0x80: {  	[sflag:s17] =	ssyncset.done $0x0  }
0x81: {  	s30 =	simm.s32 $0x0;
	[sflag:s17] =	ssyncadd.s32 $0xFFFFC000  }
0x82: {  	[tilespmem:s30], [sflag:$0x3] =	stream.linear.gather [hbm4b:s12+s30], $0x1400, $0x38;
	[tilespmem:$0x1E800] =	vst v63  }
0x83: {  	_ =	swait.ge [sflag:s17], $0x1400  }
0x84: {  	[sflag:s17] =	ssyncset.done $0x0  }
0x85: {  	[sflag:s17] =	ssyncadd.s32 $0xFFFFEC00  }
0x86: {  	[tilespmem:s18], [sflag:$0x3] =	stream.linear.gather [hbm4b:s13+s30], $0x1400, $0x38;
	[tilespmem:$0x1E800] =	vst v63  }
0x87: {  	_ =	swait.ge [sflag:s17], $0x1400  }
0x88: {  	[sflag:s17] =	ssyncset.done $0x0  }
0x89: {  	[sflag:s17] =	ssyncadd.s32 $0xFFFFEC00  }
0x8a: {  	[tilespmem:s16], [sflag:$0x1] =	stream.indirect.gather [hbm4b:s4+s19], $0x80, s30, s19, $0xb8;
	[tilespmem:$0x1E800] =	vst v63  }
0x8b: {  	s31 =	simm.s32 $0x80  }
0x8c: {  	[tilespmem:s20], [sflag:$0x2] =	stream.indirect.gather [hbm4b:s4+s19], $0x80, s31, s19, $0xb8;
	[tilespmem:$0x1E800] =	vst v63  }
0x8d: {  	_ =	swait.ge [sflag:s21], $0x4000  }
0x8e: {  	[sflag:s21] =	ssyncset.done $0x0  }
0x8f: {  	s29 =	simm.s32 $0x1400;
	[sflag:s21] =	ssyncadd.s32 $0xFFFFC000  }
0x90: {  	[spmem:s2] =	stream.indirect.scatter.add.f32 [tilespmem:s16], [sflag:$0x3], $0x80, s29, s19, $0xb8;
	[tilespmem:$0x1E800] =	vst v63  }
0x91: {  	_ =	swait.ge [sflag:s17], $0x4000  }
0x92: {  	[sflag:s17] =	ssyncset.done $0x0  }
0x93: {  	s30 =	simm.s32 $0x100;
	[sflag:s17] =	ssyncadd.s32 $0xFFFFC000  }
0x94: {  	[tilespmem:s16], [sflag:$0x1] =	stream.indirect.gather [hbm4b:s4+s19], $0x80, s30, s19, $0xb8;
	[tilespmem:$0x1E800] =	vst v63  }
0x95: {  	_ =	swait.ge [sflag:s22], $0x4000  }
0x96: {  	[sflag:s22] =	ssyncset.done $0x0  }
0x97: {  	s31 =	simm.s32 $0x1480;
	[sflag:s22] =	ssyncadd.s32 $0xFFFFC000  }
0x98: {  	[spmem:s2] =	stream.indirect.scatter.add.f32 [tilespmem:s20], [sflag:$0x3], $0x80, s31, s19, $0xb8;
	[tilespmem:$0x1E800] =	vst v63  }
0x99: {  	_ =	swait.ge [sflag:s17], $0x4000  }
0x9a: {  	s26 =	simm.s32 $0x100;
	s28 =	simm.s32 $0x800;
	[sflag:s17] =	ssyncset.done $0x0  }
.LBB2_6:
0x9b: {  	s29 =	sadd.s32 $0x80, s26  }
0x9c: {  	[sflag:s17] =	ssyncadd.s32 $0xFFFFC000;
	s30 =	smov.u32 s28;
	s31 =	sadd.s32 $0x400, s28  }
0x9d: {  	[tilespmem:s20], [sflag:$0x2] =	stream.indirect.gather [hbm4b:s4+s19], $0x80, s29, s19, $0xb8;
	[tilespmem:$0x1E800] =	vst v63  }
0x9e: {  	p0 =	sne.s32 s28, $0x4800;
	_ =	swait.ge [sflag:s21], $0x4000  }
0x9f: {  	[sflag:s21] =	ssyncset.done $0x0  }
0xa0: {  	s28 =	sadd.s32 $0x1400, s26;
	[sflag:s21] =	ssyncadd.s32 $0xFFFFC000  }
0xa1: {  	[spmem:s2] =	stream.indirect.scatter.add.f32 [tilespmem:s16], [sflag:$0x3], $0x80, s28, s19, $0xb8;
	[tilespmem:$0x1E800] =	vst v63  }
0xa2: {  	_ =	swait.ge [sflag:s17], $0x4000  }
0xa3: {  	[sflag:s17] =	ssyncset.done $0x0  }
0xa4: {  	s28 =	sadd.s32 $0x100, s26;
	[sflag:s17] =	ssyncadd.s32 $0xFFFFC000  }
0xa5: {  	[tilespmem:s16], [sflag:$0x1] =	stream.indirect.gather [hbm4b:s4+s19], $0x80, s28, s19, $0xb8;
	[tilespmem:$0x1E800] =	vst v63  }
0xa6: {  	_ =	swait.ge [sflag:s22], $0x4000  }
.Ltmp2:
0xa7: {  	[sflag:s22] =	ssyncset.done $0x0;
	(pc) =	sbr.rel @p0 .LBB2_6-.Ltmp2, $4  }
0xa8: {  	s26 =	sadd.s32 $0x1480, s26;
	[sflag:s22] =	ssyncadd.s32 $0xFFFFC000  }
0xa9: {  	[spmem:s2] =	stream.indirect.scatter.add.f32 [tilespmem:s20], [sflag:$0x3], $0x80, s26, s19, $0xb8;
	[tilespmem:$0x1E800] =	vst v63  }
0xaa: {  	_ =	swait.ge [sflag:s17], $0x4000  }
0xab: {  	s28 =	smov.u32 s31;
	s26 =	sshra.s32 s30, $0x2;
	[sflag:s17] =	ssyncset.done $0x0  }
0xac: {  	s28 =	sadd.s32 $0x80, s26;
	[sflag:s17] =	ssyncadd.s32 $0xFFFFC000  }
0xad: {  	[tilespmem:s20], [sflag:$0x2] =	stream.indirect.gather [hbm4b:s4+s19], $0x80, s28, s19, $0xb8;
	[tilespmem:$0x1E800] =	vst v63  }
0xae: {  	_ =	swait.ge [sflag:s21], $0x4000  }
0xaf: {  	[sflag:s21] =	ssyncset.done $0x0  }
0xb0: {  	s30 =	sadd.s32 $0x1400, s26;
	[sflag:s21] =	ssyncadd.s32 $0xFFFFC000  }
0xb1: {  	[spmem:s2] =	stream.indirect.scatter.add.f32 [tilespmem:s16], [sflag:$0x3], $0x80, s30, s19, $0xb8;
	[tilespmem:$0x1E800] =	vst v63  }
0xb2: {  	_ =	swait.ge [sflag:s17], $0x4000  }
0xb3: {  	[sflag:s17] =	ssyncset.done $0x0  }
0xb4: {  	s31 =	sadd.s32 $0x100, s26;
	[sflag:s17] =	ssyncadd.s32 $0xFFFFC000  }
0xb5: {  	[tilespmem:s16], [sflag:$0x1] =	stream.indirect.gather [hbm4b:s4+s19], $0x80, s31, s19, $0xb8;
	[tilespmem:$0x1E800] =	vst v63  }
0xb6: {  	_ =	swait.ge [sflag:s22], $0x4000  }
0xb7: {  	[sflag:s22] =	ssyncset.done $0x0  }
0xb8: {  	s29 =	sadd.s32 $0x1480, s26;
	[sflag:s22] =	ssyncadd.s32 $0xFFFFC000  }
0xb9: {  	[spmem:s2] =	stream.indirect.scatter.add.f32 [tilespmem:s20], [sflag:$0x3], $0x80, s29, s19, $0xb8;
	[tilespmem:$0x1E800] =	vst v63  }
0xba: {  	_ =	swait.ge [sflag:s17], $0x4000  }
0xbb: {  	[sflag:s17] =	ssyncset.done $0x0  }
0xbc: {  	[sflag:s17] =	ssyncadd.s32 $0xFFFFC000  }
0xbd: {  	[tilespmem:s20], [sflag:$0x2] =	stream.indirect.gather [hbm4b:s4+s19], $0x80, s23, s19, $0xb8;
	[tilespmem:$0x1E800] =	vst v63  }
0xbe: {  	_ =	swait.ge [sflag:s21], $0x4000  }
0xbf: {  	[sflag:s21] =	ssyncset.done $0x0  }
0xc0: {  	[sflag:s21] =	ssyncadd.s32 $0xFFFFC000  }
0xc1: {  	[spmem:s2] =	stream.indirect.scatter.add.f32 [tilespmem:s16], [sflag:$0x3], $0x80, s24, s19, $0xb8;
	[tilespmem:$0x1E800] =	vst v63  }
0xc2: {  	_ =	swait.ge [sflag:s17], $0x4000  }
0xc3: {  	[sflag:s17] =	ssyncset.done $0x0  }
0xc4: {  	[sflag:s17] =	ssyncadd.s32 $0xFFFFC000  }
0xc5: {  	_ =	swait.ge [sflag:s22], $0x4000  }
0xc6: {  	[sflag:s22] =	ssyncset.done $0x0  }
0xc7: {  	[sflag:s22] =	ssyncadd.s32 $0xFFFFC000  }
0xc8: {  	[spmem:s2] =	stream.indirect.scatter.add.f32 [tilespmem:s20], [sflag:$0x3], $0x80, s25, s19, $0xb8;
	[tilespmem:$0x1E800] =	vst v63  }
0xc9: {  	_ =	swait.ge [sflag:s17], $0x4000  }
0xca: {  	s3 =	sadd.s32 $0x1, s3;
	s30 =	sshll.u32 s1, $0x6;
	[sflag:s17] =	ssyncset.done $0x0  }
0xcb: {  	p0 =	sne.s32 s3, s15;
	s26 =	sor.u32 $0x1C03, s30;
	[sflag:s17] =	ssyncadd.s32 $0xFFFFC000  }
.Ltmp3:
0xcc: {  	s31 =	sshrl.u32 s5, $0x3;
	[bflag:$0x0] =	sbarrier.arrive $0xFFFF;
	(pc) =	sbr.rel @p0 .LBB2_1-.Ltmp3, $4  }
0xcd: {  	[hbm:s14], [sflag:s26] =	dma.local [spmem:s31], $0x2800  }
0xce: {  	_ =	swait.ge [sflag:s17], $0x2800  }
0xcf: {  	[sflag:s17] =	ssyncset.done $0x0  }
0xd0: {  	[sflag:s17] =	ssyncadd.s32 $0xFFFFD800  }
0xd1: {  	_ =	sfence.sel $0x180000  }
0xd2: {  	[bflag:$0x0] =	sbarrier.arrive $0xFFFF  }
0xd3: {  	p0 =	sne.s32 s1, $0x0;
	_ =	strace $0x9000004A  }
0xd4: {  	s0 =	sadd.s32 @!p0 $0x100000, s0;
	[bflag:$0x2] =	sbarrier.arrive $0xFFFF  }
0xd5: {  	[sflag:s0] =	ssyncadd.tile.s32 @!p0 $0x1;
	_ =	shalt  }
.Lfunc_end2:
_tile_overlayer_lowered:
.L_overlay_start_2:
0xd6: {  	(tag) =	ssettag $0x2  }
0xd7: {  	s0 =	rddreg [dreg:$0x0];
	s2 =	stileid.u32  }
0xd8: {  	s1 =	rddreg [dreg:$0x1];
	p0 =	sne.s32 s2, $0x0  }
0xd9: {  	s3 =	rddreg [dreg:$0x2];
	[bflag:$0x3] =	sbarrier.arrive $0xFFFF;
	s2 =	simm.s32 @!p0 $0x1C03  }
0xda: {  	[timem:s3], [sflag:s2] =	dma.local @!p0 [hbm:s0], s1  }
0xdb: {  	s0 =	simm.s32 @!p0 $0x3  }
0xdc: {  	_ =	swait.ge @!p0 [sflag:s0], s1  }
0xdd: {  	s1 =	ssub.s32 @!p0 $0x0, s1;
	[sflag:s0] =	ssyncset.done @!p0 $0x0  }
0xde: {  	[sflag:s0] =	ssyncadd.s32 @!p0 s1  }
0xdf: {  	[bflag:$0x3] =	sbarrier.arrive $0xFFFF  }
0xe0: {  	_ =	shalt  }

// kernel: kernel.14.cloned.1.call-start
scs
__scs_entry_jumppad:
0x0: {  	(pc) =	sbr.rel $0x88, $3  }
0x1: {  	(tag) =	ssettag $0x0;
	lr =	simm.s32 $0x1  }
0x2: {  	[smem:$0x3F9A] =	sst lr;
	_ =	strace $0xD0000000  }
0x3: {  	_ = 	snop  }
0x4: {  	_ = 	snop  }
0x5: {  	_ = 	snop  }
0x6: {  	_ = 	snop  }
0x7: {  	_ = 	snop  }
__scs_overlays_trampoline_lowered:
0x8: {  	[smem:$0x3FA9] =	sst s0  }
0x9: {  	[smem:$0x3FAA] =	sst s1  }
0xa: {  	[smem:$0x3FAB] =	sst s2  }
0xb: {  	[smem:$0x3FAC] =	sst s3  }
0xc: {  	[smem:$0x3FAD] =	sst s4  }
0xd: {  	[smem:$0x3FAE] =	sst s5  }
0xe: {  	[smem:$0x3FAF] =	sst s6  }
0xf: {  	[smem:$0x3FB0] =	sst s7  }
0x10: {  	[smem:$0x3FB1] =	sst s8  }
0x11: {  	[smem:$0x3FB2] =	sst s9;
	s0 =	simm.s32 @!p0 $0x0  }
0x12: {  	s1 =	sld [smem:$0x3F98];
	s0 =	simm.s32 @p0 $0x1  }
0x13: {  	[smem:$0x3FB3] =	sst s0;
	s0 =	simm.s32 @!p1 $0x0  }
0x14: {  	s2 =	sld [smem:$0x3F97];
	s0 =	simm.s32 @p1 $0x1  }
0x15: {  	[smem:$0x3FB4] =	sst s0;
	s0 =	simm.s32 @!p2 $0x0  }
0x16: {  	s3 =	sld [smem:$0x3FDB];
	s0 =	simm.s32 @p2 $0x1  }
0x17: {  	s4 =	simm.s32 $0x1BF5;
	[smem:$0x3FB6] =	sst s0  }
0x18: {  	s0 =	sld [smem:$0x3F99];
	_ =	swait.ge [sflag:s4], $0x0  }
0x19: {  	s7 =	sld [smem:$0x3F9A]  }
0x1a: {  	s8 =	sadd.s32 $0xFFFFE003, lr  }
0x1b: {  	s9 =	sadd.s32 $0xFFFFFEF7, lr;
	s5 =	simm.s32 $0xFFFFFFFF;
	p2 =	slt.u32 s8, $0xFFFFF086  }
0x1c: {  	p1 =	slt.u32 s9, $0xF7A;
	s5 =	simm.s32 @!p2 $0x0  }
0x1d: {  	s5 =	simm.s32 @p1 $0x1;
	p0 =	seq.s32 s7, s2  }
0x1e: {  	s7 =	smul.u32 @!p0 $0xF7A, s2;
	p2 =	seq.s32 @!p0 s5, $0x0  }
0x1f: {  	s9 =	smul.u32 $0xF7A, s1;
	s8 =	simm.s32 @!p0 $0x1BF5;
	p2 =	por !p2, p0  }
0x20: {  	[sflag:s8] =	ssyncset.s32 @!p0 $0xFFFFF086;
	s6 =	sadd.s32 @!p0 s3, s7;
	s7 =	simm.s32 @!p0 $0x108  }
0x21: {  	s3 =	sadd.s32 s3, s9;
	s6 =	sadd.s32 @!p0 $0x88, s6;
	s7 =	simm.s32 @p2 $0x1082  }
0x22: {  	[simem:s7], [sflag:s8] =	dma.local @!p0 [hbm:s6], $0xF7A  }
0x23: {  	s9 =	sor.u32 $0xD0000000, s2;
	s6 =	simm.s32 $0x108;
	_ =	swait.ge @!p0 [sflag:s8], $0x0  }
0x24: {  	s3 =	sadd.s32 $0x88, s3;
	s6 =	simm.s32 @!p1 $0x1082;
	[sflag:s4] =	ssyncset.s32 $0xFFFFF086  }
0x25: {  	[simem:s6], [sflag:s4] =	dma.local [hbm:s3], $0xF7A  }
0x26: {  	[smem:$0x3F9A] =	sst s1;
	(tag) =	ssettag s2;
	_ =	strace s9  }
0x27: {  	s1 =	sld [smem:$0x3FAA]  }
0x28: {  	s2 =	sld [smem:$0x3FAB]  }
0x29: {  	s4 =	sld [smem:$0x3FAD]  }
0x2a: {  	p0 =	seq.s32 s5, $0x0;
	s5 =	sld [smem:$0x3FAE]  }
0x2b: {  	s6 =	sld [smem:$0x3FAF]  }
0x2c: {  	s7 =	sld [smem:$0x3FB0]  }
0x2d: {  	s3 =	simm.s32 $0x108;
	s8 =	sld [smem:$0x3FB1]  }
0x2e: {  	s3 =	simm.s32 @!p0 $0x1082;
	s9 =	sld [smem:$0x3FB2]  }
0x2f: {  	lr =	sadd.s32 s0, s3;
	s0 =	sld [smem:$0x3FA9]  }
0x30: {  	s3 =	sld [smem:$0x3FAC]  }
0x31: {  	[smem:$0x3FB5] =	sst s10  }
0x32: {  	s10 =	sld [smem:$0x3FB3];
	_ =	sdelay $0x3  }
0x33: {  	p0 =	seq.s32 s10, $0x1;
	s10 =	sld [smem:$0x3FB5];
	_ =	sdelay $0x3  }
0x34: {  	[smem:$0x3FB5] =	sst s10  }
0x35: {  	s10 =	sld [smem:$0x3FB4];
	_ =	sdelay $0x3  }
0x36: {  	p1 =	seq.s32 s10, $0x1;
	s10 =	sld [smem:$0x3FB5];
	_ =	sdelay $0x3  }
0x37: {  	[smem:$0x3FB5] =	sst s10  }
0x38: {  	s10 =	sld [smem:$0x3FB6]  }
0x39: {  	_ = 	snop;
	(pc) =	sbr.ind lr, $3  }
0x3a: {  	_ = 	snop  }
0x3b: {  	_ = 	snop  }
0x3c: {  	p2 =	seq.s32 s10, $0x1;
	s10 =	sld [smem:$0x3FB5]  }
0x3d: {  	_ =	shalt  }
0x3e: {  	_ =	shalt  }
0x3f: {  	_ =	shalt  }
0x40: {  	_ =	shalt  }
0x41: {  	_ =	shalt  }
0x42: {  	_ =	shalt  }
0x43: {  	_ =	shalt  }
0x44: {  	_ =	shalt  }
0x45: {  	_ =	shalt  }
0x46: {  	_ =	shalt  }
0x47: {  	_ =	shalt  }
0x48: {  	_ =	shalt  }
0x49: {  	_ =	shalt  }
0x4a: {  	_ =	shalt  }
0x4b: {  	_ =	shalt  }
0x4c: {  	_ =	shalt  }
0x4d: {  	_ =	shalt  }
0x4e: {  	_ =	shalt  }
0x4f: {  	_ =	shalt  }
0x50: {  	_ =	shalt  }
0x51: {  	_ =	shalt  }
0x52: {  	_ =	shalt  }
0x53: {  	_ =	shalt  }
0x54: {  	_ =	shalt  }
0x55: {  	_ =	shalt  }
0x56: {  	_ =	shalt  }
0x57: {  	_ =	shalt  }
0x58: {  	_ =	shalt  }
0x59: {  	_ =	shalt  }
0x5a: {  	_ =	shalt  }
0x5b: {  	_ =	shalt  }
0x5c: {  	_ =	shalt  }
0x5d: {  	_ =	shalt  }
0x5e: {  	_ =	shalt  }
0x5f: {  	_ =	shalt  }
0x60: {  	_ =	shalt  }
0x61: {  	_ =	shalt  }
0x62: {  	_ =	shalt  }
0x63: {  	_ =	shalt  }
0x64: {  	_ =	shalt  }
0x65: {  	_ =	shalt  }
0x66: {  	_ =	shalt  }
0x67: {  	_ =	shalt  }
0x68: {  	_ =	shalt  }
0x69: {  	_ =	shalt  }
0x6a: {  	_ =	shalt  }
0x6b: {  	_ =	shalt  }
0x6c: {  	_ =	shalt  }
0x6d: {  	_ =	shalt  }
0x6e: {  	_ =	shalt  }
0x6f: {  	_ =	shalt  }
0x70: {  	_ =	shalt  }
0x71: {  	_ =	shalt  }
0x72: {  	_ =	shalt  }
0x73: {  	_ =	shalt  }
0x74: {  	_ =	shalt  }
0x75: {  	_ =	shalt  }
0x76: {  	_ =	shalt  }
0x77: {  	_ =	shalt  }
0x78: {  	_ =	shalt  }
0x79: {  	_ =	shalt  }
0x7a: {  	_ =	shalt  }
0x7b: {  	_ =	shalt  }
0x7c: {  	_ =	shalt  }
0x7d: {  	_ =	shalt  }
0x7e: {  	_ =	shalt  }
0x7f: {  	_ =	shalt  }
0x80: {  	_ =	shalt  }
0x81: {  	_ =	shalt  }
0x82: {  	_ =	shalt  }
0x83: {  	_ =	shalt  }
0x84: {  	_ =	shalt  }
0x85: {  	_ =	shalt  }
0x86: {  	_ =	shalt  }
0x87: {  	_ =	shalt  }
.Lfunc_end0:
.L_simem_size_0:
called_computation.2_lowered:
.L_overlay_start_0:
0x88: {  	s2 =	sld [smem:$0x3FD9]  }
0x89: {  	s3 =	sld [smem:$0x3FFE];
	_ =	sdelay $0x1  }
0x8a: {  	s1 =	srdreg.scid  }
0x8b: {  	s0 =	sand.u32 $0x1, s1  }
0x8c: {  	s16 =	sshll.u32 s0, $0xA;
	s2 =	sadd.s32 s3, s2  }
0x8d: {  	s2 =	sadd.s32 s2, s16  }
0x8e: {  	[smem:$0x3FC1] =	sst s2  }
0x8f: {  	_ = 	snop  }
0x90: {  	(tm) =	ssettm $0x1  }
0x91: {  	s17 =	sld [smem:$0x3FFB];
	_ =	sdelay $0x3  }
0x92: {  	_ =	strace s17  }
0x93: {  	s2 =	sld [smem:$0x3FFC];
	_ =	sdelay $0x3  }
0x94: {  	_ =	strace s2  }
0x95: {  	s2 =	sld [smem:$0x3FFD];
	_ =	sdelay $0x3  }
0x96: {  	_ =	strace s2  }
0x97: {  	_ =	strace $0x8FFFFFFF  }
0x98: {  	s18 =	sld [smem:$0x3FDB];
	_ =	sdelay $0x1  }
0x99: {  	s19 =	simm.s32 $_scs_section_size  }
0x9a: {  	s4 =	simm.s32 $_size__tile_overlayer_lowered;
	s5 =	simm.s32 $_tile_overlayer_lowered  }
0x9b: {  	s22 =	simm.s32 $0x1BFF;
	s21 =	sshll.u32 s5, $0x1;
	s2 =	sadd.s32 s19, s18  }
0x9c: {  	s6 =	simm.s32 $0x0;
	s20 =	sshll.u32 s4, $0x1;
	s4 =	sadd.s32 s21, s2  }
0x9d: {  	[timem:s6], [sflag:s22] =	dma.local [hbm:s4], s20  }
0x9e: {  	_ =	swait.ge [sflag:s22], s20  }
0x9f: {  	s3 =	ssub.s32 $0x0, s20;
	[sflag:s22] =	ssyncset.done $0x0  }
0xa0: {  	[sflag:s22] =	ssyncadd.s32 s3;
	_ =	sdelay $0x1  }
0xa1: {  	s23 =	simm.s32 $0x1B8B  }
0xa2: {  	_ =	swait.ge [sflag:s23], $0x1  }
0xa3: {  	[sflag:s23] =	ssyncset.done $0x0  }
0xa4: {  	s25 =	simm.s32 $0x1B8E;
	s24 =	sld [smem:$0x3FFE];
	[sflag:s23] =	ssyncadd.s32 $0xFFFFFFFF  }
0xa5: {  	s26 =	simm.s32 $execute0_lowered;
	[smem:$0x3FD2] =	sst s25  }
0xa6: {  	s4 =	sshll.u32 s26, $0x1;
	_ =	strace $0x8000004C;
	[dreg:$0x1] =	wrdreg $0xFFFFFFFF  }
0xa7: {  	s28 =	simm.s32 $_size_execute0_lowered;
	s2 =	sadd.s32 s2, s4;
	[dreg:$0x0] =	wrdreg $0x0  }
0xa8: {  	s4 =	sshll.u32 s28, $0x1;
	[dreg:$0x2] =	wrdreg s2  }
0xa9: {  	[dreg:$0x3] =	wrdreg s4  }
0xaa: {  	[dreg:$0x4] =	wrdreg $0xC0  }
0xab: {  	_ =	task [dreg:s6], $0x5FFFF  }
0xac: {  	[dreg:$0x1] =	wrdreg $0xFFFFFFFF  }
0xad: {  	[dreg:$0x0] =	wrdreg $0x60  }
0xae: {  	[dreg:$0x2] =	wrdreg s24  }
0xaf: {  	[dreg:$0x3] =	wrdreg $0xA8000  }
0xb0: {  	[dreg:$0x4] =	wrdreg $0x9  }
0xb1: {  	_ =	task.clear_ibuf [dreg:s6], $0x5FFFF;
	_ =	strace $0x9000004C  }
0xb2: {  	s29 =	simm.s32 $0x9;
	_ =	strace $0x8000004E  }
0xb3: {  	_ =	swait.ge [sflag:s29], $0x1  }
0xb4: {  	[sflag:s29] =	ssyncadd.s32 $0xFFFFFFFF  }
0xb5: {  	_ =	strace $0x9000004E  }
0xb6: {  	_ =	sfence  }
0xb7: {  	s30 =	sld [smem:$0x0];
	_ =	sdelay $0x2  }
0xb8: {  	s31 =	sshll.u32 s1, $0xD;
	s1 =	sshrl.u32 s1, $0x2  }
0xb9: {  	s3 =	sand.u32 $0x4000, s31;
	s1 =	sadd.s32 s1, s30  }
0xba: {  	s0 =	sor.u32 s3, s0;
	s1 =	sshll.u32 s1, $0x11  }
0xbb: {  	s0 =	sor.u32 s1, s0  }
0xbc: {  	s0 =	sadd.s32 $0x8F2B, s0  }
0xbd: {  	[sflag:s0] =	ssyncadd.remote.s32 $0x1  }
0xbe: {  	_ =	sfence.sel $0xFFFF  }
0xbf: {  	[dreg:$0x0] =	wrdreg $0xFFFFFFFF;
	(pc) =	sbr.abs _section_cstart, $3  }
0xc0: {  	[dreg:$0x1] =	wrdreg $0xFFFFFFFF  }
0xc1: {  	_ =	task.clear_ibuf [dreg:s6], $0x2FFFF;
	_ =	strace $0x9FFFFFFF  }
0xc2: {  	(tm) =	ssettm $0x7FFFFFFF  }
0xc3: {  	_ =	shalt  }
tec
execute0_lowered:
.L_overlay_start_1:
0x0: {  	(tag) =	ssettag $0x1  }
0x1: {  	s5 =	rddreg [dreg:$0x0];
	s0 =	srdreg.scid  }
0x2: {  	s2 =	rddreg [dreg:$0x1];
	s1 =	stileid.u32  }
0x3: {  	s3 =	simm.s32 $0x0;
	s17 =	simm.s32 $0x3;
	s18 =	simm.s32 $0x1400  }
0x4: {  	s19 =	simm.s32 $0x80;
	s20 =	simm.s32 $0x6800;
	s21 =	simm.s32 $0x1  }
0x5: {  	s22 =	simm.s32 $0x2;
	s23 =	simm.s32 $0x1380;
	s24 =	simm.s32 $0x2700  }
0x6: {  	s6 =	sand.u32 $0x1, s0;
	s0 =	rddreg [dreg:$0x2];
	s7 =	smul.u32 $0x14000, s1  }
0x7: {  	s25 =	simm.s32 $0x2780;
	[smem:$0x7FF] =	sst s3;
	s8 =	smul.u32 $0x50000, s1  }
0x8: {  	s12 =	sadd.s32 $0xCA00, s5;
	s13 =	sadd.s32 $0x2A00, s5;
	s4 =	smul.u32 $0x140000, s6  }
0x9: {  	_ =	strace $0x8000004D;
	s28 =	sshll.u32 s6, $0x4;
	s6 =	ssub.s32 $0x2, s6  }
0xa: {  	s29 =	sor.u32 s1, s28;
	s30 =	sshrl.u32 s8, $0x2;
	s31 =	sshrl.u32 s6, $0x1  }
0xb: {  	s4 =	sadd.s32 s7, s4;
	s9 =	smul.u32 $0x2800, s29;
	s15 =	ssub.s32 s6, s31  }
0xc: {  	s11 =	smul.u32 $0x500, s29;
	s7 =	sshrl.u32 s4, $0x3;
	s4 =	sadd.s32 $0x16A00, s5  }
0xd: {  	s15 =	smax.u32 s15, $0x1;
	s14 =	sadd.s32 s7, s5;
	s5 =	sadd.s32 s30, s2  }
0xe: {  	s16 =	sshrl.u32 s9, $0x3;
	s10 =	sadd.s32 s12, s11;
	s11 =	sadd.s32 s13, s11  }
0xf: {  	s6 =	sadd.s32 $0x4000, s5;
	s7 =	sadd.s32 $0x8000, s5;
	s8 =	sadd.s32 $0xC000, s5  }
0x10: {  	s9 =	sadd.s32 $0x10000, s5;
	s16 =	sadd.s32 $0x280, s16;
	s14 =	sadd.s32 $0x3EA00, s14  }
0x11: {  	v0 =	vimm.f32 $0.0e+00;
	s12 =	sadd.s32 s12, s16;
	s13 =	sadd.s32 s13, s16;
	s16 =	simm.s32 $0x2800  }
.LBB2_1:
0x12: {  	s26 =	simm.s32 $0x0;
	s28 =	simm.s32 $0x200  }
.LBB2_2:
0x13: {  	p0 =	sne.s32 s28, $0xFE00;
	[tilespmem:s26+$0x2870] =	vst v0  }
0x14: {  	[tilespmem:s26+$0x2800] =	vst v0  }
0x15: {  	[tilespmem:s26+$0x2810] =	vst v0  }
.Ltmp0:
0x16: {  	[tilespmem:s26+$0x2820] =	vst v0;
	(pc) =	sbr.rel @p0 .LBB2_2-.Ltmp0, $4  }
0x17: {  	[tilespmem:s26+$0x2830] =	vst v0  }
0x18: {  	[tilespmem:s26+$0x2840] =	vst v0  }
0x19: {  	[tilespmem:s26+$0x2850] =	vst v0  }
0x1a: {  	[tilespmem:s26+$0x2860] =	vst v0;
	s26 =	sshra.s32 s28, $0x2;
	s28 =	sadd.s32 $0x200, s28  }
0x1b: {  	[tilespmem:s26+$0x2870] =	vst v0  }
0x1c: {  	[tilespmem:s26+$0x2800] =	vst v0  }
0x1d: {  	[tilespmem:s26+$0x2810] =	vst v0  }
0x1e: {  	[tilespmem:s26+$0x2820] =	vst v0  }
0x1f: {  	[tilespmem:s26+$0x2830] =	vst v0  }
0x20: {  	[tilespmem:s26+$0x2840] =	vst v0  }
0x21: {  	[tilespmem:s26+$0x2850] =	vst v0  }
0x22: {  	[tilespmem:s26+$0x2860] =	vst v0  }
0x23: {  	[spmem:s5] =	stream.linear.scatter [tilespmem:s16], [sflag:$0x3], $0x4000, $0x38;
	[tilespmem:$0x1E800] =	vst v63  }
0x24: {  	_ =	swait.ge [sflag:s17], $0x4000  }
0x25: {  	[sflag:s17] =	ssyncset.done $0x0  }
0x26: {  	[sflag:s17] =	ssyncadd.s32 $0xFFFFC000  }
0x27: {  	[spmem:s6] =	stream.linear.scatter [tilespmem:s16], [sflag:$0x3], $0x4000, $0x38;
	[tilespmem:$0x1E800] =	vst v63  }
0x28: {  	_ =	swait.ge [sflag:s17], $0x4000  }
0x29: {  	[sflag:s17] =	ssyncset.done $0x0  }
0x2a: {  	[sflag:s17] =	ssyncadd.s32 $0xFFFFC000  }
0x2b: {  	[spmem:s7] =	stream.linear.scatter [tilespmem:s16], [sflag:$0x3], $0x4000, $0x38;
	[tilespmem:$0x1E800] =	vst v63  }
0x2c: {  	_ =	swait.ge [sflag:s17], $0x4000  }
0x2d: {  	[sflag:s17] =	ssyncset.done $0x0  }
0x2e: {  	[sflag:s17] =	ssyncadd.s32 $0xFFFFC000  }
0x2f: {  	[spmem:s8] =	stream.linear.scatter [tilespmem:s16], [sflag:$0x3], $0x4000, $0x38;
	[tilespmem:$0x1E800] =	vst v63  }
0x30: {  	_ =	swait.ge [sflag:s17], $0x4000  }
0x31: {  	[sflag:s17] =	ssyncset.done $0x0  }
0x32: {  	[sflag:s17] =	ssyncadd.s32 $0xFFFFC000  }
0x33: {  	[spmem:s9] =	stream.linear.scatter [tilespmem:s16], [sflag:$0x3], $0x4000, $0x38;
	[tilespmem:$0x1E800] =	vst v63  }
0x34: {  	_ =	swait.ge [sflag:s17], $0x4000  }
0x35: {  	[sflag:s17] =	ssyncset.done $0x0  }
0x36: {  	[sflag:s17] =	ssyncadd.s32 $0xFFFFC000  }
0x37: {  	s30 =	simm.s32 $0x0;
	[bflag:$0x0] =	sbarrier.arrive $0xFFFF  }
0x38: {  	[tilespmem:s30], [sflag:$0x3] =	stream.linear.gather [hbm4b:s10+s30], $0x1400, $0x38;
	[tilespmem:$0x1E800] =	vst v63  }
0x39: {  	_ =	swait.ge [sflag:s17], $0x1400  }
0x3a: {  	[sflag:s17] =	ssyncset.done $0x0  }
0x3b: {  	[sflag:s17] =	ssyncadd.s32 $0xFFFFEC00  }
0x3c: {  	[tilespmem:s18], [sflag:$0x3] =	stream.linear.gather [hbm4b:s11+s30], $0x1400, $0x38;
	[tilespmem:$0x1E800] =	vst v63  }
0x3d: {  	_ =	swait.ge [sflag:s17], $0x1400  }
0x3e: {  	[sflag:s17] =	ssyncset.done $0x0  }
0x3f: {  	[sflag:s17] =	ssyncadd.s32 $0xFFFFEC00  }
0x40: {  	[tilespmem:s16], [sflag:$0x1] =	stream.indirect.gather [hbm4b:s4+s19], $0x80, s30, s19, $0xb8;
	[tilespmem:$0x1E800] =	vst v63  }
0x41: {  	s31 =	simm.s32 $0x80  }
0x42: {  	[tilespmem:s20], [sflag:$0x2] =	stream.indirect.gather [hbm4b:s4+s19], $0x80, s31, s19, $0xb8;
	[tilespmem:$0x1E800] =	vst v63  }
0x43: {  	_ =	swait.ge [sflag:s21], $0x4000  }
0x44: {  	[sflag:s21] =	ssyncset.done $0x0  }
0x45: {  	s29 =	simm.s32 $0x1400;
	[sflag:s21] =	ssyncadd.s32 $0xFFFFC000  }
0x46: {  	[spmem:s2] =	stream.indirect.scatter.add.f32 [tilespmem:s16], [sflag:$0x3], $0x80, s29, s19, $0xb8;
	[tilespmem:$0x1E800] =	vst v63  }
0x47: {  	_ =	swait.ge [sflag:s17], $0x4000  }
0x48: {  	[sflag:s17] =	ssyncset.done $0x0  }
0x49: {  	s30 =	simm.s32 $0x100;
	[sflag:s17] =	ssyncadd.s32 $0xFFFFC000  }
0x4a: {  	[tilespmem:s16], [sflag:$0x1] =	stream.indirect.gather [hbm4b:s4+s19], $0x80, s30, s19, $0xb8;
	[tilespmem:$0x1E800] =	vst v63  }
0x4b: {  	_ =	swait.ge [sflag:s22], $0x4000  }
0x4c: {  	[sflag:s22] =	ssyncset.done $0x0  }
0x4d: {  	s31 =	simm.s32 $0x1480;
	[sflag:s22] =	ssyncadd.s32 $0xFFFFC000  }
0x4e: {  	[spmem:s2] =	stream.indirect.scatter.add.f32 [tilespmem:s20], [sflag:$0x3], $0x80, s31, s19, $0xb8;
	[tilespmem:$0x1E800] =	vst v63  }
0x4f: {  	_ =	swait.ge [sflag:s17], $0x4000  }
0x50: {  	s28 =	simm.s32 $0x800;
	s26 =	simm.s32 $0x100;
	[sflag:s17] =	ssyncset.done $0x0  }
.LBB2_4:
0x51: {  	s29 =	sadd.s32 $0x80, s26  }
0x52: {  	[sflag:s17] =	ssyncadd.s32 $0xFFFFC000;
	s30 =	smov.u32 s28;
	s31 =	sadd.s32 $0x400, s28  }
0x53: {  	[tilespmem:s20], [sflag:$0x2] =	stream.indirect.gather [hbm4b:s4+s19], $0x80, s29, s19, $0xb8;
	[tilespmem:$0x1E800] =	vst v63  }
0x54: {  	p0 =	sne.s32 s28, $0x4800;
	_ =	swait.ge [sflag:s21], $0x4000  }
0x55: {  	[sflag:s21] =	ssyncset.done $0x0  }
0x56: {  	s28 =	sadd.s32 $0x1400, s26;
	[sflag:s21] =	ssyncadd.s32 $0xFFFFC000  }
0x57: {  	[spmem:s2] =	stream.indirect.scatter.add.f32 [tilespmem:s16], [sflag:$0x3], $0x80, s28, s19, $0xb8;
	[tilespmem:$0x1E800] =	vst v63  }
0x58: {  	_ =	swait.ge [sflag:s17], $0x4000  }
0x59: {  	[sflag:s17] =	ssyncset.done $0x0  }
0x5a: {  	s28 =	sadd.s32 $0x100, s26;
	[sflag:s17] =	ssyncadd.s32 $0xFFFFC000  }
0x5b: {  	[tilespmem:s16], [sflag:$0x1] =	stream.indirect.gather [hbm4b:s4+s19], $0x80, s28, s19, $0xb8;
	[tilespmem:$0x1E800] =	vst v63  }
0x5c: {  	_ =	swait.ge [sflag:s22], $0x4000  }
.Ltmp1:
0x5d: {  	[sflag:s22] =	ssyncset.done $0x0;
	(pc) =	sbr.rel @p0 .LBB2_4-.Ltmp1, $4  }
0x5e: {  	s26 =	sadd.s32 $0x1480, s26;
	[sflag:s22] =	ssyncadd.s32 $0xFFFFC000  }
0x5f: {  	[spmem:s2] =	stream.indirect.scatter.add.f32 [tilespmem:s20], [sflag:$0x3], $0x80, s26, s19, $0xb8;
	[tilespmem:$0x1E800] =	vst v63  }
0x60: {  	_ =	swait.ge [sflag:s17], $0x4000  }
0x61: {  	s28 =	smov.u32 s31;
	s26 =	sshra.s32 s30, $0x2;
	[sflag:s17] =	ssyncset.done $0x0  }
0x62: {  	s28 =	sadd.s32 $0x80, s26;
	[sflag:s17] =	ssyncadd.s32 $0xFFFFC000  }
0x63: {  	[tilespmem:s20], [sflag:$0x2] =	stream.indirect.gather [hbm4b:s4+s19], $0x80, s28, s19, $0xb8;
	[tilespmem:$0x1E800] =	vst v63  }
0x64: {  	_ =	swait.ge [sflag:s21], $0x4000  }
0x65: {  	[sflag:s21] =	ssyncset.done $0x0  }
0x66: {  	s28 =	sadd.s32 $0x1400, s26;
	[sflag:s21] =	ssyncadd.s32 $0xFFFFC000  }
0x67: {  	[spmem:s2] =	stream.indirect.scatter.add.f32 [tilespmem:s16], [sflag:$0x3], $0x80, s28, s19, $0xb8;
	[tilespmem:$0x1E800] =	vst v63  }
0x68: {  	_ =	swait.ge [sflag:s17], $0x4000  }
0x69: {  	[sflag:s17] =	ssyncset.done $0x0  }
0x6a: {  	s28 =	sadd.s32 $0x100, s26;
	[sflag:s17] =	ssyncadd.s32 $0xFFFFC000  }
0x6b: {  	[tilespmem:s16], [sflag:$0x1] =	stream.indirect.gather [hbm4b:s4+s19], $0x80, s28, s19, $0xb8;
	[tilespmem:$0x1E800] =	vst v63  }
0x6c: {  	_ =	swait.ge [sflag:s22], $0x4000  }
0x6d: {  	[sflag:s22] =	ssyncset.done $0x0  }
0x6e: {  	s29 =	sadd.s32 $0x1480, s26;
	[sflag:s22] =	ssyncadd.s32 $0xFFFFC000  }
0x6f: {  	[spmem:s2] =	stream.indirect.scatter.add.f32 [tilespmem:s20], [sflag:$0x3], $0x80, s29, s19, $0xb8;
	[tilespmem:$0x1E800] =	vst v63  }
0x70: {  	_ =	swait.ge [sflag:s17], $0x4000  }
0x71: {  	[sflag:s17] =	ssyncset.done $0x0  }
0x72: {  	[sflag:s17] =	ssyncadd.s32 $0xFFFFC000  }
0x73: {  	[tilespmem:s20], [sflag:$0x2] =	stream.indirect.gather [hbm4b:s4+s19], $0x80, s23, s19, $0xb8;
	[tilespmem:$0x1E800] =	vst v63  }
0x74: {  	_ =	swait.ge [sflag:s21], $0x4000  }
0x75: {  	[sflag:s21] =	ssyncset.done $0x0  }
0x76: {  	[sflag:s21] =	ssyncadd.s32 $0xFFFFC000  }
0x77: {  	[spmem:s2] =	stream.indirect.scatter.add.f32 [tilespmem:s16], [sflag:$0x3], $0x80, s24, s19, $0xb8;
	[tilespmem:$0x1E800] =	vst v63  }
0x78: {  	_ =	swait.ge [sflag:s17], $0x4000  }
0x79: {  	[sflag:s17] =	ssyncset.done $0x0  }
0x7a: {  	[sflag:s17] =	ssyncadd.s32 $0xFFFFC000  }
0x7b: {  	_ =	swait.ge [sflag:s22], $0x4000  }
0x7c: {  	[sflag:s22] =	ssyncset.done $0x0  }
0x7d: {  	[sflag:s22] =	ssyncadd.s32 $0xFFFFC000  }
0x7e: {  	[spmem:s2] =	stream.indirect.scatter.add.f32 [tilespmem:s20], [sflag:$0x3], $0x80, s25, s19, $0xb8;
	[tilespmem:$0x1E800] =	vst v63  }
0x7f: {  	_ =	swait.ge [sflag:s17], $0x4000  }
0x80: {  	[sflag:s17] =	ssyncset.done $0x0  }
0x81: {  	s30 =	simm.s32 $0x0;
	[sflag:s17] =	ssyncadd.s32 $0xFFFFC000  }
0x82: {  	[tilespmem:s30], [sflag:$0x3] =	stream.linear.gather [hbm4b:s12+s30], $0x1400, $0x38;
	[tilespmem:$0x1E800] =	vst v63  }
0x83: {  	_ =	swait.ge [sflag:s17], $0x1400  }
0x84: {  	[sflag:s17] =	ssyncset.done $0x0  }
0x85: {  	[sflag:s17] =	ssyncadd.s32 $0xFFFFEC00  }
0x86: {  	[tilespmem:s18], [sflag:$0x3] =	stream.linear.gather [hbm4b:s13+s30], $0x1400, $0x38;
	[tilespmem:$0x1E800] =	vst v63  }
0x87: {  	_ =	swait.ge [sflag:s17], $0x1400  }
0x88: {  	[sflag:s17] =	ssyncset.done $0x0  }
0x89: {  	[sflag:s17] =	ssyncadd.s32 $0xFFFFEC00  }
0x8a: {  	[tilespmem:s16], [sflag:$0x1] =	stream.indirect.gather [hbm4b:s4+s19], $0x80, s30, s19, $0xb8;
	[tilespmem:$0x1E800] =	vst v63  }
0x8b: {  	s31 =	simm.s32 $0x80  }
0x8c: {  	[tilespmem:s20], [sflag:$0x2] =	stream.indirect.gather [hbm4b:s4+s19], $0x80, s31, s19, $0xb8;
	[tilespmem:$0x1E800] =	vst v63  }
0x8d: {  	_ =	swait.ge [sflag:s21], $0x4000  }
0x8e: {  	[sflag:s21] =	ssyncset.done $0x0  }
0x8f: {  	s29 =	simm.s32 $0x1400;
	[sflag:s21] =	ssyncadd.s32 $0xFFFFC000  }
0x90: {  	[spmem:s2] =	stream.indirect.scatter.add.f32 [tilespmem:s16], [sflag:$0x3], $0x80, s29, s19, $0xb8;
	[tilespmem:$0x1E800] =	vst v63  }
0x91: {  	_ =	swait.ge [sflag:s17], $0x4000  }
0x92: {  	[sflag:s17] =	ssyncset.done $0x0  }
0x93: {  	s30 =	simm.s32 $0x100;
	[sflag:s17] =	ssyncadd.s32 $0xFFFFC000  }
0x94: {  	[tilespmem:s16], [sflag:$0x1] =	stream.indirect.gather [hbm4b:s4+s19], $0x80, s30, s19, $0xb8;
	[tilespmem:$0x1E800] =	vst v63  }
0x95: {  	_ =	swait.ge [sflag:s22], $0x4000  }
0x96: {  	[sflag:s22] =	ssyncset.done $0x0  }
0x97: {  	s31 =	simm.s32 $0x1480;
	[sflag:s22] =	ssyncadd.s32 $0xFFFFC000  }
0x98: {  	[spmem:s2] =	stream.indirect.scatter.add.f32 [tilespmem:s20], [sflag:$0x3], $0x80, s31, s19, $0xb8;
	[tilespmem:$0x1E800] =	vst v63  }
0x99: {  	_ =	swait.ge [sflag:s17], $0x4000  }
0x9a: {  	s26 =	simm.s32 $0x100;
	s28 =	simm.s32 $0x800;
	[sflag:s17] =	ssyncset.done $0x0  }
.LBB2_6:
0x9b: {  	s29 =	sadd.s32 $0x80, s26  }
0x9c: {  	[sflag:s17] =	ssyncadd.s32 $0xFFFFC000;
	s30 =	smov.u32 s28;
	s31 =	sadd.s32 $0x400, s28  }
0x9d: {  	[tilespmem:s20], [sflag:$0x2] =	stream.indirect.gather [hbm4b:s4+s19], $0x80, s29, s19, $0xb8;
	[tilespmem:$0x1E800] =	vst v63  }
0x9e: {  	p0 =	sne.s32 s28, $0x4800;
	_ =	swait.ge [sflag:s21], $0x4000  }
0x9f: {  	[sflag:s21] =	ssyncset.done $0x0  }
0xa0: {  	s28 =	sadd.s32 $0x1400, s26;
	[sflag:s21] =	ssyncadd.s32 $0xFFFFC000  }
0xa1: {  	[spmem:s2] =	stream.indirect.scatter.add.f32 [tilespmem:s16], [sflag:$0x3], $0x80, s28, s19, $0xb8;
	[tilespmem:$0x1E800] =	vst v63  }
0xa2: {  	_ =	swait.ge [sflag:s17], $0x4000  }
0xa3: {  	[sflag:s17] =	ssyncset.done $0x0  }
0xa4: {  	s28 =	sadd.s32 $0x100, s26;
	[sflag:s17] =	ssyncadd.s32 $0xFFFFC000  }
0xa5: {  	[tilespmem:s16], [sflag:$0x1] =	stream.indirect.gather [hbm4b:s4+s19], $0x80, s28, s19, $0xb8;
	[tilespmem:$0x1E800] =	vst v63  }
0xa6: {  	_ =	swait.ge [sflag:s22], $0x4000  }
.Ltmp2:
0xa7: {  	[sflag:s22] =	ssyncset.done $0x0;
	(pc) =	sbr.rel @p0 .LBB2_6-.Ltmp2, $4  }
0xa8: {  	s26 =	sadd.s32 $0x1480, s26;
	[sflag:s22] =	ssyncadd.s32 $0xFFFFC000  }
0xa9: {  	[spmem:s2] =	stream.indirect.scatter.add.f32 [tilespmem:s20], [sflag:$0x3], $0x80, s26, s19, $0xb8;
	[tilespmem:$0x1E800] =	vst v63  }
0xaa: {  	_ =	swait.ge [sflag:s17], $0x4000  }
0xab: {  	s28 =	smov.u32 s31;
	s26 =	sshra.s32 s30, $0x2;
	[sflag:s17] =	ssyncset.done $0x0  }
0xac: {  	s28 =	sadd.s32 $0x80, s26;
	[sflag:s17] =	ssyncadd.s32 $0xFFFFC000  }
0xad: {  	[tilespmem:s20], [sflag:$0x2] =	stream.indirect.gather [hbm4b:s4+s19], $0x80, s28, s19, $0xb8;
	[tilespmem:$0x1E800] =	vst v63  }
0xae: {  	_ =	swait.ge [sflag:s21], $0x4000  }
0xaf: {  	[sflag:s21] =	ssyncset.done $0x0  }
0xb0: {  	s30 =	sadd.s32 $0x1400, s26;
	[sflag:s21] =	ssyncadd.s32 $0xFFFFC000  }
0xb1: {  	[spmem:s2] =	stream.indirect.scatter.add.f32 [tilespmem:s16], [sflag:$0x3], $0x80, s30, s19, $0xb8;
	[tilespmem:$0x1E800] =	vst v63  }
0xb2: {  	_ =	swait.ge [sflag:s17], $0x4000  }
0xb3: {  	[sflag:s17] =	ssyncset.done $0x0  }
0xb4: {  	s31 =	sadd.s32 $0x100, s26;
	[sflag:s17] =	ssyncadd.s32 $0xFFFFC000  }
0xb5: {  	[tilespmem:s16], [sflag:$0x1] =	stream.indirect.gather [hbm4b:s4+s19], $0x80, s31, s19, $0xb8;
	[tilespmem:$0x1E800] =	vst v63  }
0xb6: {  	_ =	swait.ge [sflag:s22], $0x4000  }
0xb7: {  	[sflag:s22] =	ssyncset.done $0x0  }
0xb8: {  	s29 =	sadd.s32 $0x1480, s26;
	[sflag:s22] =	ssyncadd.s32 $0xFFFFC000  }
0xb9: {  	[spmem:s2] =	stream.indirect.scatter.add.f32 [tilespmem:s20], [sflag:$0x3], $0x80, s29, s19, $0xb8;
	[tilespmem:$0x1E800] =	vst v63  }
0xba: {  	_ =	swait.ge [sflag:s17], $0x4000  }
0xbb: {  	[sflag:s17] =	ssyncset.done $0x0  }
0xbc: {  	[sflag:s17] =	ssyncadd.s32 $0xFFFFC000  }
0xbd: {  	[tilespmem:s20], [sflag:$0x2] =	stream.indirect.gather [hbm4b:s4+s19], $0x80, s23, s19, $0xb8;
	[tilespmem:$0x1E800] =	vst v63  }
0xbe: {  	_ =	swait.ge [sflag:s21], $0x4000  }
0xbf: {  	[sflag:s21] =	ssyncset.done $0x0  }
0xc0: {  	[sflag:s21] =	ssyncadd.s32 $0xFFFFC000  }
0xc1: {  	[spmem:s2] =	stream.indirect.scatter.add.f32 [tilespmem:s16], [sflag:$0x3], $0x80, s24, s19, $0xb8;
	[tilespmem:$0x1E800] =	vst v63  }
0xc2: {  	_ =	swait.ge [sflag:s17], $0x4000  }
0xc3: {  	[sflag:s17] =	ssyncset.done $0x0  }
0xc4: {  	[sflag:s17] =	ssyncadd.s32 $0xFFFFC000  }
0xc5: {  	_ =	swait.ge [sflag:s22], $0x4000  }
0xc6: {  	[sflag:s22] =	ssyncset.done $0x0  }
0xc7: {  	[sflag:s22] =	ssyncadd.s32 $0xFFFFC000  }
0xc8: {  	[spmem:s2] =	stream.indirect.scatter.add.f32 [tilespmem:s20], [sflag:$0x3], $0x80, s25, s19, $0xb8;
	[tilespmem:$0x1E800] =	vst v63  }
0xc9: {  	_ =	swait.ge [sflag:s17], $0x4000  }
0xca: {  	s3 =	sadd.s32 $0x1, s3;
	s30 =	sshll.u32 s1, $0x6;
	[sflag:s17] =	ssyncset.done $0x0  }
0xcb: {  	p0 =	sne.s32 s3, s15;
	s26 =	sor.u32 $0x1C03, s30;
	[sflag:s17] =	ssyncadd.s32 $0xFFFFC000  }
.Ltmp3:
0xcc: {  	s31 =	sshrl.u32 s5, $0x3;
	[bflag:$0x0] =	sbarrier.arrive $0xFFFF;
	(pc) =	sbr.rel @p0 .LBB2_1-.Ltmp3, $4  }
0xcd: {  	[hbm:s14], [sflag:s26] =	dma.local [spmem:s31], $0x2800  }
0xce: {  	_ =	swait.ge [sflag:s17], $0x2800  }
0xcf: {  	[sflag:s17] =	ssyncset.done $0x0  }
0xd0: {  	[sflag:s17] =	ssyncadd.s32 $0xFFFFD800  }
0xd1: {  	_ =	sfence.sel $0x180000  }
0xd2: {  	[bflag:$0x0] =	sbarrier.arrive $0xFFFF  }
0xd3: {  	p0 =	sne.s32 s1, $0x0;
	_ =	strace $0x9000004D  }
0xd4: {  	s0 =	sadd.s32 @!p0 $0x100000, s0;
	[bflag:$0x2] =	sbarrier.arrive $0xFFFF  }
0xd5: {  	[sflag:s0] =	ssyncadd.tile.s32 @!p0 $0x1;
	_ =	shalt  }
.Lfunc_end2:
_tile_overlayer_lowered:
.L_overlay_start_2:
0xd6: {  	(tag) =	ssettag $0x2  }
0xd7: {  	s0 =	rddreg [dreg:$0x0];
	s2 =	stileid.u32  }
0xd8: {  	s1 =	rddreg [dreg:$0x1];
	p0 =	sne.s32 s2, $0x0  }
0xd9: {  	s3 =	rddreg [dreg:$0x2];
	[bflag:$0x3] =	sbarrier.arrive $0xFFFF;
	s2 =	simm.s32 @!p0 $0x1C03  }
0xda: {  	[timem:s3], [sflag:s2] =	dma.local @!p0 [hbm:s0], s1  }
0xdb: {  	s0 =	simm.s32 @!p0 $0x3  }
0xdc: {  	_ =	swait.ge @!p0 [sflag:s0], s1  }
0xdd: {  	s1 =	ssub.s32 @!p0 $0x0, s1;
	[sflag:s0] =	ssyncset.done @!p0 $0x0  }
0xde: {  	[sflag:s0] =	ssyncadd.s32 @!p0 s1  }
0xdf: {  	[bflag:$0x3] =	sbarrier.arrive $0xFFFF  }
0xe0: {  	_ =	shalt  }

// kernel: kernel.8.cloned.1.call-start
scs
__scs_entry_jumppad:
0x0: {  	(pc) =	sbr.rel $0x88, $3  }
0x1: {  	(tag) =	ssettag $0x0;
	lr =	simm.s32 $0x1  }
0x2: {  	[smem:$0x3F9A] =	sst lr;
	_ =	strace $0xD0000000  }
0x3: {  	_ = 	snop  }
0x4: {  	_ = 	snop  }
0x5: {  	_ = 	snop  }
0x6: {  	_ = 	snop  }
0x7: {  	_ = 	snop  }
__scs_overlays_trampoline_lowered:
0x8: {  	[smem:$0x3FA9] =	sst s0  }
0x9: {  	[smem:$0x3FAA] =	sst s1  }
0xa: {  	[smem:$0x3FAB] =	sst s2  }
0xb: {  	[smem:$0x3FAC] =	sst s3  }
0xc: {  	[smem:$0x3FAD] =	sst s4  }
0xd: {  	[smem:$0x3FAE] =	sst s5  }
0xe: {  	[smem:$0x3FAF] =	sst s6  }
0xf: {  	[smem:$0x3FB0] =	sst s7  }
0x10: {  	[smem:$0x3FB1] =	sst s8  }
0x11: {  	[smem:$0x3FB2] =	sst s9;
	s0 =	simm.s32 @!p0 $0x0  }
0x12: {  	s1 =	sld [smem:$0x3F98];
	s0 =	simm.s32 @p0 $0x1  }
0x13: {  	[smem:$0x3FB3] =	sst s0;
	s0 =	simm.s32 @!p1 $0x0  }
0x14: {  	s2 =	sld [smem:$0x3F97];
	s0 =	simm.s32 @p1 $0x1  }
0x15: {  	[smem:$0x3FB4] =	sst s0;
	s0 =	simm.s32 @!p2 $0x0  }
0x16: {  	s3 =	sld [smem:$0x3FDB];
	s0 =	simm.s32 @p2 $0x1  }
0x17: {  	s4 =	simm.s32 $0x1BF5;
	[smem:$0x3FB6] =	sst s0  }
0x18: {  	s0 =	sld [smem:$0x3F99];
	_ =	swait.ge [sflag:s4], $0x0  }
0x19: {  	s7 =	sld [smem:$0x3F9A]  }
0x1a: {  	s8 =	sadd.s32 $0xFFFFE003, lr  }
0x1b: {  	s9 =	sadd.s32 $0xFFFFFEF7, lr;
	s5 =	simm.s32 $0xFFFFFFFF;
	p2 =	slt.u32 s8, $0xFFFFF086  }
0x1c: {  	p1 =	slt.u32 s9, $0xF7A;
	s5 =	simm.s32 @!p2 $0x0  }
0x1d: {  	s5 =	simm.s32 @p1 $0x1;
	p0 =	seq.s32 s7, s2  }
0x1e: {  	s7 =	smul.u32 @!p0 $0xF7A, s2;
	p2 =	seq.s32 @!p0 s5, $0x0  }
0x1f: {  	s9 =	smul.u32 $0xF7A, s1;
	s8 =	simm.s32 @!p0 $0x1BF5;
	p2 =	por !p2, p0  }
0x20: {  	[sflag:s8] =	ssyncset.s32 @!p0 $0xFFFFF086;
	s6 =	sadd.s32 @!p0 s3, s7;
	s7 =	simm.s32 @!p0 $0x108  }
0x21: {  	s3 =	sadd.s32 s3, s9;
	s6 =	sadd.s32 @!p0 $0x88, s6;
	s7 =	simm.s32 @p2 $0x1082  }
0x22: {  	[simem:s7], [sflag:s8] =	dma.local @!p0 [hbm:s6], $0xF7A  }
0x23: {  	s9 =	sor.u32 $0xD0000000, s2;
	s6 =	simm.s32 $0x108;
	_ =	swait.ge @!p0 [sflag:s8], $0x0  }
0x24: {  	s3 =	sadd.s32 $0x88, s3;
	s6 =	simm.s32 @!p1 $0x1082;
	[sflag:s4] =	ssyncset.s32 $0xFFFFF086  }
0x25: {  	[simem:s6], [sflag:s4] =	dma.local [hbm:s3], $0xF7A  }
0x26: {  	[smem:$0x3F9A] =	sst s1;
	(tag) =	ssettag s2;
	_ =	strace s9  }
0x27: {  	s1 =	sld [smem:$0x3FAA]  }
0x28: {  	s2 =	sld [smem:$0x3FAB]  }
0x29: {  	s4 =	sld [smem:$0x3FAD]  }
0x2a: {  	p0 =	seq.s32 s5, $0x0;
	s5 =	sld [smem:$0x3FAE]  }
0x2b: {  	s6 =	sld [smem:$0x3FAF]  }
0x2c: {  	s7 =	sld [smem:$0x3FB0]  }
0x2d: {  	s3 =	simm.s32 $0x108;
	s8 =	sld [smem:$0x3FB1]  }
0x2e: {  	s3 =	simm.s32 @!p0 $0x1082;
	s9 =	sld [smem:$0x3FB2]  }
0x2f: {  	lr =	sadd.s32 s0, s3;
	s0 =	sld [smem:$0x3FA9]  }
0x30: {  	s3 =	sld [smem:$0x3FAC]  }
0x31: {  	[smem:$0x3FB5] =	sst s10  }
0x32: {  	s10 =	sld [smem:$0x3FB3];
	_ =	sdelay $0x3  }
0x33: {  	p0 =	seq.s32 s10, $0x1;
	s10 =	sld [smem:$0x3FB5];
	_ =	sdelay $0x3  }
0x34: {  	[smem:$0x3FB5] =	sst s10  }
0x35: {  	s10 =	sld [smem:$0x3FB4];
	_ =	sdelay $0x3  }
0x36: {  	p1 =	seq.s32 s10, $0x1;
	s10 =	sld [smem:$0x3FB5];
	_ =	sdelay $0x3  }
0x37: {  	[smem:$0x3FB5] =	sst s10  }
0x38: {  	s10 =	sld [smem:$0x3FB6]  }
0x39: {  	_ = 	snop;
	(pc) =	sbr.ind lr, $3  }
0x3a: {  	_ = 	snop  }
0x3b: {  	_ = 	snop  }
0x3c: {  	p2 =	seq.s32 s10, $0x1;
	s10 =	sld [smem:$0x3FB5]  }
0x3d: {  	_ =	shalt  }
0x3e: {  	_ =	shalt  }
0x3f: {  	_ =	shalt  }
0x40: {  	_ =	shalt  }
0x41: {  	_ =	shalt  }
0x42: {  	_ =	shalt  }
0x43: {  	_ =	shalt  }
0x44: {  	_ =	shalt  }
0x45: {  	_ =	shalt  }
0x46: {  	_ =	shalt  }
0x47: {  	_ =	shalt  }
0x48: {  	_ =	shalt  }
0x49: {  	_ =	shalt  }
0x4a: {  	_ =	shalt  }
0x4b: {  	_ =	shalt  }
0x4c: {  	_ =	shalt  }
0x4d: {  	_ =	shalt  }
0x4e: {  	_ =	shalt  }
0x4f: {  	_ =	shalt  }
0x50: {  	_ =	shalt  }
0x51: {  	_ =	shalt  }
0x52: {  	_ =	shalt  }
0x53: {  	_ =	shalt  }
0x54: {  	_ =	shalt  }
0x55: {  	_ =	shalt  }
0x56: {  	_ =	shalt  }
0x57: {  	_ =	shalt  }
0x58: {  	_ =	shalt  }
0x59: {  	_ =	shalt  }
0x5a: {  	_ =	shalt  }
0x5b: {  	_ =	shalt  }
0x5c: {  	_ =	shalt  }
0x5d: {  	_ =	shalt  }
0x5e: {  	_ =	shalt  }
0x5f: {  	_ =	shalt  }
0x60: {  	_ =	shalt  }
0x61: {  	_ =	shalt  }
0x62: {  	_ =	shalt  }
0x63: {  	_ =	shalt  }
0x64: {  	_ =	shalt  }
0x65: {  	_ =	shalt  }
0x66: {  	_ =	shalt  }
0x67: {  	_ =	shalt  }
0x68: {  	_ =	shalt  }
0x69: {  	_ =	shalt  }
0x6a: {  	_ =	shalt  }
0x6b: {  	_ =	shalt  }
0x6c: {  	_ =	shalt  }
0x6d: {  	_ =	shalt  }
0x6e: {  	_ =	shalt  }
0x6f: {  	_ =	shalt  }
0x70: {  	_ =	shalt  }
0x71: {  	_ =	shalt  }
0x72: {  	_ =	shalt  }
0x73: {  	_ =	shalt  }
0x74: {  	_ =	shalt  }
0x75: {  	_ =	shalt  }
0x76: {  	_ =	shalt  }
0x77: {  	_ =	shalt  }
0x78: {  	_ =	shalt  }
0x79: {  	_ =	shalt  }
0x7a: {  	_ =	shalt  }
0x7b: {  	_ =	shalt  }
0x7c: {  	_ =	shalt  }
0x7d: {  	_ =	shalt  }
0x7e: {  	_ =	shalt  }
0x7f: {  	_ =	shalt  }
0x80: {  	_ =	shalt  }
0x81: {  	_ =	shalt  }
0x82: {  	_ =	shalt  }
0x83: {  	_ =	shalt  }
0x84: {  	_ =	shalt  }
0x85: {  	_ =	shalt  }
0x86: {  	_ =	shalt  }
0x87: {  	_ =	shalt  }
.Lfunc_end0:
.L_simem_size_0:
called_computation_lowered:
.L_overlay_start_0:
0x88: {  	s2 =	sld [smem:$0x3FD9]  }
0x89: {  	s3 =	sld [smem:$0x3FFE];
	_ =	sdelay $0x1  }
0x8a: {  	s1 =	srdreg.scid  }
0x8b: {  	s0 =	sand.u32 $0x1, s1  }
0x8c: {  	s16 =	sshll.u32 s0, $0xA;
	s2 =	sadd.s32 s3, s2  }
0x8d: {  	s2 =	sadd.s32 s2, s16  }
0x8e: {  	[smem:$0x3FC1] =	sst s2  }
0x8f: {  	_ = 	snop  }
0x90: {  	(tm) =	ssettm $0x1  }
0x91: {  	s17 =	sld [smem:$0x3FFB];
	_ =	sdelay $0x3  }
0x92: {  	_ =	strace s17  }
0x93: {  	s2 =	sld [smem:$0x3FFC];
	_ =	sdelay $0x3  }
0x94: {  	_ =	strace s2  }
0x95: {  	s2 =	sld [smem:$0x3FFD];
	_ =	sdelay $0x3  }
0x96: {  	_ =	strace s2  }
0x97: {  	_ =	strace $0x8FFFFFFF  }
0x98: {  	s18 =	sld [smem:$0x3FDB];
	_ =	sdelay $0x1  }
0x99: {  	s19 =	simm.s32 $_scs_section_size  }
0x9a: {  	s4 =	simm.s32 $_size__tile_overlayer_lowered;
	s5 =	simm.s32 $_tile_overlayer_lowered  }
0x9b: {  	s22 =	simm.s32 $0x1BFF;
	s21 =	sshll.u32 s5, $0x1;
	s2 =	sadd.s32 s19, s18  }
0x9c: {  	s6 =	simm.s32 $0x0;
	s20 =	sshll.u32 s4, $0x1;
	s4 =	sadd.s32 s21, s2  }
0x9d: {  	[timem:s6], [sflag:s22] =	dma.local [hbm:s4], s20  }
0x9e: {  	_ =	swait.ge [sflag:s22], s20  }
0x9f: {  	s3 =	ssub.s32 $0x0, s20;
	[sflag:s22] =	ssyncset.done $0x0  }
0xa0: {  	[sflag:s22] =	ssyncadd.s32 s3;
	_ =	sdelay $0x1  }
0xa1: {  	s23 =	simm.s32 $0x1B8B  }
0xa2: {  	_ =	swait.ge [sflag:s23], $0x1  }
0xa3: {  	[sflag:s23] =	ssyncset.done $0x0  }
0xa4: {  	s25 =	simm.s32 $0x1B8E;
	s24 =	sld [smem:$0x3FFE];
	[sflag:s23] =	ssyncadd.s32 $0xFFFFFFFF  }
0xa5: {  	s26 =	simm.s32 $execute0_lowered;
	[smem:$0x3FD2] =	sst s25  }
0xa6: {  	s4 =	sshll.u32 s26, $0x1;
	_ =	strace $0x80000046;
	[dreg:$0x1] =	wrdreg $0xFFFFFFFF  }
0xa7: {  	s28 =	simm.s32 $_size_execute0_lowered;
	s2 =	sadd.s32 s2, s4;
	[dreg:$0x0] =	wrdreg $0x0  }
0xa8: {  	s4 =	sshll.u32 s28, $0x1;
	[dreg:$0x2] =	wrdreg s2  }
0xa9: {  	[dreg:$0x3] =	wrdreg s4  }
0xaa: {  	[dreg:$0x4] =	wrdreg $0xC0  }
0xab: {  	_ =	task [dreg:s6], $0x5FFFF  }
0xac: {  	[dreg:$0x1] =	wrdreg $0xFFFFFFFF  }
0xad: {  	[dreg:$0x0] =	wrdreg $0x60  }
0xae: {  	[dreg:$0x2] =	wrdreg s24  }
0xaf: {  	[dreg:$0x3] =	wrdreg $0x68000  }
0xb0: {  	[dreg:$0x4] =	wrdreg $0x9  }
0xb1: {  	_ =	task.clear_ibuf [dreg:s6], $0x5FFFF;
	_ =	strace $0x90000046  }
0xb2: {  	s29 =	simm.s32 $0x9;
	_ =	strace $0x80000048  }
0xb3: {  	_ =	swait.ge [sflag:s29], $0x1  }
0xb4: {  	[sflag:s29] =	ssyncadd.s32 $0xFFFFFFFF  }
0xb5: {  	_ =	strace $0x90000048  }
0xb6: {  	_ =	sfence  }
0xb7: {  	s30 =	sld [smem:$0x0];
	_ =	sdelay $0x2  }
0xb8: {  	s31 =	sshll.u32 s1, $0xD;
	s1 =	sshrl.u32 s1, $0x2  }
0xb9: {  	s3 =	sand.u32 $0x4000, s31;
	s1 =	sadd.s32 s1, s30  }
0xba: {  	s0 =	sor.u32 s3, s0;
	s1 =	sshll.u32 s1, $0x11  }
0xbb: {  	s0 =	sor.u32 s1, s0  }
0xbc: {  	s0 =	sadd.s32 $0x8F2B, s0  }
0xbd: {  	[sflag:s0] =	ssyncadd.remote.s32 $0x1  }
0xbe: {  	_ =	sfence.sel $0xFFFF  }
0xbf: {  	[dreg:$0x0] =	wrdreg $0xFFFFFFFF;
	(pc) =	sbr.abs _section_cstart, $3  }
0xc0: {  	[dreg:$0x1] =	wrdreg $0xFFFFFFFF  }
0xc1: {  	_ =	task.clear_ibuf [dreg:s6], $0x2FFFF;
	_ =	strace $0x9FFFFFFF  }
0xc2: {  	(tm) =	ssettm $0x7FFFFFFF  }
0xc3: {  	_ =	shalt  }
tec
execute0_lowered:
.L_overlay_start_1:
0x0: {  	(tag) =	ssettag $0x1  }
0x1: {  	s0 =	srdreg.scid;
	s5 =	rddreg [dreg:$0x0]  }
0x2: {  	s2 =	rddreg [dreg:$0x1];
	s4 =	sand.u32 $0x1, s0  }
0x3: {  	s3 =	simm.s32 $0x0;
	s0 =	stileid.u32;
	s7 =	smul.u32 $0x140000, s4  }
0x4: {  	s13 =	simm.s32 $0x1;
	s14 =	simm.s32 $0x80;
	s8 =	smul.u32 $0x14000, s0  }
0x5: {  	[smem:$0x7FF] =	sst s3;
	s1 =	sshll.u32 s4, $0x4;
	s9 =	smul.u32 $0x50000, s0  }
0x6: {  	s29 =	ssub.s32 $0x2, s4;
	s15 =	sshll.u32 s0, $0x6;
	s1 =	sor.u32 s0, s1  }
0x7: {  	s31 =	sshrl.u32 s29, $0x1;
	s15 =	sor.u32 $0x1C01, s15;
	s6 =	smul.u32 $0x500, s1  }
0x8: {  	s1 =	rddreg [dreg:$0x2];
	_ =	strace $0x80000047;
	s30 =	sshrl.u32 s9, $0x2  }
0x9: {  	s28 =	sadd.s32 s8, s7;
	s12 =	ssub.s32 s29, s31;
	s4 =	sadd.s32 s30, s2  }
0xa: {  	s10 =	sadd.s32 s6, s5;
	s6 =	sshrl.u32 s28, $0x3;
	s7 =	sadd.s32 $0xC000, s4  }
0xb: {  	s8 =	sadd.s32 $0x10000, s4;
	s16 =	sshrl.u32 s4, $0x3;
	s11 =	sadd.s32 s6, s5  }
0xc: {  	s5 =	sadd.s32 $0x4000, s4;
	s6 =	sadd.s32 $0x8000, s4;
	s9 =	sadd.s32 $0x2A00, s10  }
0xd: {  	v0 =	vimm.f32 $0.0e+00;
	v1 =	vimm.f32 $1.000000000e+00;
	s10 =	sadd.s32 $0x16A00, s11;
	s11 =	smax.u32 s12, $0x1;
	s12 =	simm.s32 $0x2800  }
.LBB2_1:
0xe: {  	s17 =	simm.s32 $0x0;
	s18 =	simm.s32 $0x200  }
.LBB2_2:
0xf: {  	p0 =	sne.s32 s18, $0xFE00;
	[tilespmem:s17+$0x2870] =	vst v0  }
0x10: {  	[tilespmem:s17+$0x2800] =	vst v0  }
0x11: {  	[tilespmem:s17+$0x2810] =	vst v0  }
.Ltmp0:
0x12: {  	[tilespmem:s17+$0x2820] =	vst v0;
	(pc) =	sbr.rel @p0 .LBB2_2-.Ltmp0, $4  }
0x13: {  	[tilespmem:s17+$0x2830] =	vst v0  }
0x14: {  	[tilespmem:s17+$0x2840] =	vst v0  }
0x15: {  	[tilespmem:s17+$0x2850] =	vst v0  }
0x16: {  	[tilespmem:s17+$0x2860] =	vst v0;
	s17 =	sshra.s32 s18, $0x2;
	s18 =	sadd.s32 $0x200, s18  }
0x17: {  	[tilespmem:s17+$0x2870] =	vst v0  }
0x18: {  	[tilespmem:s17+$0x2800] =	vst v0  }
0x19: {  	[tilespmem:s17+$0x2810] =	vst v0  }
0x1a: {  	[tilespmem:s17+$0x2820] =	vst v0  }
0x1b: {  	[tilespmem:s17+$0x2830] =	vst v0  }
0x1c: {  	[tilespmem:s17+$0x2840] =	vst v0  }
0x1d: {  	[tilespmem:s17+$0x2850] =	vst v0  }
0x1e: {  	[tilespmem:s17+$0x2860] =	vst v0  }
0x1f: {  	[spmem:s4] =	stream.linear.scatter [tilespmem:s12], [sflag:$0x1], $0x4000, $0x38;
	[tilespmem:$0x1A800] =	vst v63  }
0x20: {  	_ =	swait.ge [sflag:s13], $0x4000  }
0x21: {  	[sflag:s13] =	ssyncset.done $0x0  }
0x22: {  	[sflag:s13] =	ssyncadd.s32 $0xFFFFC000  }
0x23: {  	[spmem:s5] =	stream.linear.scatter [tilespmem:s12], [sflag:$0x1], $0x4000, $0x38;
	[tilespmem:$0x1A800] =	vst v63  }
0x24: {  	_ =	swait.ge [sflag:s13], $0x4000  }
0x25: {  	[sflag:s13] =	ssyncset.done $0x0  }
0x26: {  	[sflag:s13] =	ssyncadd.s32 $0xFFFFC000  }
0x27: {  	[spmem:s6] =	stream.linear.scatter [tilespmem:s12], [sflag:$0x1], $0x4000, $0x38;
	[tilespmem:$0x1A800] =	vst v63  }
0x28: {  	_ =	swait.ge [sflag:s13], $0x4000  }
0x29: {  	[sflag:s13] =	ssyncset.done $0x0  }
0x2a: {  	[sflag:s13] =	ssyncadd.s32 $0xFFFFC000  }
0x2b: {  	[spmem:s7] =	stream.linear.scatter [tilespmem:s12], [sflag:$0x1], $0x4000, $0x38;
	[tilespmem:$0x1A800] =	vst v63  }
0x2c: {  	_ =	swait.ge [sflag:s13], $0x4000  }
0x2d: {  	[sflag:s13] =	ssyncset.done $0x0  }
0x2e: {  	[sflag:s13] =	ssyncadd.s32 $0xFFFFC000  }
0x2f: {  	[spmem:s8] =	stream.linear.scatter [tilespmem:s12], [sflag:$0x1], $0x4000, $0x38;
	[tilespmem:$0x1A800] =	vst v63  }
0x30: {  	_ =	swait.ge [sflag:s13], $0x4000  }
0x31: {  	[sflag:s13] =	ssyncset.done $0x0  }
0x32: {  	s17 =	simm.s32 $0x0;
	s18 =	simm.s32 $0x200;
	[sflag:s13] =	ssyncadd.s32 $0xFFFFC000  }
.LBB2_4:
0x33: {  	p0 =	sne.s32 s18, $0xFE00;
	[tilespmem:s17+$0x2870] =	vst v1  }
0x34: {  	[tilespmem:s17+$0x2800] =	vst v1  }
0x35: {  	[tilespmem:s17+$0x2810] =	vst v1  }
.Ltmp1:
0x36: {  	[tilespmem:s17+$0x2820] =	vst v1;
	(pc) =	sbr.rel @p0 .LBB2_4-.Ltmp1, $4  }
0x37: {  	[tilespmem:s17+$0x2830] =	vst v1  }
0x38: {  	[tilespmem:s17+$0x2840] =	vst v1  }
0x39: {  	[tilespmem:s17+$0x2850] =	vst v1  }
0x3a: {  	[tilespmem:s17+$0x2860] =	vst v1;
	s17 =	sshra.s32 s18, $0x2;
	s18 =	sadd.s32 $0x200, s18  }
0x3b: {  	[tilespmem:s17+$0x2870] =	vst v1  }
0x3c: {  	[tilespmem:s17+$0x2800] =	vst v1  }
0x3d: {  	[tilespmem:s17+$0x2810] =	vst v1  }
0x3e: {  	[tilespmem:s17+$0x2820] =	vst v1  }
0x3f: {  	[tilespmem:s17+$0x2830] =	vst v1  }
0x40: {  	[tilespmem:s17+$0x2840] =	vst v1  }
0x41: {  	[tilespmem:s17+$0x2850] =	vst v1  }
0x42: {  	[tilespmem:s17+$0x2860] =	vst v1  }
0x43: {  	s30 =	simm.s32 $0x0;
	[bflag:$0x0] =	sbarrier.arrive $0xFFFF  }
0x44: {  	[tilespmem:s30], [sflag:$0x1] =	stream.linear.gather [hbm4b:s9+s30], $0x2800, $0x38;
	[tilespmem:$0x1A800] =	vst v63  }
0x45: {  	_ =	swait.ge [sflag:s13], $0x2800  }
0x46: {  	[sflag:s13] =	ssyncset.done $0x0  }
0x47: {  	s31 =	simm.s32 $0x0;
	[sflag:s13] =	ssyncadd.s32 $0xFFFFD800  }
0x48: {  	[spmem:s2] =	stream.indirect.scatter.add.f32 [tilespmem:s12], [sflag:$0x1], $0x80, s31, s14, $0xb8;
	[tilespmem:$0x1A800] =	vst v63  }
0x49: {  	_ =	swait.ge [sflag:s13], $0x4000  }
0x4a: {  	s17 =	simm.s32 $0x200;
	[sflag:s13] =	ssyncset.done $0x0  }
.LBB2_6:
0x4b: {  	s18 =	sshra.s32 s17, $0x2;
	[sflag:s13] =	ssyncadd.s32 $0xFFFFC000;
	p0 =	sne.s32 s17, $0x9E00  }
0x4c: {  	[spmem:s2] =	stream.indirect.scatter.add.f32 [tilespmem:s12], [sflag:$0x1], $0x80, s18, s14, $0xb8;
	[tilespmem:$0x1A800] =	vst v63  }
.Ltmp2:
0x4d: {  	_ = 	snop;
	(pc) =	sbr.rel @p0 .LBB2_6-.Ltmp2, $4  }
0x4e: {  	_ = 	snop  }
0x4f: {  	s17 =	sadd.s32 $0x200, s17  }
0x50: {  	_ =	swait.ge [sflag:s13], $0x4000  }
0x51: {  	[sflag:s13] =	ssyncset.done $0x0  }
0x52: {  	s3 =	sadd.s32 $0x1, s3  }
0x53: {  	[sflag:s13] =	ssyncadd.s32 $0xFFFFC000;
	p0 =	sne.s32 s3, s11  }
.Ltmp3:
0x54: {  	[bflag:$0x0] =	sbarrier.arrive $0xFFFF;
	(pc) =	sbr.rel @p0 .LBB2_1-.Ltmp3, $4  }
0x55: {  	[hbm:s10], [sflag:s15] =	dma.local [spmem:s16], $0x2800  }
0x56: {  	_ =	swait.ge [sflag:s13], $0x2800  }
0x57: {  	[sflag:s13] =	ssyncset.done $0x0  }
0x58: {  	[sflag:s13] =	ssyncadd.s32 $0xFFFFD800  }
0x59: {  	_ =	sfence.sel $0x180000  }
0x5a: {  	[bflag:$0x0] =	sbarrier.arrive $0xFFFF  }
0x5b: {  	p0 =	sne.s32 s0, $0x0;
	_ =	strace $0x90000047  }
0x5c: {  	s0 =	sadd.s32 @!p0 $0x100000, s1;
	[bflag:$0x2] =	sbarrier.arrive $0xFFFF  }
0x5d: {  	[sflag:s0] =	ssyncadd.tile.s32 @!p0 $0x1;
	_ =	shalt  }
.Lfunc_end2:
_tile_overlayer_lowered:
.L_overlay_start_2:
0x5e: {  	(tag) =	ssettag $0x2  }
0x5f: {  	s0 =	rddreg [dreg:$0x0];
	s2 =	stileid.u32  }
0x60: {  	s1 =	rddreg [dreg:$0x1];
	p0 =	sne.s32 s2, $0x0  }
0x61: {  	s3 =	rddreg [dreg:$0x2];
	[bflag:$0x3] =	sbarrier.arrive $0xFFFF;
	s2 =	simm.s32 @!p0 $0x1C01  }
0x62: {  	[timem:s3], [sflag:s2] =	dma.local @!p0 [hbm:s0], s1  }
0x63: {  	s0 =	simm.s32 @!p0 $0x1  }
0x64: {  	_ =	swait.ge @!p0 [sflag:s0], s1  }
0x65: {  	s1 =	ssub.s32 @!p0 $0x0, s1;
	[sflag:s0] =	ssyncset.done @!p0 $0x0  }
0x66: {  	[sflag:s0] =	ssyncadd.s32 @!p0 s1  }
0x67: {  	[bflag:$0x3] =	sbarrier.arrive $0xFFFF  }
0x68: {  	_ =	shalt  }

</sc_bundles>
